<compile_context>
chip_gen: v7x
topology: tpu7x:2x2x1
jax: 0.10.2.dev20260603
libtpu: 0.0.44.dev20260713+nightly
codegen_flags: <defaults>
</compile_context>

<pallas_src>
import functools

import jax
import jax.numpy as jnp
from jax import lax
from jax.experimental import pallas as pl
from jax.experimental.pallas import tpu as pltpu
from jax.experimental.pallas import tpu_sc as plsc


def _gather_rows_sc(h2, gidx, n_rows):
    D = h2.shape[1]
    mesh = plsc.VectorSubcoreMesh(core_axis_name="c", subcore_axis_name="s")

    @functools.partial(
        pl.kernel,
        mesh=mesh,
        out_type=jax.ShapeDtypeStruct((n_rows, D), jnp.float32),
        scratch_types=[
            pltpu.VMEM((16,), jnp.int32),
            pltpu.VMEM((16, D), jnp.float32),
            pltpu.SemaphoreType.DMA,
        ],
    )
    def k(h2_hbm, gidx_hbm, out_hbm, idx_v, rows_v, sem):
        wid = lax.axis_index("s") * 2 + lax.axis_index("c")
        pltpu.sync_copy(gidx_hbm.at[wid], idx_v)
        pltpu.async_copy(h2_hbm.at[idx_v], rows_v, sem).wait()
        pltpu.sync_copy(rows_v.at[pl.ds(0, 8)], out_hbm.at[pl.ds(wid * 8, 8)])
        pltpu.sync_copy(rows_v.at[pl.ds(8, 1)], out_hbm.at[pl.ds(256 + wid, 1)])

    return k(h2, gidx)


def _compute_tc(rows, W1, b1, W2, b2, Wr_pad, br_pad, u_row, a_col, rrf,
                win32, tb32, tr32, B, S):
    K, D, D4 = W1.shape
    R, RM, ZB = 256, 32, 512
    NZ = B * S // ZB

    def body(rows_ref, W1_ref, b1_ref, W2_ref, b2_ref, Wr_ref, br_ref,
             urow_ref, acol_ref, rr_ref, win_ref, tb_ref, tr_ref,
             out_ref, M_scr, w_scr, acc_scr, wb_scr, val_scr, zblk,
             zsem, rsem):
        k = pl.program_id(0)

        @pl.when(k == 0)
        def _init():
            u_r = urow_ref[...]
            a_c = acol_ref[...]
            rr = rr_ref[0, 0]
            zblk[...] = jnp.zeros_like(zblk)
            absd = jnp.abs(u_r - a_c)
            bc = lax.broadcasted_iota(jnp.int32, (RM, R), 0) // 16
            brw = lax.broadcasted_iota(jnp.int32, (RM, R), 1) // 128
            adj = (absd > 0.5) & (absd < rr + 0.5) & (bc == brw)
            adjf = adj.astype(jnp.float32)
            cnt = jnp.sum(adjf, axis=1, keepdims=True)
            M_scr[...] = adjf / jnp.maximum(cnt, 1.0)
            ha = rows_ref[R:R + RM, :]
            logits = jnp.dot(ha, Wr_ref[...],
                             preferred_element_type=jnp.float32) + br_ref[...]
            mx = jnp.max(logits, axis=1, keepdims=True)
            e = jnp.exp(logits - mx)
            w_scr[...] = e / jnp.sum(e, axis=1, keepdims=True)
            acc_scr[...] = jnp.zeros_like(acc_scr)
            wb_scr[...] = jnp.zeros_like(wb_scr)
            for z in range(NZ):
                pltpu.make_async_copy(
                    zblk, out_ref.at[z // (NZ // B)].at[
                        pl.ds((z % (NZ // B)) * ZB, ZB)], zsem.at[z]).start()

        hts = rows_ref[0:R, :]
        h1 = jnp.dot(hts, W1_ref[0],
                     preferred_element_type=jnp.float32) + b1_ref[0]
        H = h1 * 0.5 * (1.0 + lax.erf(h1 * 0.7071067811865476))
        P = jnp.dot(M_scr[...], H, preferred_element_type=jnp.float32)
        lane = lax.broadcasted_iota(jnp.int32, (RM, 128), 1)
        wcol = jnp.sum(jnp.where(lane == k, w_scr[...], 0.0),
                       axis=1, keepdims=True)
        acc_scr[...] += jnp.dot(P * wcol, W2_ref[0],
                                preferred_element_type=jnp.float32)
        wb_scr[...] += wcol * b2_ref[0]

        @pl.when(k == K - 1)
        def _fin():
            s_col = (jnp.sum(M_scr[...], axis=1, keepdims=True) > 0.5)
            eo = acc_scr[...] + s_col.astype(jnp.float32) * wb_scr[...]
            mu = jnp.mean(eo, axis=1, keepdims=True)
            var = jnp.mean((eo - mu) ** 2, axis=1, keepdims=True)
            val_scr[...] = (eo - mu) * lax.rsqrt(var + 1e-5)
            for z in range(NZ):
                pltpu.make_async_copy(
                    zblk, out_ref.at[z // (NZ // B)].at[
                        pl.ds((z % (NZ // B)) * ZB, ZB)], zsem.at[z]).wait()
            for j in range(RM):
                @pl.when(win_ref[j] != 0)
                def _row(j=j):
                    pltpu.make_async_copy(
                        val_scr.at[pl.ds(j, 1)],
                        out_ref.at[tb_ref[j]].at[pl.ds(tr_ref[j], 1)],
                        rsem.at[j]).start()
            for j in range(RM):
                @pl.when(win_ref[j] != 0)
                def _roww(j=j):
                    pltpu.make_async_copy(
                        val_scr.at[pl.ds(j, 1)],
                        out_ref.at[tb_ref[j]].at[pl.ds(tr_ref[j], 1)],
                        rsem.at[j]).wait()

    return pl.pallas_call(
        body,
        grid=(K,),
        in_specs=[
            pl.BlockSpec((R + RM, D), lambda k: (0, 0)),
            pl.BlockSpec((1, D, D4), lambda k: (k, 0, 0)),
            pl.BlockSpec((1, 1, D4), lambda k: (k, 0, 0)),
            pl.BlockSpec((1, D4, D), lambda k: (k, 0, 0)),
            pl.BlockSpec((1, 1, D), lambda k: (k, 0, 0)),
            pl.BlockSpec((D, 128), lambda k: (0, 0)),
            pl.BlockSpec((1, 128), lambda k: (0, 0)),
            pl.BlockSpec((1, R), lambda k: (0, 0)),
            pl.BlockSpec((RM, 1), lambda k: (0, 0)),
            pl.BlockSpec((1, 1), lambda k: (0, 0)),
            pl.BlockSpec(memory_space=pltpu.SMEM),
            pl.BlockSpec(memory_space=pltpu.SMEM),
            pl.BlockSpec(memory_space=pltpu.SMEM),
        ],
        out_specs=pl.BlockSpec(memory_space=pl.ANY),
        out_shape=jax.ShapeDtypeStruct((B, S, D), jnp.float32),
        scratch_shapes=[
            pltpu.VMEM((RM, R), jnp.float32),
            pltpu.VMEM((RM, 128), jnp.float32),
            pltpu.VMEM((RM, D), jnp.float32),
            pltpu.VMEM((RM, D), jnp.float32),
            pltpu.VMEM((RM, D), jnp.float32),
            pltpu.VMEM((ZB, D), jnp.float32),
            pltpu.SemaphoreType.DMA((NZ,)),
            pltpu.SemaphoreType.DMA((RM,)),
        ],
        compiler_params=pltpu.CompilerParams(
            dimension_semantics=("arbitrary",)),
    )(rows, W1, b1.reshape(K, 1, D4), W2, b2.reshape(K, 1, D),
      Wr_pad, br_pad, u_row, a_col, rrf, win32, tb32, tr32)


def _routed_mixture(rows, mask_indices, unmasked_indices, range_r, Wr, br,
                    W1, b1, W2, b2, B, S):
    K, D, _ = W1.shape
    uf = unmasked_indices.astype(jnp.float32).reshape(-1)
    af = mask_indices.astype(jnp.float32).reshape(-1)
    u_row = uf.reshape(1, -1)
    a_col = af.reshape(-1, 1)
    rrf = jnp.asarray(range_r, jnp.float32).reshape(1, 1)
    Wr_pad = jnp.concatenate([Wr, jnp.zeros((D, 128 - K), Wr.dtype)], axis=1)
    br_pad = jnp.concatenate(
        [br, jnp.full((128 - K,), -1e9, br.dtype)]).reshape(1, 128)
    a_i = mask_indices.astype(jnp.int32)
    u_i = unmasked_indices.astype(jnp.int32)
    ad = jnp.abs(a_i[:, :, None] - u_i[:, None, :])
    s = ((ad >= 1) & (ad <= range_r)).sum(-1) > 0
    jj = jnp.arange(a_i.shape[1], dtype=jnp.int32)
    eqm = a_i[:, :, None] == a_i[:, None, :]
    exists = (eqm & (jj[None, :] > jj[:, None])[None] & s[:, None, :]).any(-1)
    win32 = (s & ~exists).reshape(-1).astype(jnp.int32)
    tb32 = jnp.repeat(jnp.arange(B, dtype=jnp.int32), a_i.shape[1])
    tr32 = a_i.reshape(-1)
    return _compute_tc(rows, W1, b1, W2, b2, Wr_pad, br_pad, u_row, a_col,
                       rrf, win32, tb32, tr32, B, S)


def kernel(h_L, mask_indices, unmasked_indices, range_r, Wr, br, W1, b1, W2,
           b2):
    B, S, D = h_L.shape
    offs = (jnp.arange(B, dtype=jnp.int32) * S)[:, None]
    ug = (unmasked_indices.astype(jnp.int32) + offs).reshape(32, 8)
    ag = (mask_indices.astype(jnp.int32) + offs).reshape(32, 1)
    gidx = jnp.concatenate([ug, jnp.broadcast_to(ag, (32, 8))], axis=1)
    rows = _gather_rows_sc(h_L.reshape(B * S, D), gidx, 288)
    return _routed_mixture(rows, mask_indices, unmasked_indices, range_r, Wr,
                           br, W1, b1, W2, b2, B, S)

# --- scband reference (transcript-rebuilt; emitter-appended) ---
"""Pipeline reference for scband-amiprouter-33767032881177 (READ-ONLY COPY).

The authoritative reference and input builder live on the scoring server;
editing this copy changes nothing except your own understanding.
"""

import jax, jax.numpy as jnp
import numpy as np

D_MODEL = 2048
K = 8
D4 = D_MODEL // 4


def setup_inputs(seed: int = 0) -> dict:
    key = jax.random.key(seed)
    ks = jax.random.split(key, 12)
    bsz, seq_len = 2, 2048
    h_L = jax.random.normal(ks[0], (bsz, seq_len, D_MODEL), dtype=jnp.float32)
    mask_indices = jax.random.randint(ks[1], (bsz, 16), 0, seq_len, dtype=jnp.int32)
    unmasked_indices = jax.random.randint(ks[2], (bsz, 128), 0, seq_len, dtype=jnp.int32)
    Wr = jax.random.normal(ks[3], (D_MODEL, K), dtype=jnp.float32) * 0.02
    br = jnp.zeros((K,), dtype=jnp.float32)
    W1 = jax.random.normal(ks[4], (K, D_MODEL, D4), dtype=jnp.float32) * 0.02
    b1 = jnp.zeros((K, D4), dtype=jnp.float32)
    W2 = jax.random.normal(ks[5], (K, D4, D_MODEL), dtype=jnp.float32) * 0.02
    b2 = jnp.zeros((K, D_MODEL), dtype=jnp.float32)
    return {"h_L": h_L, "mask_indices": mask_indices, "unmasked_indices": unmasked_indices,
            "range_r": 8, "Wr": Wr, "br": br, "W1": W1, "b1": b1, "W2": W2, "b2": b2}


def _layer_norm(x, eps=1e-5):
    mu = jnp.mean(x, axis=-1, keepdims=True)
    var = jnp.var(x, axis=-1, keepdims=True)
    return (x - mu) / jnp.sqrt(var + eps)


def reference(h_L, mask_indices, unmasked_indices, range_r, Wr, br, W1, b1, W2, b2):
    bsz, seq_len, d_model = h_L.shape
    n_experts = W1.shape[0]
    n_masked = mask_indices.shape[1]
    delta_h = jnp.zeros_like(h_L)
    for b in range(bsz):
        u_idx = unmasked_indices[b]
        h_ts = h_L[b, u_idx, :]
        for j in range(n_masked):
            a = mask_indices[b, j]
            diff = u_idx - a
            adj_mask = (jnp.abs(diff) > 0) & (jnp.abs(diff) <= range_r)
            cnt = jnp.sum(adj_mask)
            h_a = h_L[b, a][None, :]
            logits = h_a @ Wr + br
            weights = jax.nn.softmax(logits, axis=-1)  # [1, K]
            expert_outputs = jnp.zeros((1, d_model), dtype=h_L.dtype)
            m = adj_mask[:, None].astype(h_L.dtype)
            denom = jnp.maximum(cnt, 1).astype(h_L.dtype)
            for i in range(n_experts):
                hidden = jax.nn.gelu(h_ts @ W1[i] + b1[i], approximate=False)
                out = hidden @ W2[i] + b2[i]
                mean_out = jnp.sum(m * out, axis=0, keepdims=True) / denom
                expert_outputs = expert_outputs + weights[:, i:i + 1] * mean_out
            val = _layer_norm(expert_outputs)[0]
            delta_h = delta_h.at[b, a, :].set(jnp.where(cnt > 0, val, delta_h[b, a, :]))
    return delta_h

if __name__ == "__main__":
    import jax
    _d = setup_inputs()
    print(jax.jit(kernel)(*tuple(_d.values())))

</pallas_src>

<mosaic_0001>
#map = affine_map<(d0, d1) -> (0, 0)>
module attributes {stable_mosaic.version = 14 : i64} {
  func.func @k(%arg0: i32, %arg1: i32, %arg2: memref<4096x2048xf32, #tpu.memory_space<hbm>>, %arg3: memref<32x16xi32, #tpu.memory_space<hbm>>, %arg4: memref<288x2048xf32, #tpu.memory_space<hbm>>, %arg5: memref<16xi32, #tpu.memory_space<vmem>>, %arg6: memref<16x2048xf32, #tpu.memory_space<vmem>>, %arg7: memref<!tpu.dma_semaphore, #tpu.memory_space<semaphore_mem>>) attributes {dimension_semantics = [#tpu.dimension_semantics<core_parallel>, #tpu.dimension_semantics<subcore_parallel>], iteration_bounds = array<i64: 2, 16>, scalar_prefetch = 0 : i64, scratch_operands = 3 : i64, tpu.core_type = #tpu.core_type<sc_vector_subcore>, window_params = [{transform_indices = #map}, {transform_indices = #map}, {transform_indices = #map}]} {
    %mul3A = arith.constant 2 : i32
    %mul3A_0 = arith.muli %arg1, %mul3A : i32
    %add3A = arith.addi %mul3A_0, %arg0 : i32
    "tpu.region"() ({
      %run_scoped3A = tpu.sem_alloc : memref<!tpu.dma_semaphore, #tpu.memory_space<semaphore_mem>>
      %dma_start3A_9 = arith.constant 0 : i32
      %dma_start3A_10 = tpu.memref_slice %arg3[%add3A, %dma_start3A_9] : memref<32x16xi32, #tpu.memory_space<hbm>> -> memref<1x16xi32, #tpu.memory_space<hbm>>
      %dma_start3A_11 = tpu.memref_squeeze %dma_start3A_10 : memref<1x16xi32, #tpu.memory_space<hbm>> -> memref<16xi32, #tpu.memory_space<hbm>>
      %dma_start3A_12 = arith.constant 0 : i32
      %dma_start3A_13 = tpu.memref_slice %arg3[%add3A, %dma_start3A_12] : memref<32x16xi32, #tpu.memory_space<hbm>> -> memref<1x16xi32, #tpu.memory_space<hbm>>
      %dma_start3A_14 = tpu.memref_squeeze %dma_start3A_13 : memref<1x16xi32, #tpu.memory_space<hbm>> -> memref<16xi32, #tpu.memory_space<hbm>>
      tpu.enqueue_dma source(%dma_start3A_14 : memref<16xi32, #tpu.memory_space<hbm>>) target(%arg5 : memref<16xi32, #tpu.memory_space<vmem>>) target_semaphore(%run_scoped3A : memref<!tpu.dma_semaphore, #tpu.memory_space<semaphore_mem>>)
      %dma_wait3A_15 = arith.constant 0 : i32
      %dma_wait3A_16 = tpu.memref_slice %arg3[%add3A, %dma_wait3A_15] : memref<32x16xi32, #tpu.memory_space<hbm>> -> memref<1x16xi32, #tpu.memory_space<hbm>>
      %dma_wait3A_17 = tpu.memref_squeeze %dma_wait3A_16 : memref<1x16xi32, #tpu.memory_space<hbm>> -> memref<16xi32, #tpu.memory_space<hbm>>
      %dma_wait3A_18 = arith.constant 0 : i32
      %dma_wait3A_19 = tpu.memref_slice %arg3[%add3A, %dma_wait3A_18] : memref<32x16xi32, #tpu.memory_space<hbm>> -> memref<1x16xi32, #tpu.memory_space<hbm>>
      %dma_wait3A_20 = tpu.memref_squeeze %dma_wait3A_19 : memref<1x16xi32, #tpu.memory_space<hbm>> -> memref<16xi32, #tpu.memory_space<hbm>>
      tpu.wait_dma2 semaphore(%run_scoped3A : memref<!tpu.dma_semaphore, #tpu.memory_space<semaphore_mem>>) src(%dma_wait3A_20 : memref<16xi32, #tpu.memory_space<hbm>>) dst(%arg5 : memref<16xi32, #tpu.memory_space<vmem>>)
      tpu.yield
    }) : () -> ()
    %dma_start3A = arith.constant 0 : i32
    %dma_start3A_1 = arith.constant 0 : i32
    %dma_start3A_2 = tpu.memref_slice %arg2[%dma_start3A, %dma_start3A_1] : memref<4096x2048xf32, #tpu.memory_space<hbm>> -> memref<4096x2048xf32, #tpu.memory_space<hbm>>
    tpu.enqueue_indirect_dma source(%dma_start3A_2 : memref<4096x2048xf32, #tpu.memory_space<hbm>>) target(%arg6 : memref<16x2048xf32, #tpu.memory_space<vmem>>) offsets(%arg5 : memref<16xi32, #tpu.memory_space<vmem>>) semaphore(%arg7 : memref<!tpu.dma_semaphore, #tpu.memory_space<semaphore_mem>>)
    %dma_wait3A = arith.constant 0 : i32
    %dma_wait3A_3 = arith.constant 0 : i32
    %dma_wait3A_4 = tpu.memref_slice %arg2[%dma_wait3A, %dma_wait3A_3] : memref<4096x2048xf32, #tpu.memory_space<hbm>> -> memref<4096x2048xf32, #tpu.memory_space<hbm>>
    tpu.wait_indirect_dma semaphore(%arg7 : memref<!tpu.dma_semaphore, #tpu.memory_space<semaphore_mem>>) src(%dma_wait3A_4 : memref<4096x2048xf32, #tpu.memory_space<hbm>>) dst(%arg6 : memref<16x2048xf32, #tpu.memory_space<vmem>>)
    %mul3A_5 = arith.constant 8 : i32
    %mul3A_6 = arith.muli %add3A, %mul3A_5 : i32
    "tpu.region"() ({
      %run_scoped3A = tpu.sem_alloc : memref<!tpu.dma_semaphore, #tpu.memory_space<semaphore_mem>>
      %dma_start3A_9 = arith.constant 0 : i32
      %dma_start3A_10 = arith.constant 0 : i32
      %dma_start3A_11 = tpu.memref_slice %arg6[%dma_start3A_9, %dma_start3A_10] : memref<16x2048xf32, #tpu.memory_space<vmem>> -> memref<8x2048xf32, #tpu.memory_space<vmem>>
      %dma_start3A_12 = arith.constant 0 : i32
      %dma_start3A_13 = tpu.memref_slice %arg4[%mul3A_6, %dma_start3A_12] : memref<288x2048xf32, #tpu.memory_space<hbm>> -> memref<8x2048xf32, #tpu.memory_space<hbm>>
      %dma_start3A_14 = arith.constant 0 : i32
      %dma_start3A_15 = tpu.memref_slice %arg4[%mul3A_6, %dma_start3A_14] : memref<288x2048xf32, #tpu.memory_space<hbm>> -> memref<8x2048xf32, #tpu.memory_space<hbm>>
      %dma_start3A_16 = arith.constant 0 : i32
      %dma_start3A_17 = arith.constant 0 : i32
      %dma_start3A_18 = tpu.memref_slice %arg6[%dma_start3A_16, %dma_start3A_17] : memref<16x2048xf32, #tpu.memory_space<vmem>> -> memref<8x2048xf32, #tpu.memory_space<vmem>>
      tpu.enqueue_dma source(%dma_start3A_18 : memref<8x2048xf32, #tpu.memory_space<vmem>>) target(%dma_start3A_15 : memref<8x2048xf32, #tpu.memory_space<hbm>>) target_semaphore(%run_scoped3A : memref<!tpu.dma_semaphore, #tpu.memory_space<semaphore_mem>>)
      %dma_wait3A_19 = arith.constant 0 : i32
      %dma_wait3A_20 = arith.constant 0 : i32
      %dma_wait3A_21 = tpu.memref_slice %arg6[%dma_wait3A_19, %dma_wait3A_20] : memref<16x2048xf32, #tpu.memory_space<vmem>> -> memref<8x2048xf32, #tpu.memory_space<vmem>>
      %dma_wait3A_22 = arith.constant 0 : i32
      %dma_wait3A_23 = tpu.memref_slice %arg4[%mul3A_6, %dma_wait3A_22] : memref<288x2048xf32, #tpu.memory_space<hbm>> -> memref<8x2048xf32, #tpu.memory_space<hbm>>
      %dma_wait3A_24 = arith.constant 0 : i32
      %dma_wait3A_25 = tpu.memref_slice %arg4[%mul3A_6, %dma_wait3A_24] : memref<288x2048xf32, #tpu.memory_space<hbm>> -> memref<8x2048xf32, #tpu.memory_space<hbm>>
      %dma_wait3A_26 = arith.constant 0 : i32
      %dma_wait3A_27 = arith.constant 0 : i32
      %dma_wait3A_28 = tpu.memref_slice %arg6[%dma_wait3A_26, %dma_wait3A_27] : memref<16x2048xf32, #tpu.memory_space<vmem>> -> memref<8x2048xf32, #tpu.memory_space<vmem>>
      tpu.wait_dma2 semaphore(%run_scoped3A : memref<!tpu.dma_semaphore, #tpu.memory_space<semaphore_mem>>) src(%dma_wait3A_28 : memref<8x2048xf32, #tpu.memory_space<vmem>>) dst(%dma_wait3A_25 : memref<8x2048xf32, #tpu.memory_space<hbm>>)
      tpu.yield
    }) : () -> ()
    %add3A_7 = arith.constant 256 : i32
    %add3A_8 = arith.addi %add3A_7, %add3A : i32
    "tpu.region"() ({
      %run_scoped3A = tpu.sem_alloc : memref<!tpu.dma_semaphore, #tpu.memory_space<semaphore_mem>>
      %dma_start3A_9 = arith.constant 8 : i32
      %dma_start3A_10 = arith.constant 0 : i32
      %dma_start3A_11 = tpu.memref_slice %arg6[%dma_start3A_9, %dma_start3A_10] : memref<16x2048xf32, #tpu.memory_space<vmem>> -> memref<1x2048xf32, #tpu.memory_space<vmem>>
      %dma_start3A_12 = arith.constant 0 : i32
      %dma_start3A_13 = tpu.memref_slice %arg4[%add3A_8, %dma_start3A_12] : memref<288x2048xf32, #tpu.memory_space<hbm>> -> memref<1x2048xf32, #tpu.memory_space<hbm>>
      %dma_start3A_14 = arith.constant 0 : i32
      %dma_start3A_15 = tpu.memref_slice %arg4[%add3A_8, %dma_start3A_14] : memref<288x2048xf32, #tpu.memory_space<hbm>> -> memref<1x2048xf32, #tpu.memory_space<hbm>>
      %dma_start3A_16 = arith.constant 8 : i32
      %dma_start3A_17 = arith.constant 0 : i32
      %dma_start3A_18 = tpu.memref_slice %arg6[%dma_start3A_16, %dma_start3A_17] : memref<16x2048xf32, #tpu.memory_space<vmem>> -> memref<1x2048xf32, #tpu.memory_space<vmem>>
      tpu.enqueue_dma source(%dma_start3A_18 : memref<1x2048xf32, #tpu.memory_space<vmem>>) target(%dma_start3A_15 : memref<1x2048xf32, #tpu.memory_space<hbm>>) target_semaphore(%run_scoped3A : memref<!tpu.dma_semaphore, #tpu.memory_space<semaphore_mem>>)
      %dma_wait3A_19 = arith.constant 8 : i32
      %dma_wait3A_20 = arith.constant 0 : i32
      %dma_wait3A_21 = tpu.memref_slice %arg6[%dma_wait3A_19, %dma_wait3A_20] : memref<16x2048xf32, #tpu.memory_space<vmem>> -> memref<1x2048xf32, #tpu.memory_space<vmem>>
      %dma_wait3A_22 = arith.constant 0 : i32
      %dma_wait3A_23 = tpu.memref_slice %arg4[%add3A_8, %dma_wait3A_22] : memref<288x2048xf32, #tpu.memory_space<hbm>> -> memref<1x2048xf32, #tpu.memory_space<hbm>>
      %dma_wait3A_24 = arith.constant 0 : i32
      %dma_wait3A_25 = tpu.memref_slice %arg4[%add3A_8, %dma_wait3A_24] : memref<288x2048xf32, #tpu.memory_space<hbm>> -> memref<1x2048xf32, #tpu.memory_space<hbm>>
      %dma_wait3A_26 = arith.constant 8 : i32
      %dma_wait3A_27 = arith.constant 0 : i32
      %dma_wait3A_28 = tpu.memref_slice %arg6[%dma_wait3A_26, %dma_wait3A_27] : memref<16x2048xf32, #tpu.memory_space<vmem>> -> memref<1x2048xf32, #tpu.memory_space<vmem>>
      tpu.wait_dma2 semaphore(%run_scoped3A : memref<!tpu.dma_semaphore, #tpu.memory_space<semaphore_mem>>) src(%dma_wait3A_28 : memref<1x2048xf32, #tpu.memory_space<vmem>>) dst(%dma_wait3A_25 : memref<1x2048xf32, #tpu.memory_space<hbm>>)
      tpu.yield
    }) : () -> ()
    return
  }
}

module attributes {stable_mosaic.version = 14 : i64} {
  func.func @body(%arg0: i32, %arg1: memref<288x2048xf32, #tpu.memory_space<vmem>>, %arg2: memref<1x2048x512xf32, #tpu.memory_space<vmem>>, %arg3: memref<1x1x512xf32, #tpu.memory_space<vmem>>, %arg4: memref<1x512x2048xf32, #tpu.memory_space<vmem>>, %arg5: memref<1x1x2048xf32, #tpu.memory_space<vmem>>, %arg6: memref<2048x128xf32, #tpu.memory_space<vmem>>, %arg7: memref<1x128xf32, #tpu.memory_space<vmem>>, %arg8: memref<1x256xf32, #tpu.memory_space<vmem>>, %arg9: memref<32x1xf32, #tpu.memory_space<vmem>>, %arg10: memref<1x1xf32, #tpu.memory_space<vmem>>, %arg11: memref<32xi32, #tpu.memory_space<smem>>, %arg12: memref<32xi32, #tpu.memory_space<smem>>, %arg13: memref<32xi32, #tpu.memory_space<smem>>, %arg14: memref<2x2048x2048xf32, #tpu.memory_space<any>>, %arg15: memref<32x256xf32, #tpu.memory_space<vmem>>, %arg16: memref<32x128xf32, #tpu.memory_space<vmem>>, %arg17: memref<32x2048xf32, #tpu.memory_space<vmem>>, %arg18: memref<32x2048xf32, #tpu.memory_space<vmem>>, %arg19: memref<32x2048xf32, #tpu.memory_space<vmem>>, %arg20: memref<512x2048xf32, #tpu.memory_space<vmem>>, %arg21: memref<8x!tpu.dma_semaphore, #tpu.memory_space<semaphore_mem>>, %arg22: memref<32x!tpu.dma_semaphore, #tpu.memory_space<semaphore_mem>>) attributes {dimension_semantics = [#tpu.dimension_semantics<arbitrary>], iteration_bounds = array<i64: 8>, scalar_prefetch = 0 : i64, scratch_operands = 8 : i64, tpu.core_type = #tpu.core_type<tc>, window_params = [{pipeline_mode = #tpu.pipeline_mode<synchronous>, transform_indices = @transform_0, window_bounds = array<i64: 288, 2048>}, {transform_indices = @transform_1, window_bounds = array<i64: 1, 2048, 512>}, {transform_indices = @transform_2, window_bounds = array<i64: 1, 1, 512>}, {transform_indices = @transform_3, window_bounds = array<i64: 1, 512, 2048>}, {transform_indices = @transform_4, window_bounds = array<i64: 1, 1, 2048>}, {pipeline_mode = #tpu.pipeline_mode<synchronous>, transform_indices = @transform_5, window_bounds = array<i64: 2048, 128>}, {pipeline_mode = #tpu.pipeline_mode<synchronous>, transform_indices = @transform_6, window_bounds = array<i64: 1, 128>}, {pipeline_mode = #tpu.pipeline_mode<synchronous>, transform_indices = @transform_7, window_bounds = array<i64: 1, 256>}, {pipeline_mode = #tpu.pipeline_mode<synchronous>, transform_indices = @transform_8, window_bounds = array<i64: 32, 1>}, {pipeline_mode = #tpu.pipeline_mode<synchronous>, transform_indices = @transform_9, window_bounds = array<i64: 1, 1>}, {transform_indices = @transform_10, window_bounds = array<i64: 32>}, {transform_indices = @transform_11, window_bounds = array<i64: 32>}, {transform_indices = @transform_12, window_bounds = array<i64: 32>}, {}]} {
    %eq3A = arith.constant 0 : i32
    %eq3A_0 = arith.cmpi eq, %arg0, %eq3A : i32
    %convert_element_type3A = arith.extui %eq3A_0 : i1 to i32
    %cond3A = arith.constant 0 : i32
    %cond3A_1 = arith.cmpi ne, %convert_element_type3A, %cond3A : i32
    scf.if %cond3A_1 {
      %get3A_72 = arith.constant 0 : index
      %get3A_73 = arith.constant 0 : index
      %get3A_74 = vector.load %arg8[%get3A_72, %get3A_73] : memref<1x256xf32, #tpu.memory_space<vmem>>, vector<1x256xf32>
      %get3A_75 = arith.constant 0 : index
      %get3A_76 = arith.constant 0 : index
      %get3A_77 = vector.load %arg9[%get3A_75, %get3A_76] : memref<32x1xf32, #tpu.memory_space<vmem>>, vector<32x1xf32>
      %get3A_78 = arith.constant 0 : index
      %get3A_79 = arith.constant 0 : index
      %get3A_80 = vector.load %arg10[%get3A_78, %get3A_79] : memref<1x1xf32, #tpu.memory_space<vmem>>, vector<1x1xf32>
      %get3A_81 = vector.extract %get3A_80[0, 0] : f32 from vector<1x1xf32>
      %broadcast_in_dim3A_82 = arith.constant 0.000000e+00 : f32
      %broadcast_in_dim3A_83 = vector.broadcast %broadcast_in_dim3A_82 : f32 to vector<512x2048xf32>
      %swap3A_84 = arith.constant 0 : index
      %swap3A_85 = arith.constant 0 : index
      %swap3A_86 = vector.load %arg20[%swap3A_84, %swap3A_85] : memref<512x2048xf32, #tpu.memory_space<vmem>>, vector<512x2048xf32>
      tpu.vector_store %arg20[%swap3A_84, %swap3A_85], %broadcast_in_dim3A_83 {strides = array<i32>} : memref<512x2048xf32, #tpu.memory_space<vmem>>, vector<512x2048xf32>,
      %sub3A = vector.broadcast %get3A_74 : vector<1x256xf32> to vector<32x256xf32>
      %sub3A_87 = vector.broadcast %get3A_77 : vector<32x1xf32> to vector<32x256xf32>
      %sub3A_88 = arith.subf %sub3A, %sub3A_87 : vector<32x256xf32>
      %abs3A = math.absf %sub3A_88 : vector<32x256xf32>
      %iota3A_89 = tpu.iota {dimensions = array<i32: 0>} : vector<32x256xi32>
      %jit3A_90 = arith.constant 16 : i32
      %div3A = vector.broadcast %jit3A_90 : i32 to vector<32x256xi32>
      %div3A_91 = arith.divsi %iota3A_89, %div3A : vector<32x256xi32>
      %sign3A = arith.constant 0 : i32
      %sign3A_92 = vector.broadcast %sign3A : i32 to vector<32x256xi32>
      %sign3A_93 = arith.cmpi sgt, %iota3A_89, %sign3A_92 : vector<32x256xi32>
      %sign3A_94 = arith.extui %sign3A_93 : vector<32x256xi1> to vector<32x256xi32>
      %sign3A_95 = arith.constant 0 : i32
      %sign3A_96 = vector.broadcast %sign3A_95 : i32 to vector<32x256xi32>
      %sign3A_97 = arith.cmpi slt, %iota3A_89, %sign3A_96 : vector<32x256xi32>
      %sign3A_98 = arith.extui %sign3A_97 : vector<32x256xi1> to vector<32x256xi32>
      %sign3A_99 = arith.subi %sign3A_94, %sign3A_98 : vector<32x256xi32>
      %sign3A_100 = arith.constant 0 : i32
      %sign3A_101 = arith.cmpi sgt, %jit3A_90, %sign3A_100 : i32
      %sign3A_102 = arith.extui %sign3A_101 : i1 to i32
      %sign3A_103 = arith.constant 0 : i32
      %sign3A_104 = arith.cmpi slt, %jit3A_90, %sign3A_103 : i32
      %sign3A_105 = arith.extui %sign3A_104 : i1 to i32
      %sign3A_106 = arith.subi %sign3A_102, %sign3A_105 : i32
      %ne3A = vector.broadcast %sign3A_106 : i32 to vector<32x256xi32>
      %ne3A_107 = arith.cmpi ne, %sign3A_99, %ne3A : vector<32x256xi32>
      %rem3A = vector.broadcast %jit3A_90 : i32 to vector<32x256xi32>
      %rem3A_108 = arith.remsi %iota3A_89, %rem3A : vector<32x256xi32>
      %ne3A_109 = arith.constant 0 : i32
      %ne3A_110 = vector.broadcast %ne3A_109 : i32 to vector<32x256xi32>
      %ne3A_111 = arith.cmpi ne, %rem3A_108, %ne3A_110 : vector<32x256xi32>
      %and3A = arith.andi %ne3A_107, %ne3A_111 : vector<32x256xi1>
      %sub3A_112 = arith.constant 1 : i32
      %sub3A_113 = vector.broadcast %sub3A_112 : i32 to vector<32x256xi32>
      %sub3A_114 = arith.subi %div3A_91, %sub3A_113 : vector<32x256xi32>
      %select_n3A_115 = arith.select %and3A, %sub3A_114, %div3A_91 : vector<32x256xi1>, vector<32x256xi32>
      %iota3A_116 = tpu.iota {dimensions = array<i32: 1>} : vector<32x256xi32>
      %jit3A_117 = arith.constant 128 : i32
      %div3A_118 = vector.broadcast %jit3A_117 : i32 to vector<32x256xi32>
      %div3A_119 = arith.divsi %iota3A_116, %div3A_118 : vector<32x256xi32>
      %sign3A_120 = arith.constant 0 : i32
      %sign3A_121 = vector.broadcast %sign3A_120 : i32 to vector<32x256xi32>
      %sign3A_122 = arith.cmpi sgt, %iota3A_116, %sign3A_121 : vector<32x256xi32>
      %sign3A_123 = arith.extui %sign3A_122 : vector<32x256xi1> to vector<32x256xi32>
      %sign3A_124 = arith.constant 0 : i32
      %sign3A_125 = vector.broadcast %sign3A_124 : i32 to vector<32x256xi32>
      %sign3A_126 = arith.cmpi slt, %iota3A_116, %sign3A_125 : vector<32x256xi32>
      %sign3A_127 = arith.extui %sign3A_126 : vector<32x256xi1> to vector<32x256xi32>
      %sign3A_128 = arith.subi %sign3A_123, %sign3A_127 : vector<32x256xi32>
      %sign3A_129 = arith.constant 0 : i32
      %sign3A_130 = arith.cmpi sgt, %jit3A_117, %sign3A_129 : i32
      %sign3A_131 = arith.extui %sign3A_130 : i1 to i32
      %sign3A_132 = arith.constant 0 : i32
      %sign3A_133 = arith.cmpi slt, %jit3A_117, %sign3A_132 : i32
      %sign3A_134 = arith.extui %sign3A_133 : i1 to i32
      %sign3A_135 = arith.subi %sign3A_131, %sign3A_134 : i32
      %ne3A_136 = vector.broadcast %sign3A_135 : i32 to vector<32x256xi32>
      %ne3A_137 = arith.cmpi ne, %sign3A_128, %ne3A_136 : vector<32x256xi32>
      %rem3A_138 = vector.broadcast %jit3A_117 : i32 to vector<32x256xi32>
      %rem3A_139 = arith.remsi %iota3A_116, %rem3A_138 : vector<32x256xi32>
      %ne3A_140 = arith.constant 0 : i32
      %ne3A_141 = vector.broadcast %ne3A_140 : i32 to vector<32x256xi32>
      %ne3A_142 = arith.cmpi ne, %rem3A_139, %ne3A_141 : vector<32x256xi32>
      %and3A_143 = arith.andi %ne3A_137, %ne3A_142 : vector<32x256xi1>
      %sub3A_144 = arith.constant 1 : i32
      %sub3A_145 = vector.broadcast %sub3A_144 : i32 to vector<32x256xi32>
      %sub3A_146 = arith.subi %div3A_119, %sub3A_145 : vector<32x256xi32>
      %select_n3A_147 = arith.select %and3A_143, %sub3A_146, %div3A_119 : vector<32x256xi1>, vector<32x256xi32>
      %gt3A = arith.constant 5.000000e-01 : f32
      %gt3A_148 = vector.broadcast %gt3A : f32 to vector<32x256xf32>
      %gt3A_149 = arith.cmpf ogt, %abs3A, %gt3A_148 : vector<32x256xf32>
      %add3A_150 = arith.constant 5.000000e-01 : f32
      %add3A_151 = arith.addf %get3A_81, %add3A_150 : f32
      %lt3A = vector.broadcast %add3A_151 : f32 to vector<32x256xf32>
      %lt3A_152 = arith.cmpf olt, %abs3A, %lt3A : vector<32x256xf32>
      %and3A_153 = arith.andi %gt3A_149, %lt3A_152 : vector<32x256xi1>
      %eq3A_154 = arith.cmpi eq, %select_n3A_115, %select_n3A_147 : vector<32x256xi32>
      %and3A_155 = arith.andi %and3A_153, %eq3A_154 : vector<32x256xi1>
      %convert_element_type3A_156 = arith.extui %and3A_155 : vector<32x256xi1> to vector<32x256xi32>
      %convert_element_type3A_157 = arith.sitofp %convert_element_type3A_156 : vector<32x256xi32> to vector<32x256xf32>
      %reduce_sum3A_158 = arith.constant dense<0.000000e+00> : vector<32xf32>
      %reduce_sum3A_159 = vector.multi_reduction <add>, %convert_element_type3A_157, %reduce_sum3A_158 [1] : vector<32x256xf32> to vector<32xf32>
      %broadcast_in_dim3A_160 = vector.shape_cast %reduce_sum3A_159 : vector<32xf32> to vector<32x1xf32>
      %max3A = arith.constant 1.000000e+00 : f32
      %max3A_161 = vector.broadcast %max3A : f32 to vector<32x1xf32>
      %max3A_162 = arith.maximumf %broadcast_in_dim3A_160, %max3A_161 : vector<32x1xf32>
      %div3A_163 = vector.broadcast %max3A_162 : vector<32x1xf32> to vector<32x256xf32>
      %div3A_164 = arith.divf %convert_element_type3A_157, %div3A_163 : vector<32x256xf32>
      %swap3A_165 = arith.constant 0 : index
      %swap3A_166 = arith.constant 0 : index
      %swap3A_167 = vector.load %arg15[%swap3A_165, %swap3A_166] : memref<32x256xf32, #tpu.memory_space<vmem>>, vector<32x256xf32>
      tpu.vector_store %arg15[%swap3A_165, %swap3A_166], %div3A_164 {strides = array<i32>} : memref<32x256xf32, #tpu.memory_space<vmem>>, vector<32x256xf32>,
      %get3A_168 = arith.constant 256 : index
      %get3A_169 = arith.constant 0 : index
      %get3A_170 = vector.load %arg1[%get3A_168, %get3A_169] : memref<288x2048xf32, #tpu.memory_space<vmem>>, vector<32x2048xf32>
      %get3A_171 = arith.constant 0 : index
      %get3A_172 = arith.constant 0 : index
      %get3A_173 = vector.load %arg6[%get3A_171, %get3A_172] : memref<2048x128xf32, #tpu.memory_space<vmem>>, vector<2048x128xf32>
      %dot_general3A_174 = arith.constant dense<0.000000e+00> : vector<32x128xf32>
      %dot_general3A_175 = tpu.matmul %get3A_170, %get3A_173, %dot_general3A_174 {dimension_numbers = #tpu.dot_dimension_numbers<[1], [0], [0], [1], [0, 0, 1, 1], [], []>, transpose_lhs_hint = false} : vector<32x2048xf32>, vector<2048x128xf32>, vector<32x128xf32> -> vector<32x128xf32>
      %get3A_176 = arith.constant 0 : index
      %get3A_177 = arith.constant 0 : index
      %get3A_178 = vector.load %arg7[%get3A_176, %get3A_177] : memref<1x128xf32, #tpu.memory_space<vmem>>, vector<1x128xf32>
      %add3A_179 = vector.broadcast %get3A_178 : vector<1x128xf32> to vector<32x128xf32>
      %add3A_180 = arith.addf %dot_general3A_175, %add3A_179 : vector<32x128xf32>
      %reduce_max3A = arith.constant dense<0xFF800000> : vector<32xf32>
      %reduce_max3A_181 = vector.multi_reduction <maximumf>, %add3A_180, %reduce_max3A [1] : vector<32x128xf32> to vector<32xf32>
      %broadcast_in_dim3A_182 = vector.shape_cast %reduce_max3A_181 : vector<32xf32> to vector<32x1xf32>
      %sub3A_183 = vector.broadcast %broadcast_in_dim3A_182 : vector<32x1xf32> to vector<32x128xf32>
      %sub3A_184 = arith.subf %add3A_180, %sub3A_183 : vector<32x128xf32>
      %exp3A = math.exp %sub3A_184 : vector<32x128xf32>
      %reduce_sum3A_185 = arith.constant dense<0.000000e+00> : vector<32xf32>
      %reduce_sum3A_186 = vector.multi_reduction <add>, %exp3A, %reduce_sum3A_185 [1] : vector<32x128xf32> to vector<32xf32>
      %broadcast_in_dim3A_187 = vector.shape_cast %reduce_sum3A_186 : vector<32xf32> to vector<32x1xf32>
      %div3A_188 = vector.broadcast %broadcast_in_dim3A_187 : vector<32x1xf32> to vector<32x128xf32>
      %div3A_189 = arith.divf %exp3A, %div3A_188 : vector<32x128xf32>
      %swap3A_190 = arith.constant 0 : index
      %swap3A_191 = arith.constant 0 : index
      %swap3A_192 = vector.load %arg16[%swap3A_190, %swap3A_191] : memref<32x128xf32, #tpu.memory_space<vmem>>, vector<32x128xf32>
      tpu.vector_store %arg16[%swap3A_190, %swap3A_191], %div3A_189 {strides = array<i32>} : memref<32x128xf32, #tpu.memory_space<vmem>>, vector<32x128xf32>,
      %broadcast_in_dim3A_193 = arith.constant 0.000000e+00 : f32
      %broadcast_in_dim3A_194 = vector.broadcast %broadcast_in_dim3A_193 : f32 to vector<32x2048xf32>
      %swap3A_195 = arith.constant 0 : index
      %swap3A_196 = arith.constant 0 : index
      %swap3A_197 = vector.load %arg17[%swap3A_195, %swap3A_196] : memref<32x2048xf32, #tpu.memory_space<vmem>>, vector<32x2048xf32>
      tpu.vector_store %arg17[%swap3A_195, %swap3A_196], %broadcast_in_dim3A_194 {strides = array<i32>} : memref<32x2048xf32, #tpu.memory_space<vmem>>, vector<32x2048xf32>,
      %broadcast_in_dim3A_198 = arith.constant 0.000000e+00 : f32
      %broadcast_in_dim3A_199 = vector.broadcast %broadcast_in_dim3A_198 : f32 to vector<32x2048xf32>
      %swap3A_200 = arith.constant 0 : index
      %swap3A_201 = arith.constant 0 : index
      %swap3A_202 = vector.load %arg18[%swap3A_200, %swap3A_201] : memref<32x2048xf32, #tpu.memory_space<vmem>>, vector<32x2048xf32>
      tpu.vector_store %arg18[%swap3A_200, %swap3A_201], %broadcast_in_dim3A_199 {strides = array<i32>} : memref<32x2048xf32, #tpu.memory_space<vmem>>, vector<32x2048xf32>,
      %dma_start3A = arith.constant 0 : i32
      %dma_start3A_203 = arith.constant 0 : i32
      %dma_start3A_204 = tpu.memref_slice %arg21[%dma_start3A_203] : memref<8x!tpu.dma_semaphore, #tpu.memory_space<semaphore_mem>> -> memref<1x!tpu.dma_semaphore, #tpu.memory_space<semaphore_mem>>
      %dma_start3A_205 = tpu.memref_squeeze %dma_start3A_204 : memref<1x!tpu.dma_semaphore, #tpu.memory_space<semaphore_mem>> -> memref<!tpu.dma_semaphore, #tpu.memory_space<semaphore_mem>>
      %dma_start3A_206 = arith.constant 0 : i32
      %dma_start3A_207 = arith.constant 0 : i32
      %dma_start3A_208 = tpu.memref_slice %arg14[%dma_start3A, %dma_start3A_206, %dma_start3A_207] : memref<2x2048x2048xf32, #tpu.memory_space<any>> -> memref<1x2048x2048xf32, #tpu.memory_space<any>>
      %dma_start3A_209 = tpu.memref_squeeze %dma_start3A_208 : memref<1x2048x2048xf32, #tpu.memory_space<any>> -> memref<2048x2048xf32, #tpu.memory_space<any>>
      %dma_start3A_210 = arith.constant 0 : i32
      %dma_start3A_211 = arith.constant 0 : i32
      %dma_start3A_212 = tpu.memref_slice %dma_start3A_209[%dma_start3A_210, %dma_start3A_211] : memref<2048x2048xf32, #tpu.memory_space<any>> -> memref<512x2048xf32, #tpu.memory_space<any>>
      tpu.enqueue_dma source(%arg20 : memref<512x2048xf32, #tpu.memory_space<vmem>>) target(%dma_start3A_212 : memref<512x2048xf32, #tpu.memory_space<any>>) target_semaphore(%dma_start3A_205 : memref<!tpu.dma_semaphore, #tpu.memory_space<semaphore_mem>>)
      %dma_start3A_213 = arith.constant 0 : i32
      %dma_start3A_214 = arith.constant 1 : i32
      %dma_start3A_215 = tpu.memref_slice %arg21[%dma_start3A_214] : memref<8x!tpu.dma_semaphore, #tpu.memory_space<semaphore_mem>> -> memref<1x!tpu.dma_semaphore, #tpu.memory_space<semaphore_mem>>
      %dma_start3A_216 = tpu.memref_squeeze %dma_start3A_215 : memref<1x!tpu.dma_semaphore, #tpu.memory_space<semaphore_mem>> -> memref<!tpu.dma_semaphore, #tpu.memory_space<semaphore_mem>>
      %dma_start3A_217 = arith.constant 0 : i32
      %dma_start3A_218 = arith.constant 0 : i32
      %dma_start3A_219 = tpu.memref_slice %arg14[%dma_start3A_213, %dma_start3A_217, %dma_start3A_218] : memref<2x2048x2048xf32, #tpu.memory_space<any>> -> memref<1x2048x2048xf32, #tpu.memory_space<any>>
      %dma_start3A_220 = tpu.memref_squeeze %dma_start3A_219 : memref<1x2048x2048xf32, #tpu.memory_space<any>> -> memref<2048x2048xf32, #tpu.memory_space<any>>
      %dma_start3A_221 = arith.constant 512 : i32
      %dma_start3A_222 = arith.constant 0 : i32
      %dma_start3A_223 = tpu.memref_slice %dma_start3A_220[%dma_start3A_221, %dma_start3A_222] : memref<2048x2048xf32, #tpu.memory_space<any>> -> memref<512x2048xf32, #tpu.memory_space<any>>
      tpu.enqueue_dma source(%arg20 : memref<512x2048xf32, #tpu.memory_space<vmem>>) target(%dma_start3A_223 : memref<512x2048xf32, #tpu.memory_space<any>>) target_semaphore(%dma_start3A_216 : memref<!tpu.dma_semaphore, #tpu.memory_space<semaphore_mem>>)
      %dma_start3A_224 = arith.constant 0 : i32
      %dma_start3A_225 = arith.constant 2 : i32
      %dma_start3A_226 = tpu.memref_slice %arg21[%dma_start3A_225] : memref<8x!tpu.dma_semaphore, #tpu.memory_space<semaphore_mem>> -> memref<1x!tpu.dma_semaphore, #tpu.memory_space<semaphore_mem>>
      %dma_start3A_227 = tpu.memref_squeeze %dma_start3A_226 : memref<1x!tpu.dma_semaphore, #tpu.memory_space<semaphore_mem>> -> memref<!tpu.dma_semaphore, #tpu.memory_space<semaphore_mem>>
      %dma_start3A_228 = arith.constant 0 : i32
      %dma_start3A_229 = arith.constant 0 : i32
      %dma_start3A_230 = tpu.memref_slice %arg14[%dma_start3A_224, %dma_start3A_228, %dma_start3A_229] : memref<2x2048x2048xf32, #tpu.memory_space<any>> -> memref<1x2048x2048xf32, #tpu.memory_space<any>>
      %dma_start3A_231 = tpu.memref_squeeze %dma_start3A_230 : memref<1x2048x2048xf32, #tpu.memory_space<any>> -> memref<2048x2048xf32, #tpu.memory_space<any>>
      %dma_start3A_232 = arith.constant 1024 : i32
      %dma_start3A_233 = arith.constant 0 : i32
      %dma_start3A_234 = tpu.memref_slice %dma_start3A_231[%dma_start3A_232, %dma_start3A_233] : memref<2048x2048xf32, #tpu.memory_space<any>> -> memref<512x2048xf32, #tpu.memory_space<any>>
      tpu.enqueue_dma source(%arg20 : memref<512x2048xf32, #tpu.memory_space<vmem>>) target(%dma_start3A_234 : memref<512x2048xf32, #tpu.memory_space<any>>) target_semaphore(%dma_start3A_227 : memref<!tpu.dma_semaphore, #tpu.memory_space<semaphore_mem>>)
      %dma_start3A_235 = arith.constant 0 : i32
      %dma_start3A_236 = arith.constant 3 : i32
      %dma_start3A_237 = tpu.memref_slice %arg21[%dma_start3A_236] : memref<8x!tpu.dma_semaphore, #tpu.memory_space<semaphore_mem>> -> memref<1x!tpu.dma_semaphore, #tpu.memory_space<semaphore_mem>>
      %dma_start3A_238 = tpu.memref_squeeze %dma_start3A_237 : memref<1x!tpu.dma_semaphore, #tpu.memory_space<semaphore_mem>> -> memref<!tpu.dma_semaphore, #tpu.memory_space<semaphore_mem>>
      %dma_start3A_239 = arith.constant 0 : i32
      %dma_start3A_240 = arith.constant 0 : i32
      %dma_start3A_241 = tpu.memref_slice %arg14[%dma_start3A_235, %dma_start3A_239, %dma_start3A_240] : memref<2x2048x2048xf32, #tpu.memory_space<any>> -> memref<1x2048x2048xf32, #tpu.memory_space<any>>
      %dma_start3A_242 = tpu.memref_squeeze %dma_start3A_241 : memref<1x2048x2048xf32, #tpu.memory_space<any>> -> memref<2048x2048xf32, #tpu.memory_space<any>>
      %dma_start3A_243 = arith.constant 1536 : i32
      %dma_start3A_244 = arith.constant 0 : i32
      %dma_start3A_245 = tpu.memref_slice %dma_start3A_242[%dma_start3A_243, %dma_start3A_244] : memref<2048x2048xf32, #tpu.memory_space<any>> -> memref<512x2048xf32, #tpu.memory_space<any>>
      tpu.enqueue_dma source(%arg20 : memref<512x2048xf32, #tpu.memory_space<vmem>>) target(%dma_start3A_245 : memref<512x2048xf32, #tpu.memory_space<any>>) target_semaphore(%dma_start3A_238 : memref<!tpu.dma_semaphore, #tpu.memory_space<semaphore_mem>>)
      %dma_start3A_246 = arith.constant 1 : i32
      %dma_start3A_247 = arith.constant 4 : i32
      %dma_start3A_248 = tpu.memref_slice %arg21[%dma_start3A_247] : memref<8x!tpu.dma_semaphore, #tpu.memory_space<semaphore_mem>> -> memref<1x!tpu.dma_semaphore, #tpu.memory_space<semaphore_mem>>
      %dma_start3A_249 = tpu.memref_squeeze %dma_start3A_248 : memref<1x!tpu.dma_semaphore, #tpu.memory_space<semaphore_mem>> -> memref<!tpu.dma_semaphore, #tpu.memory_space<semaphore_mem>>
      %dma_start3A_250 = arith.constant 0 : i32
      %dma_start3A_251 = arith.constant 0 : i32
      %dma_start3A_252 = tpu.memref_slice %arg14[%dma_start3A_246, %dma_start3A_250, %dma_start3A_251] : memref<2x2048x2048xf32, #tpu.memory_space<any>> -> memref<1x2048x2048xf32, #tpu.memory_space<any>>
      %dma_start3A_253 = tpu.memref_squeeze %dma_start3A_252 : memref<1x2048x2048xf32, #tpu.memory_space<any>> -> memref<2048x2048xf32, #tpu.memory_space<any>>
      %dma_start3A_254 = arith.constant 0 : i32
      %dma_start3A_255 = arith.constant 0 : i32
      %dma_start3A_256 = tpu.memref_slice %dma_start3A_253[%dma_start3A_254, %dma_start3A_255] : memref<2048x2048xf32, #tpu.memory_space<any>> -> memref<512x2048xf32, #tpu.memory_space<any>>
      tpu.enqueue_dma source(%arg20 : memref<512x2048xf32, #tpu.memory_space<vmem>>) target(%dma_start3A_256 : memref<512x2048xf32, #tpu.memory_space<any>>) target_semaphore(%dma_start3A_249 : memref<!tpu.dma_semaphore, #tpu.memory_space<semaphore_mem>>)
      %dma_start3A_257 = arith.constant 1 : i32
      %dma_start3A_258 = arith.constant 5 : i32
      %dma_start3A_259 = tpu.memref_slice %arg21[%dma_start3A_258] : memref<8x!tpu.dma_semaphore, #tpu.memory_space<semaphore_mem>> -> memref<1x!tpu.dma_semaphore, #tpu.memory_space<semaphore_mem>>
      %dma_start3A_260 = tpu.memref_squeeze %dma_start3A_259 : memref<1x!tpu.dma_semaphore, #tpu.memory_space<semaphore_mem>> -> memref<!tpu.dma_semaphore, #tpu.memory_space<semaphore_mem>>
      %dma_start3A_261 = arith.constant 0 : i32
      %dma_start3A_262 = arith.constant 0 : i32
      %dma_start3A_263 = tpu.memref_slice %arg14[%dma_start3A_257, %dma_start3A_261, %dma_start3A_262] : memref<2x2048x2048xf32, #tpu.memory_space<any>> -> memref<1x2048x2048xf32, #tpu.memory_space<any>>
      %dma_start3A_264 = tpu.memref_squeeze %dma_start3A_263 : memref<1x2048x2048xf32, #tpu.memory_space<any>> -> memref<2048x2048xf32, #tpu.memory_space<any>>
      %dma_start3A_265 = arith.constant 512 : i32
      %dma_start3A_266 = arith.constant 0 : i32
      %dma_start3A_267 = tpu.memref_slice %dma_start3A_264[%dma_start3A_265, %dma_start3A_266] : memref<2048x2048xf32, #tpu.memory_space<any>> -> memref<512x2048xf32, #tpu.memory_space<any>>
      tpu.enqueue_dma source(%arg20 : memref<512x2048xf32, #tpu.memory_space<vmem>>) target(%dma_start3A_267 : memref<512x2048xf32, #tpu.memory_space<any>>) target_semaphore(%dma_start3A_260 : memref<!tpu.dma_semaphore, #tpu.memory_space<semaphore_mem>>)
      %dma_start3A_268 = arith.constant 1 : i32
      %dma_start3A_269 = arith.constant 6 : i32
      %dma_start3A_270 = tpu.memref_slice %arg21[%dma_start3A_269] : memref<8x!tpu.dma_semaphore, #tpu.memory_space<semaphore_mem>> -> memref<1x!tpu.dma_semaphore, #tpu.memory_space<semaphore_mem>>
      %dma_start3A_271 = tpu.memref_squeeze %dma_start3A_270 : memref<1x!tpu.dma_semaphore, #tpu.memory_space<semaphore_mem>> -> memref<!tpu.dma_semaphore, #tpu.memory_space<semaphore_mem>>
      %dma_start3A_272 = arith.constant 0 : i32
      %dma_start3A_273 = arith.constant 0 : i32
      %dma_start3A_274 = tpu.memref_slice %arg14[%dma_start3A_268, %dma_start3A_272, %dma_start3A_273] : memref<2x2048x2048xf32, #tpu.memory_space<any>> -> memref<1x2048x2048xf32, #tpu.memory_space<any>>
      %dma_start3A_275 = tpu.memref_squeeze %dma_start3A_274 : memref<1x2048x2048xf32, #tpu.memory_space<any>> -> memref<2048x2048xf32, #tpu.memory_space<any>>
      %dma_start3A_276 = arith.constant 1024 : i32
      %dma_start3A_277 = arith.constant 0 : i32
      %dma_start3A_278 = tpu.memref_slice %dma_start3A_275[%dma_start3A_276, %dma_start3A_277] : memref<2048x2048xf32, #tpu.memory_space<any>> -> memref<512x2048xf32, #tpu.memory_space<any>>
      tpu.enqueue_dma source(%arg20 : memref<512x2048xf32, #tpu.memory_space<vmem>>) target(%dma_start3A_278 : memref<512x2048xf32, #tpu.memory_space<any>>) target_semaphore(%dma_start3A_271 : memref<!tpu.dma_semaphore, #tpu.memory_space<semaphore_mem>>)
      %dma_start3A_279 = arith.constant 1 : i32
      %dma_start3A_280 = arith.constant 7 : i32
      %dma_start3A_281 = tpu.memref_slice %arg21[%dma_start3A_280] : memref<8x!tpu.dma_semaphore, #tpu.memory_space<semaphore_mem>> -> memref<1x!tpu.dma_semaphore, #tpu.memory_space<semaphore_mem>>
      %dma_start3A_282 = tpu.memref_squeeze %dma_start3A_281 : memref<1x!tpu.dma_semaphore, #tpu.memory_space<semaphore_mem>> -> memref<!tpu.dma_semaphore, #tpu.memory_space<semaphore_mem>>
      %dma_start3A_283 = arith.constant 0 : i32
      %dma_start3A_284 = arith.constant 0 : i32
      %dma_start3A_285 = tpu.memref_slice %arg14[%dma_start3A_279, %dma_start3A_283, %dma_start3A_284] : memref<2x2048x2048xf32, #tpu.memory_space<any>> -> memref<1x2048x2048xf32, #tpu.memory_space<any>>
      %dma_start3A_286 = tpu.memref_squeeze %dma_start3A_285 : memref<1x2048x2048xf32, #tpu.memory_space<any>> -> memref<2048x2048xf32, #tpu.memory_space<any>>
      %dma_start3A_287 = arith.constant 1536 : i32
      %dma_start3A_288 = arith.constant 0 : i32
      %dma_start3A_289 = tpu.memref_slice %dma_start3A_286[%dma_start3A_287, %dma_start3A_288] : memref<2048x2048xf32, #tpu.memory_space<any>> -> memref<512x2048xf32, #tpu.memory_space<any>>
      tpu.enqueue_dma source(%arg20 : memref<512x2048xf32, #tpu.memory_space<vmem>>) target(%dma_start3A_289 : memref<512x2048xf32, #tpu.memory_space<any>>) target_semaphore(%dma_start3A_282 : memref<!tpu.dma_semaphore, #tpu.memory_space<semaphore_mem>>)
    } else {
    }
    %get3A = arith.constant 0 : index
    %get3A_2 = arith.constant 0 : index
    %get3A_3 = vector.load %arg1[%get3A, %get3A_2] : memref<288x2048xf32, #tpu.memory_space<vmem>>, vector<256x2048xf32>
    %get3A_4 = arith.constant 0 : index
    %get3A_5 = arith.constant 0 : index
    %get3A_6 = arith.constant 0 : index
    %get3A_7 = vector.load %arg2[%get3A_4, %get3A_5, %get3A_6] : memref<1x2048x512xf32, #tpu.memory_space<vmem>>, vector<1x2048x512xf32>
    %get3A_8 = vector.shape_cast %get3A_7 : vector<1x2048x512xf32> to vector<2048x512xf32>
    %dot_general3A = arith.constant dense<0.000000e+00> : vector<256x512xf32>
    %dot_general3A_9 = tpu.matmul %get3A_3, %get3A_8, %dot_general3A {dimension_numbers = #tpu.dot_dimension_numbers<[1], [0], [0], [1], [0, 0, 1, 1], [], []>, transpose_lhs_hint = false} : vector<256x2048xf32>, vector<2048x512xf32>, vector<256x512xf32> -> vector<256x512xf32>
    %get3A_10 = arith.constant 0 : index
    %get3A_11 = arith.constant 0 : index
    %get3A_12 = arith.constant 0 : index
    %get3A_13 = vector.load %arg3[%get3A_10, %get3A_11, %get3A_12] : memref<1x1x512xf32, #tpu.memory_space<vmem>>, vector<1x1x512xf32>
    %get3A_14 = vector.shape_cast %get3A_13 : vector<1x1x512xf32> to vector<1x512xf32>
    %add3A = vector.broadcast %get3A_14 : vector<1x512xf32> to vector<256x512xf32>
    %add3A_15 = arith.addf %dot_general3A_9, %add3A : vector<256x512xf32>
    %mul3A = arith.constant 5.000000e-01 : f32
    %mul3A_16 = vector.broadcast %mul3A : f32 to vector<256x512xf32>
    %mul3A_17 = arith.mulf %add3A_15, %mul3A_16 : vector<256x512xf32>
    %mul3A_18 = arith.constant 0.707106769 : f32
    %mul3A_19 = vector.broadcast %mul3A_18 : f32 to vector<256x512xf32>
    %mul3A_20 = arith.mulf %add3A_15, %mul3A_19 : vector<256x512xf32>
    %erf3A = math.erf %mul3A_20 : vector<256x512xf32>
    %add3A_21 = arith.constant 1.000000e+00 : f32
    %add3A_22 = vector.broadcast %add3A_21 : f32 to vector<256x512xf32>
    %add3A_23 = arith.addf %add3A_22, %erf3A : vector<256x512xf32>
    %mul3A_24 = arith.mulf %mul3A_17, %add3A_23 : vector<256x512xf32>
    %get3A_25 = arith.constant 0 : index
    %get3A_26 = arith.constant 0 : index
    %get3A_27 = vector.load %arg15[%get3A_25, %get3A_26] : memref<32x256xf32, #tpu.memory_space<vmem>>, vector<32x256xf32>
    %dot_general3A_28 = arith.constant dense<0.000000e+00> : vector<32x512xf32>
    %dot_general3A_29 = tpu.matmul %get3A_27, %mul3A_24, %dot_general3A_28 {dimension_numbers = #tpu.dot_dimension_numbers<[1], [0], [0], [1], [0, 0, 1, 1], [], []>, transpose_lhs_hint = false} : vector<32x256xf32>, vector<256x512xf32>, vector<32x512xf32> -> vector<32x512xf32>
    %iota3A = tpu.iota {dimensions = array<i32: 1>} : vector<32x128xi32>
    %eq3A_30 = vector.broadcast %arg0 : i32 to vector<32x128xi32>
    %eq3A_31 = arith.cmpi eq, %iota3A, %eq3A_30 : vector<32x128xi32>
    %get3A_32 = arith.constant 0 : index
    %get3A_33 = arith.constant 0 : index
    %get3A_34 = vector.load %arg16[%get3A_32, %get3A_33] : memref<32x128xf32, #tpu.memory_space<vmem>>, vector<32x128xf32>
    %jit3A = arith.constant 0.000000e+00 : f32
    %broadcast_in_dim3A = vector.broadcast %jit3A : f32 to vector<32x128xf32>
    %select_n3A = arith.select %eq3A_31, %get3A_34, %broadcast_in_dim3A : vector<32x128xi1>, vector<32x128xf32>
    %reduce_sum3A = arith.constant dense<0.000000e+00> : vector<32xf32>
    %reduce_sum3A_35 = vector.multi_reduction <add>, %select_n3A, %reduce_sum3A [1] : vector<32x128xf32> to vector<32xf32>
    %broadcast_in_dim3A_36 = vector.shape_cast %reduce_sum3A_35 : vector<32xf32> to vector<32x1xf32>
    %get3A_37 = arith.constant 0 : index
    %get3A_38 = arith.constant 0 : index
    %get3A_39 = vector.load %arg17[%get3A_37, %get3A_38] : memref<32x2048xf32, #tpu.memory_space<vmem>>, vector<32x2048xf32>
    %mul3A_40 = vector.broadcast %broadcast_in_dim3A_36 : vector<32x1xf32> to vector<32x512xf32>
    %mul3A_41 = arith.mulf %dot_general3A_29, %mul3A_40 : vector<32x512xf32>
    %get3A_42 = arith.constant 0 : index
    %get3A_43 = arith.constant 0 : index
    %get3A_44 = arith.constant 0 : index
    %get3A_45 = vector.load %arg4[%get3A_42, %get3A_43, %get3A_44] : memref<1x512x2048xf32, #tpu.memory_space<vmem>>, vector<1x512x2048xf32>
    %get3A_46 = vector.shape_cast %get3A_45 : vector<1x512x2048xf32> to vector<512x2048xf32>
    %dot_general3A_47 = arith.constant dense<0.000000e+00> : vector<32x2048xf32>
    %dot_general3A_48 = tpu.matmul %mul3A_41, %get3A_46, %dot_general3A_47 {dimension_numbers = #tpu.dot_dimension_numbers<[1], [0], [0], [1], [0, 0, 1, 1], [], []>, transpose_lhs_hint = false} : vector<32x512xf32>, vector<512x2048xf32>, vector<32x2048xf32> -> vector<32x2048xf32>
    %add3A_49 = arith.addf %get3A_39, %dot_general3A_48 : vector<32x2048xf32>
    %swap3A = arith.constant 0 : index
    %swap3A_50 = arith.constant 0 : index
    %swap3A_51 = vector.load %arg17[%swap3A, %swap3A_50] : memref<32x2048xf32, #tpu.memory_space<vmem>>, vector<32x2048xf32>
    tpu.vector_store %arg17[%swap3A, %swap3A_50], %add3A_49 {strides = array<i32>} : memref<32x2048xf32, #tpu.memory_space<vmem>>, vector<32x2048xf32>,
    %get3A_52 = arith.constant 0 : index
    %get3A_53 = arith.constant 0 : index
    %get3A_54 = vector.load %arg18[%get3A_52, %get3A_53] : memref<32x2048xf32, #tpu.memory_space<vmem>>, vector<32x2048xf32>
    %get3A_55 = arith.constant 0 : index
    %get3A_56 = arith.constant 0 : index
    %get3A_57 = arith.constant 0 : index
    %get3A_58 = vector.load %arg5[%get3A_55, %get3A_56, %get3A_57] : memref<1x1x2048xf32, #tpu.memory_space<vmem>>, vector<1x1x2048xf32>
    %get3A_59 = vector.shape_cast %get3A_58 : vector<1x1x2048xf32> to vector<1x2048xf32>
    %mul3A_60 = vector.broadcast %broadcast_in_dim3A_36 : vector<32x1xf32> to vector<32x2048xf32>
    %mul3A_61 = vector.broadcast %get3A_59 : vector<1x2048xf32> to vector<32x2048xf32>
    %mul3A_62 = arith.mulf %mul3A_60, %mul3A_61 : vector<32x2048xf32>
    %add3A_63 = arith.addf %get3A_54, %mul3A_62 : vector<32x2048xf32>
    %swap3A_64 = arith.constant 0 : index
    %swap3A_65 = arith.constant 0 : index
    %swap3A_66 = vector.load %arg18[%swap3A_64, %swap3A_65] : memref<32x2048xf32, #tpu.memory_space<vmem>>, vector<32x2048xf32>
    tpu.vector_store %arg18[%swap3A_64, %swap3A_65], %add3A_63 {strides = array<i32>} : memref<32x2048xf32, #tpu.memory_space<vmem>>, vector<32x2048xf32>,
    %eq3A_67 = arith.constant 7 : i32
    %eq3A_68 = arith.cmpi eq, %arg0, %eq3A_67 : i32
    %convert_element_type3A_69 = arith.extui %eq3A_68 : i1 to i32
    %cond3A_70 = arith.constant 0 : i32
    %cond3A_71 = arith.cmpi ne, %convert_element_type3A_69, %cond3A_70 : i32
    scf.if %cond3A_71 {
      %get3A_72 = arith.constant 0 : index
      %get3A_73 = arith.constant 0 : index
      %get3A_74 = vector.load %arg15[%get3A_72, %get3A_73] : memref<32x256xf32, #tpu.memory_space<vmem>>, vector<32x256xf32>
      %reduce_sum3A_75 = arith.constant dense<0.000000e+00> : vector<32xf32>
      %reduce_sum3A_76 = vector.multi_reduction <add>, %get3A_74, %reduce_sum3A_75 [1] : vector<32x256xf32> to vector<32xf32>
      %broadcast_in_dim3A_77 = vector.shape_cast %reduce_sum3A_76 : vector<32xf32> to vector<32x1xf32>
      %gt3A = arith.constant 5.000000e-01 : f32
      %gt3A_78 = vector.broadcast %gt3A : f32 to vector<32x1xf32>
      %gt3A_79 = arith.cmpf ogt, %broadcast_in_dim3A_77, %gt3A_78 : vector<32x1xf32>
      %get3A_80 = arith.constant 0 : index
      %get3A_81 = arith.constant 0 : index
      %get3A_82 = vector.load %arg17[%get3A_80, %get3A_81] : memref<32x2048xf32, #tpu.memory_space<vmem>>, vector<32x2048xf32>
      %convert_element_type3A_83 = arith.extui %gt3A_79 : vector<32x1xi1> to vector<32x1xi32>
      %convert_element_type3A_84 = arith.sitofp %convert_element_type3A_83 : vector<32x1xi32> to vector<32x1xf32>
      %get3A_85 = arith.constant 0 : index
      %get3A_86 = arith.constant 0 : index
      %get3A_87 = vector.load %arg18[%get3A_85, %get3A_86] : memref<32x2048xf32, #tpu.memory_space<vmem>>, vector<32x2048xf32>
      %mul3A_88 = vector.broadcast %convert_element_type3A_84 : vector<32x1xf32> to vector<32x2048xf32>
      %mul3A_89 = arith.mulf %mul3A_88, %get3A_87 : vector<32x2048xf32>
      %add3A_90 = arith.addf %get3A_82, %mul3A_89 : vector<32x2048xf32>
      %reduce_sum3A_91 = arith.constant dense<0.000000e+00> : vector<32xf32>
      %reduce_sum3A_92 = vector.multi_reduction <add>, %add3A_90, %reduce_sum3A_91 [1] : vector<32x2048xf32> to vector<32xf32>
      %broadcast_in_dim3A_93 = vector.shape_cast %reduce_sum3A_92 : vector<32xf32> to vector<32x1xf32>
      %div3A = arith.constant 2.048000e+03 : f32
      %div3A_94 = vector.broadcast %div3A : f32 to vector<32x1xf32>
      %div3A_95 = arith.divf %broadcast_in_dim3A_93, %div3A_94 : vector<32x1xf32>
      %sub3A = vector.broadcast %div3A_95 : vector<32x1xf32> to vector<32x2048xf32>
      %sub3A_96 = arith.subf %add3A_90, %sub3A : vector<32x2048xf32>
      %integer_pow3A = arith.mulf %sub3A_96, %sub3A_96 : vector<32x2048xf32>
      %reduce_sum3A_97 = arith.constant dense<0.000000e+00> : vector<32xf32>
      %reduce_sum3A_98 = vector.multi_reduction <add>, %integer_pow3A, %reduce_sum3A_97 [1] : vector<32x2048xf32> to vector<32xf32>
      %broadcast_in_dim3A_99 = vector.shape_cast %reduce_sum3A_98 : vector<32xf32> to vector<32x1xf32>
      %div3A_100 = arith.constant 2.048000e+03 : f32
      %div3A_101 = vector.broadcast %div3A_100 : f32 to vector<32x1xf32>
      %div3A_102 = arith.divf %broadcast_in_dim3A_99, %div3A_101 : vector<32x1xf32>
      %sub3A_103 = vector.broadcast %div3A_95 : vector<32x1xf32> to vector<32x2048xf32>
      %sub3A_104 = arith.subf %add3A_90, %sub3A_103 : vector<32x2048xf32>
      %add3A_105 = arith.constant 9.99999974E-6 : f32
      %add3A_106 = vector.broadcast %add3A_105 : f32 to vector<32x1xf32>
      %add3A_107 = arith.addf %div3A_102, %add3A_106 : vector<32x1xf32>
      %rsqrt3A = math.rsqrt %add3A_107 : vector<32x1xf32>
      %mul3A_108 = vector.broadcast %rsqrt3A : vector<32x1xf32> to vector<32x2048xf32>
      %mul3A_109 = arith.mulf %sub3A_104, %mul3A_108 : vector<32x2048xf32>
      %swap3A_110 = arith.constant 0 : index
      %swap3A_111 = arith.constant 0 : index
      %swap3A_112 = vector.load %arg19[%swap3A_110, %swap3A_111] : memref<32x2048xf32, #tpu.memory_space<vmem>>, vector<32x2048xf32>
      tpu.vector_store %arg19[%swap3A_110, %swap3A_111], %mul3A_109 {strides = array<i32>} : memref<32x2048xf32, #tpu.memory_space<vmem>>, vector<32x2048xf32>,
      %dma_wait3A = arith.constant 0 : i32
      %dma_wait3A_113 = arith.constant 0 : i32
      %dma_wait3A_114 = tpu.memref_slice %arg21[%dma_wait3A_113] : memref<8x!tpu.dma_semaphore, #tpu.memory_space<semaphore_mem>> -> memref<1x!tpu.dma_semaphore, #tpu.memory_space<semaphore_mem>>
      %dma_wait3A_115 = tpu.memref_squeeze %dma_wait3A_114 : memref<1x!tpu.dma_semaphore, #tpu.memory_space<semaphore_mem>> -> memref<!tpu.dma_semaphore, #tpu.memory_space<semaphore_mem>>
      %dma_wait3A_116 = arith.constant 0 : i32
      %dma_wait3A_117 = arith.constant 0 : i32
      %dma_wait3A_118 = tpu.memref_slice %arg14[%dma_wait3A, %dma_wait3A_116, %dma_wait3A_117] : memref<2x2048x2048xf32, #tpu.memory_space<any>> -> memref<1x2048x2048xf32, #tpu.memory_space<any>>
      %dma_wait3A_119 = tpu.memref_squeeze %dma_wait3A_118 : memref<1x2048x2048xf32, #tpu.memory_space<any>> -> memref<2048x2048xf32, #tpu.memory_space<any>>
      %dma_wait3A_120 = arith.constant 0 : i32
      %dma_wait3A_121 = arith.constant 0 : i32
      %dma_wait3A_122 = tpu.memref_slice %dma_wait3A_119[%dma_wait3A_120, %dma_wait3A_121] : memref<2048x2048xf32, #tpu.memory_space<any>> -> memref<512x2048xf32, #tpu.memory_space<any>>
      tpu.wait_dma2 semaphore(%dma_wait3A_115 : memref<!tpu.dma_semaphore, #tpu.memory_space<semaphore_mem>>) src(%arg20 : memref<512x2048xf32, #tpu.memory_space<vmem>>) dst(%dma_wait3A_122 : memref<512x2048xf32, #tpu.memory_space<any>>)
      %dma_wait3A_123 = arith.constant 0 : i32
      %dma_wait3A_124 = arith.constant 1 : i32
      %dma_wait3A_125 = tpu.memref_slice %arg21[%dma_wait3A_124] : memref<8x!tpu.dma_semaphore, #tpu.memory_space<semaphore_mem>> -> memref<1x!tpu.dma_semaphore, #tpu.memory_space<semaphore_mem>>
      %dma_wait3A_126 = tpu.memref_squeeze %dma_wait3A_125 : memref<1x!tpu.dma_semaphore, #tpu.memory_space<semaphore_mem>> -> memref<!tpu.dma_semaphore, #tpu.memory_space<semaphore_mem>>
      %dma_wait3A_127 = arith.constant 0 : i32
      %dma_wait3A_128 = arith.constant 0 : i32
      %dma_wait3A_129 = tpu.memref_slice %arg14[%dma_wait3A_123, %dma_wait3A_127, %dma_wait3A_128] : memref<2x2048x2048xf32, #tpu.memory_space<any>> -> memref<1x2048x2048xf32, #tpu.memory_space<any>>
      %dma_wait3A_130 = tpu.memref_squeeze %dma_wait3A_129 : memref<1x2048x2048xf32, #tpu.memory_space<any>> -> memref<2048x2048xf32, #tpu.memory_space<any>>
      %dma_wait3A_131 = arith.constant 512 : i32
      %dma_wait3A_132 = arith.constant 0 : i32
      %dma_wait3A_133 = tpu.memref_slice %dma_wait3A_130[%dma_wait3A_131, %dma_wait3A_132] : memref<2048x2048xf32, #tpu.memory_space<any>> -> memref<512x2048xf32, #tpu.memory_space<any>>
      tpu.wait_dma2 semaphore(%dma_wait3A_126 : memref<!tpu.dma_semaphore, #tpu.memory_space<semaphore_mem>>) src(%arg20 : memref<512x2048xf32, #tpu.memory_space<vmem>>) dst(%dma_wait3A_133 : memref<512x2048xf32, #tpu.memory_space<any>>)
      %dma_wait3A_134 = arith.constant 0 : i32
      %dma_wait3A_135 = arith.constant 2 : i32
      %dma_wait3A_136 = tpu.memref_slice %arg21[%dma_wait3A_135] : memref<8x!tpu.dma_semaphore, #tpu.memory_space<semaphore_mem>> -> memref<1x!tpu.dma_semaphore, #tpu.memory_space<semaphore_mem>>
      %dma_wait3A_137 = tpu.memref_squeeze %dma_wait3A_136 : memref<1x!tpu.dma_semaphore, #tpu.memory_space<semaphore_mem>> -> memref<!tpu.dma_semaphore, #tpu.memory_space<semaphore_mem>>
      %dma_wait3A_138 = arith.constant 0 : i32
      %dma_wait3A_139 = arith.constant 0 : i32
      %dma_wait3A_140 = tpu.memref_slice %arg14[%dma_wait3A_134, %dma_wait3A_138, %dma_wait3A_139] : memref<2x2048x2048xf32, #tpu.memory_space<any>> -> memref<1x2048x2048xf32, #tpu.memory_space<any>>
      %dma_wait3A_141 = tpu.memref_squeeze %dma_wait3A_140 : memref<1x2048x2048xf32, #tpu.memory_space<any>> -> memref<2048x2048xf32, #tpu.memory_space<any>>
      %dma_wait3A_142 = arith.constant 1024 : i32
      %dma_wait3A_143 = arith.constant 0 : i32
      %dma_wait3A_144 = tpu.memref_slice %dma_wait3A_141[%dma_wait3A_142, %dma_wait3A_143] : memref<2048x2048xf32, #tpu.memory_space<any>> -> memref<512x2048xf32, #tpu.memory_space<any>>
      tpu.wait_dma2 semaphore(%dma_wait3A_137 : memref<!tpu.dma_semaphore, #tpu.memory_space<semaphore_mem>>) src(%arg20 : memref<512x2048xf32, #tpu.memory_space<vmem>>) dst(%dma_wait3A_144 : memref<512x2048xf32, #tpu.memory_space<any>>)
      %dma_wait3A_145 = arith.constant 0 : i32
      %dma_wait3A_146 = arith.constant 3 : i32
      %dma_wait3A_147 = tpu.memref_slice %arg21[%dma_wait3A_146] : memref<8x!tpu.dma_semaphore, #tpu.memory_space<semaphore_mem>> -> memref<1x!tpu.dma_semaphore, #tpu.memory_space<semaphore_mem>>
      %dma_wait3A_148 = tpu.memref_squeeze %dma_wait3A_147 : memref<1x!tpu.dma_semaphore, #tpu.memory_space<semaphore_mem>> -> memref<!tpu.dma_semaphore, #tpu.memory_space<semaphore_mem>>
      %dma_wait3A_149 = arith.constant 0 : i32
      %dma_wait3A_150 = arith.constant 0 : i32
      %dma_wait3A_151 = tpu.memref_slice %arg14[%dma_wait3A_145, %dma_wait3A_149, %dma_wait3A_150] : memref<2x2048x2048xf32, #tpu.memory_space<any>> -> memref<1x2048x2048xf32, #tpu.memory_space<any>>
      %dma_wait3A_152 = tpu.memref_squeeze %dma_wait3A_151 : memref<1x2048x2048xf32, #tpu.memory_space<any>> -> memref<2048x2048xf32, #tpu.memory_space<any>>
      %dma_wait3A_153 = arith.constant 1536 : i32
      %dma_wait3A_154 = arith.constant 0 : i32
      %dma_wait3A_155 = tpu.memref_slice %dma_wait3A_152[%dma_wait3A_153, %dma_wait3A_154] : memref<2048x2048xf32, #tpu.memory_space<any>> -> memref<512x2048xf32, #tpu.memory_space<any>>
      tpu.wait_dma2 semaphore(%dma_wait3A_148 : memref<!tpu.dma_semaphore, #tpu.memory_space<semaphore_mem>>) src(%arg20 : memref<512x2048xf32, #tpu.memory_space<vmem>>) dst(%dma_wait3A_155 : memref<512x2048xf32, #tpu.memory_space<any>>)
      %dma_wait3A_156 = arith.constant 1 : i32
      %dma_wait3A_157 = arith.constant 4 : i32
      %dma_wait3A_158 = tpu.memref_slice %arg21[%dma_wait3A_157] : memref<8x!tpu.dma_semaphore, #tpu.memory_space<semaphore_mem>> -> memref<1x!tpu.dma_semaphore, #tpu.memory_space<semaphore_mem>>
      %dma_wait3A_159 = tpu.memref_squeeze %dma_wait3A_158 : memref<1x!tpu.dma_semaphore, #tpu.memory_space<semaphore_mem>> -> memref<!tpu.dma_semaphore, #tpu.memory_space<semaphore_mem>>
      %dma_wait3A_160 = arith.constant 0 : i32
      %dma_wait3A_161 = arith.constant 0 : i32
      %dma_wait3A_162 = tpu.memref_slice %arg14[%dma_wait3A_156, %dma_wait3A_160, %dma_wait3A_161] : memref<2x2048x2048xf32, #tpu.memory_space<any>> -> memref<1x2048x2048xf32, #tpu.memory_space<any>>
      %dma_wait3A_163 = tpu.memref_squeeze %dma_wait3A_162 : memref<1x2048x2048xf32, #tpu.memory_space<any>> -> memref<2048x2048xf32, #tpu.memory_space<any>>
      %dma_wait3A_164 = arith.constant 0 : i32
      %dma_wait3A_165 = arith.constant 0 : i32
      %dma_wait3A_166 = tpu.memref_slice %dma_wait3A_163[%dma_wait3A_164, %dma_wait3A_165] : memref<2048x2048xf32, #tpu.memory_space<any>> -> memref<512x2048xf32, #tpu.memory_space<any>>
      tpu.wait_dma2 semaphore(%dma_wait3A_159 : memref<!tpu.dma_semaphore, #tpu.memory_space<semaphore_mem>>) src(%arg20 : memref<512x2048xf32, #tpu.memory_space<vmem>>) dst(%dma_wait3A_166 : memref<512x2048xf32, #tpu.memory_space<any>>)
      %dma_wait3A_167 = arith.constant 1 : i32
      %dma_wait3A_168 = arith.constant 5 : i32
      %dma_wait3A_169 = tpu.memref_slice %arg21[%dma_wait3A_168] : memref<8x!tpu.dma_semaphore, #tpu.memory_space<semaphore_mem>> -> memref<1x!tpu.dma_semaphore, #tpu.memory_space<semaphore_mem>>
      %dma_wait3A_170 = tpu.memref_squeeze %dma_wait3A_169 : memref<1x!tpu.dma_semaphore, #tpu.memory_space<semaphore_mem>> -> memref<!tpu.dma_semaphore, #tpu.memory_space<semaphore_mem>>
      %dma_wait3A_171 = arith.constant 0 : i32
      %dma_wait3A_172 = arith.constant 0 : i32
      %dma_wait3A_173 = tpu.memref_slice %arg14[%dma_wait3A_167, %dma_wait3A_171, %dma_wait3A_172] : memref<2x2048x2048xf32, #tpu.memory_space<any>> -> memref<1x2048x2048xf32, #tpu.memory_space<any>>
      %dma_wait3A_174 = tpu.memref_squeeze %dma_wait3A_173 : memref<1x2048x2048xf32, #tpu.memory_space<any>> -> memref<2048x2048xf32, #tpu.memory_space<any>>
      %dma_wait3A_175 = arith.constant 512 : i32
      %dma_wait3A_176 = arith.constant 0 : i32
      %dma_wait3A_177 = tpu.memref_slice %dma_wait3A_174[%dma_wait3A_175, %dma_wait3A_176] : memref<2048x2048xf32, #tpu.memory_space<any>> -> memref<512x2048xf32, #tpu.memory_space<any>>
      tpu.wait_dma2 semaphore(%dma_wait3A_170 : memref<!tpu.dma_semaphore, #tpu.memory_space<semaphore_mem>>) src(%arg20 : memref<512x2048xf32, #tpu.memory_space<vmem>>) dst(%dma_wait3A_177 : memref<512x2048xf32, #tpu.memory_space<any>>)
      %dma_wait3A_178 = arith.constant 1 : i32
      %dma_wait3A_179 = arith.constant 6 : i32
      %dma_wait3A_180 = tpu.memref_slice %arg21[%dma_wait3A_179] : memref<8x!tpu.dma_semaphore, #tpu.memory_space<semaphore_mem>> -> memref<1x!tpu.dma_semaphore, #tpu.memory_space<semaphore_mem>>
      %dma_wait3A_181 = tpu.memref_squeeze %dma_wait3A_180 : memref<1x!tpu.dma_semaphore, #tpu.memory_space<semaphore_mem>> -> memref<!tpu.dma_semaphore, #tpu.memory_space<semaphore_mem>>
      %dma_wait3A_182 = arith.constant 0 : i32
      %dma_wait3A_183 = arith.constant 0 : i32
      %dma_wait3A_184 = tpu.memref_slice %arg14[%dma_wait3A_178, %dma_wait3A_182, %dma_wait3A_183] : memref<2x2048x2048xf32, #tpu.memory_space<any>> -> memref<1x2048x2048xf32, #tpu.memory_space<any>>
      %dma_wait3A_185 = tpu.memref_squeeze %dma_wait3A_184 : memref<1x2048x2048xf32, #tpu.memory_space<any>> -> memref<2048x2048xf32, #tpu.memory_space<any>>
      %dma_wait3A_186 = arith.constant 1024 : i32
      %dma_wait3A_187 = arith.constant 0 : i32
      %dma_wait3A_188 = tpu.memref_slice %dma_wait3A_185[%dma_wait3A_186, %dma_wait3A_187] : memref<2048x2048xf32, #tpu.memory_space<any>> -> memref<512x2048xf32, #tpu.memory_space<any>>
      tpu.wait_dma2 semaphore(%dma_wait3A_181 : memref<!tpu.dma_semaphore, #tpu.memory_space<semaphore_mem>>) src(%arg20 : memref<512x2048xf32, #tpu.memory_space<vmem>>) dst(%dma_wait3A_188 : memref<512x2048xf32, #tpu.memory_space<any>>)
      %dma_wait3A_189 = arith.constant 1 : i32
      %dma_wait3A_190 = arith.constant 7 : i32
      %dma_wait3A_191 = tpu.memref_slice %arg21[%dma_wait3A_190] : memref<8x!tpu.dma_semaphore, #tpu.memory_space<semaphore_mem>> -> memref<1x!tpu.dma_semaphore, #tpu.memory_space<semaphore_mem>>
      %dma_wait3A_192 = tpu.memref_squeeze %dma_wait3A_191 : memref<1x!tpu.dma_semaphore, #tpu.memory_space<semaphore_mem>> -> memref<!tpu.dma_semaphore, #tpu.memory_space<semaphore_mem>>
      %dma_wait3A_193 = arith.constant 0 : i32
      %dma_wait3A_194 = arith.constant 0 : i32
      %dma_wait3A_195 = tpu.memref_slice %arg14[%dma_wait3A_189, %dma_wait3A_193, %dma_wait3A_194] : memref<2x2048x2048xf32, #tpu.memory_space<any>> -> memref<1x2048x2048xf32, #tpu.memory_space<any>>
      %dma_wait3A_196 = tpu.memref_squeeze %dma_wait3A_195 : memref<1x2048x2048xf32, #tpu.memory_space<any>> -> memref<2048x2048xf32, #tpu.memory_space<any>>
      %dma_wait3A_197 = arith.constant 1536 : i32
      %dma_wait3A_198 = arith.constant 0 : i32
      %dma_wait3A_199 = tpu.memref_slice %dma_wait3A_196[%dma_wait3A_197, %dma_wait3A_198] : memref<2048x2048xf32, #tpu.memory_space<any>> -> memref<512x2048xf32, #tpu.memory_space<any>>
      tpu.wait_dma2 semaphore(%dma_wait3A_192 : memref<!tpu.dma_semaphore, #tpu.memory_space<semaphore_mem>>) src(%arg20 : memref<512x2048xf32, #tpu.memory_space<vmem>>) dst(%dma_wait3A_199 : memref<512x2048xf32, #tpu.memory_space<any>>)
      %get3A_200 = arith.constant 0 : index
      %get3A_201 = memref.load %arg11[%get3A_200] : memref<32xi32, #tpu.memory_space<smem>>
      %ne3A = arith.constant 0 : i32
      %ne3A_202 = arith.cmpi ne, %get3A_201, %ne3A : i32
      %convert_element_type3A_203 = arith.extui %ne3A_202 : i1 to i32
      %cond3A_204 = arith.constant 0 : i32
      %cond3A_205 = arith.cmpi ne, %convert_element_type3A_203, %cond3A_204 : i32
      scf.if %cond3A_205 {
        %get3A_647 = arith.constant 0 : index
        %get3A_648 = memref.load %arg12[%get3A_647] : memref<32xi32, #tpu.memory_space<smem>>
        %get3A_649 = arith.constant 0 : index
        %get3A_650 = memref.load %arg13[%get3A_649] : memref<32xi32, #tpu.memory_space<smem>>
        %dma_start3A = arith.constant 0 : i32
        %dma_start3A_651 = tpu.memref_slice %arg22[%dma_start3A] : memref<32x!tpu.dma_semaphore, #tpu.memory_space<semaphore_mem>> -> memref<1x!tpu.dma_semaphore, #tpu.memory_space<semaphore_mem>>
        %dma_start3A_652 = tpu.memref_squeeze %dma_start3A_651 : memref<1x!tpu.dma_semaphore, #tpu.memory_space<semaphore_mem>> -> memref<!tpu.dma_semaphore, #tpu.memory_space<semaphore_mem>>
        %dma_start3A_653 = arith.constant 0 : i32
        %dma_start3A_654 = arith.constant 0 : i32
        %dma_start3A_655 = tpu.memref_slice %arg14[%get3A_648, %dma_start3A_653, %dma_start3A_654] : memref<2x2048x2048xf32, #tpu.memory_space<any>> -> memref<1x2048x2048xf32, #tpu.memory_space<any>>
        %dma_start3A_656 = tpu.memref_squeeze %dma_start3A_655 : memref<1x2048x2048xf32, #tpu.memory_space<any>> -> memref<2048x2048xf32, #tpu.memory_space<any>>
        %dma_start3A_657 = arith.constant 0 : i32
        %dma_start3A_658 = tpu.memref_slice %dma_start3A_656[%get3A_650, %dma_start3A_657] : memref<2048x2048xf32, #tpu.memory_space<any>> -> memref<1x2048xf32, #tpu.memory_space<any>>
        %dma_start3A_659 = arith.constant 0 : i32
        %dma_start3A_660 = arith.constant 0 : i32
        %dma_start3A_661 = tpu.memref_slice %arg19[%dma_start3A_659, %dma_start3A_660] : memref<32x2048xf32, #tpu.memory_space<vmem>> -> memref<1x2048xf32, #tpu.memory_space<vmem>>
        tpu.enqueue_dma source(%dma_start3A_661 : memref<1x2048xf32, #tpu.memory_space<vmem>>) target(%dma_start3A_658 : memref<1x2048xf32, #tpu.memory_space<any>>) target_semaphore(%dma_start3A_652 : memref<!tpu.dma_semaphore, #tpu.memory_space<semaphore_mem>>)
      } else {
      }
      %get3A_206 = arith.constant 1 : index
      %get3A_207 = memref.load %arg11[%get3A_206] : memref<32xi32, #tpu.memory_space<smem>>
      %ne3A_208 = arith.constant 0 : i32
      %ne3A_209 = arith.cmpi ne, %get3A_207, %ne3A_208 : i32
      %convert_element_type3A_210 = arith.extui %ne3A_209 : i1 to i32
      %cond3A_211 = arith.constant 0 : i32
      %cond3A_212 = arith.cmpi ne, %convert_element_type3A_210, %cond3A_211 : i32
      scf.if %cond3A_212 {
        %get3A_647 = arith.constant 1 : index
        %get3A_648 = memref.load %arg12[%get3A_647] : memref<32xi32, #tpu.memory_space<smem>>
        %get3A_649 = arith.constant 1 : index
        %get3A_650 = memref.load %arg13[%get3A_649] : memref<32xi32, #tpu.memory_space<smem>>
        %dma_start3A = arith.constant 1 : i32
        %dma_start3A_651 = tpu.memref_slice %arg22[%dma_start3A] : memref<32x!tpu.dma_semaphore, #tpu.memory_space<semaphore_mem>> -> memref<1x!tpu.dma_semaphore, #tpu.memory_space<semaphore_mem>>
        %dma_start3A_652 = tpu.memref_squeeze %dma_start3A_651 : memref<1x!tpu.dma_semaphore, #tpu.memory_space<semaphore_mem>> -> memref<!tpu.dma_semaphore, #tpu.memory_space<semaphore_mem>>
        %dma_start3A_653 = arith.constant 0 : i32
        %dma_start3A_654 = arith.constant 0 : i32
        %dma_start3A_655 = tpu.memref_slice %arg14[%get3A_648, %dma_start3A_653, %dma_start3A_654] : memref<2x2048x2048xf32, #tpu.memory_space<any>> -> memref<1x2048x2048xf32, #tpu.memory_space<any>>
        %dma_start3A_656 = tpu.memref_squeeze %dma_start3A_655 : memref<1x2048x2048xf32, #tpu.memory_space<any>> -> memref<2048x2048xf32, #tpu.memory_space<any>>
        %dma_start3A_657 = arith.constant 0 : i32
        %dma_start3A_658 = tpu.memref_slice %dma_start3A_656[%get3A_650, %dma_start3A_657] : memref<2048x2048xf32, #tpu.memory_space<any>> -> memref<1x2048xf32, #tpu.memory_space<any>>
        %dma_start3A_659 = arith.constant 1 : i32
        %dma_start3A_660 = arith.constant 0 : i32
        %dma_start3A_661 = tpu.memref_slice %arg19[%dma_start3A_659, %dma_start3A_660] : memref<32x2048xf32, #tpu.memory_space<vmem>> -> memref<1x2048xf32, #tpu.memory_space<vmem>>
        tpu.enqueue_dma source(%dma_start3A_661 : memref<1x2048xf32, #tpu.memory_space<vmem>>) target(%dma_start3A_658 : memref<1x2048xf32, #tpu.memory_space<any>>) target_semaphore(%dma_start3A_652 : memref<!tpu.dma_semaphore, #tpu.memory_space<semaphore_mem>>)
      } else {
      }
      %get3A_213 = arith.constant 2 : index
      %get3A_214 = memref.load %arg11[%get3A_213] : memref<32xi32, #tpu.memory_space<smem>>
      %ne3A_215 = arith.constant 0 : i32
      %ne3A_216 = arith.cmpi ne, %get3A_214, %ne3A_215 : i32
      %convert_element_type3A_217 = arith.extui %ne3A_216 : i1 to i32
      %cond3A_218 = arith.constant 0 : i32
      %cond3A_219 = arith.cmpi ne, %convert_element_type3A_217, %cond3A_218 : i32
      scf.if %cond3A_219 {
        %get3A_647 = arith.constant 2 : index
        %get3A_648 = memref.load %arg12[%get3A_647] : memref<32xi32, #tpu.memory_space<smem>>
        %get3A_649 = arith.constant 2 : index
        %get3A_650 = memref.load %arg13[%get3A_649] : memref<32xi32, #tpu.memory_space<smem>>
        %dma_start3A = arith.constant 2 : i32
        %dma_start3A_651 = tpu.memref_slice %arg22[%dma_start3A] : memref<32x!tpu.dma_semaphore, #tpu.memory_space<semaphore_mem>> -> memref<1x!tpu.dma_semaphore, #tpu.memory_space<semaphore_mem>>
        %dma_start3A_652 = tpu.memref_squeeze %dma_start3A_651 : memref<1x!tpu.dma_semaphore, #tpu.memory_space<semaphore_mem>> -> memref<!tpu.dma_semaphore, #tpu.memory_space<semaphore_mem>>
        %dma_start3A_653 = arith.constant 0 : i32
        %dma_start3A_654 = arith.constant 0 : i32
        %dma_start3A_655 = tpu.memref_slice %arg14[%get3A_648, %dma_start3A_653, %dma_start3A_654] : memref<2x2048x2048xf32, #tpu.memory_space<any>> -> memref<1x2048x2048xf32, #tpu.memory_space<any>>
        %dma_start3A_656 = tpu.memref_squeeze %dma_start3A_655 : memref<1x2048x2048xf32, #tpu.memory_space<any>> -> memref<2048x2048xf32, #tpu.memory_space<any>>
        %dma_start3A_657 = arith.constant 0 : i32
        %dma_start3A_658 = tpu.memref_slice %dma_start3A_656[%get3A_650, %dma_start3A_657] : memref<2048x2048xf32, #tpu.memory_space<any>> -> memref<1x2048xf32, #tpu.memory_space<any>>
        %dma_start3A_659 = arith.constant 2 : i32
        %dma_start3A_660 = arith.constant 0 : i32
        %dma_start3A_661 = tpu.memref_slice %arg19[%dma_start3A_659, %dma_start3A_660] : memref<32x2048xf32, #tpu.memory_space<vmem>> -> memref<1x2048xf32, #tpu.memory_space<vmem>>
        tpu.enqueue_dma source(%dma_start3A_661 : memref<1x2048xf32, #tpu.memory_space<vmem>>) target(%dma_start3A_658 : memref<1x2048xf32, #tpu.memory_space<any>>) target_semaphore(%dma_start3A_652 : memref<!tpu.dma_semaphore, #tpu.memory_space<semaphore_mem>>)
      } else {
      }
      %get3A_220 = arith.constant 3 : index
      %get3A_221 = memref.load %arg11[%get3A_220] : memref<32xi32, #tpu.memory_space<smem>>
      %ne3A_222 = arith.constant 0 : i32
      %ne3A_223 = arith.cmpi ne, %get3A_221, %ne3A_222 : i32
      %convert_element_type3A_224 = arith.extui %ne3A_223 : i1 to i32
      %cond3A_225 = arith.constant 0 : i32
      %cond3A_226 = arith.cmpi ne, %convert_element_type3A_224, %cond3A_225 : i32
      scf.if %cond3A_226 {
        %get3A_647 = arith.constant 3 : index
        %get3A_648 = memref.load %arg12[%get3A_647] : memref<32xi32, #tpu.memory_space<smem>>
        %get3A_649 = arith.constant 3 : index
        %get3A_650 = memref.load %arg13[%get3A_649] : memref<32xi32, #tpu.memory_space<smem>>
        %dma_start3A = arith.constant 3 : i32
        %dma_start3A_651 = tpu.memref_slice %arg22[%dma_start3A] : memref<32x!tpu.dma_semaphore, #tpu.memory_space<semaphore_mem>> -> memref<1x!tpu.dma_semaphore, #tpu.memory_space<semaphore_mem>>
        %dma_start3A_652 = tpu.memref_squeeze %dma_start3A_651 : memref<1x!tpu.dma_semaphore, #tpu.memory_space<semaphore_mem>> -> memref<!tpu.dma_semaphore, #tpu.memory_space<semaphore_mem>>
        %dma_start3A_653 = arith.constant 0 : i32
        %dma_start3A_654 = arith.constant 0 : i32
        %dma_start3A_655 = tpu.memref_slice %arg14[%get3A_648, %dma_start3A_653, %dma_start3A_654] : memref<2x2048x2048xf32, #tpu.memory_space<any>> -> memref<1x2048x2048xf32, #tpu.memory_space<any>>
        %dma_start3A_656 = tpu.memref_squeeze %dma_start3A_655 : memref<1x2048x2048xf32, #tpu.memory_space<any>> -> memref<2048x2048xf32, #tpu.memory_space<any>>
        %dma_start3A_657 = arith.constant 0 : i32
        %dma_start3A_658 = tpu.memref_slice %dma_start3A_656[%get3A_650, %dma_start3A_657] : memref<2048x2048xf32, #tpu.memory_space<any>> -> memref<1x2048xf32, #tpu.memory_space<any>>
        %dma_start3A_659 = arith.constant 3 : i32
        %dma_start3A_660 = arith.constant 0 : i32
        %dma_start3A_661 = tpu.memref_slice %arg19[%dma_start3A_659, %dma_start3A_660] : memref<32x2048xf32, #tpu.memory_space<vmem>> -> memref<1x2048xf32, #tpu.memory_space<vmem>>
        tpu.enqueue_dma source(%dma_start3A_661 : memref<1x2048xf32, #tpu.memory_space<vmem>>) target(%dma_start3A_658 : memref<1x2048xf32, #tpu.memory_space<any>>) target_semaphore(%dma_start3A_652 : memref<!tpu.dma_semaphore, #tpu.memory_space<semaphore_mem>>)
      } else {
      }
      %get3A_227 = arith.constant 4 : index
      %get3A_228 = memref.load %arg11[%get3A_227] : memref<32xi32, #tpu.memory_space<smem>>
      %ne3A_229 = arith.constant 0 : i32
      %ne3A_230 = arith.cmpi ne, %get3A_228, %ne3A_229 : i32
      %convert_element_type3A_231 = arith.extui %ne3A_230 : i1 to i32
      %cond3A_232 = arith.constant 0 : i32
      %cond3A_233 = arith.cmpi ne, %convert_element_type3A_231, %cond3A_232 : i32
      scf.if %cond3A_233 {
        %get3A_647 = arith.constant 4 : index
        %get3A_648 = memref.load %arg12[%get3A_647] : memref<32xi32, #tpu.memory_space<smem>>
        %get3A_649 = arith.constant 4 : index
        %get3A_650 = memref.load %arg13[%get3A_649] : memref<32xi32, #tpu.memory_space<smem>>
        %dma_start3A = arith.constant 4 : i32
        %dma_start3A_651 = tpu.memref_slice %arg22[%dma_start3A] : memref<32x!tpu.dma_semaphore, #tpu.memory_space<semaphore_mem>> -> memref<1x!tpu.dma_semaphore, #tpu.memory_space<semaphore_mem>>
        %dma_start3A_652 = tpu.memref_squeeze %dma_start3A_651 : memref<1x!tpu.dma_semaphore, #tpu.memory_space<semaphore_mem>> -> memref<!tpu.dma_semaphore, #tpu.memory_space<semaphore_mem>>
        %dma_start3A_653 = arith.constant 0 : i32
        %dma_start3A_654 = arith.constant 0 : i32
        %dma_start3A_655 = tpu.memref_slice %arg14[%get3A_648, %dma_start3A_653, %dma_start3A_654] : memref<2x2048x2048xf32, #tpu.memory_space<any>> -> memref<1x2048x2048xf32, #tpu.memory_space<any>>
        %dma_start3A_656 = tpu.memref_squeeze %dma_start3A_655 : memref<1x2048x2048xf32, #tpu.memory_space<any>> -> memref<2048x2048xf32, #tpu.memory_space<any>>
        %dma_start3A_657 = arith.constant 0 : i32
        %dma_start3A_658 = tpu.memref_slice %dma_start3A_656[%get3A_650, %dma_start3A_657] : memref<2048x2048xf32, #tpu.memory_space<any>> -> memref<1x2048xf32, #tpu.memory_space<any>>
        %dma_start3A_659 = arith.constant 4 : i32
        %dma_start3A_660 = arith.constant 0 : i32
        %dma_start3A_661 = tpu.memref_slice %arg19[%dma_start3A_659, %dma_start3A_660] : memref<32x2048xf32, #tpu.memory_space<vmem>> -> memref<1x2048xf32, #tpu.memory_space<vmem>>
        tpu.enqueue_dma source(%dma_start3A_661 : memref<1x2048xf32, #tpu.memory_space<vmem>>) target(%dma_start3A_658 : memref<1x2048xf32, #tpu.memory_space<any>>) target_semaphore(%dma_start3A_652 : memref<!tpu.dma_semaphore, #tpu.memory_space<semaphore_mem>>)
      } else {
      }
      %get3A_234 = arith.constant 5 : index
      %get3A_235 = memref.load %arg11[%get3A_234] : memref<32xi32, #tpu.memory_space<smem>>
      %ne3A_236 = arith.constant 0 : i32
      %ne3A_237 = arith.cmpi ne, %get3A_235, %ne3A_236 : i32
      %convert_element_type3A_238 = arith.extui %ne3A_237 : i1 to i32
      %cond3A_239 = arith.constant 0 : i32
      %cond3A_240 = arith.cmpi ne, %convert_element_type3A_238, %cond3A_239 : i32
      scf.if %cond3A_240 {
        %get3A_647 = arith.constant 5 : index
        %get3A_648 = memref.load %arg12[%get3A_647] : memref<32xi32, #tpu.memory_space<smem>>
        %get3A_649 = arith.constant 5 : index
        %get3A_650 = memref.load %arg13[%get3A_649] : memref<32xi32, #tpu.memory_space<smem>>
        %dma_start3A = arith.constant 5 : i32
        %dma_start3A_651 = tpu.memref_slice %arg22[%dma_start3A] : memref<32x!tpu.dma_semaphore, #tpu.memory_space<semaphore_mem>> -> memref<1x!tpu.dma_semaphore, #tpu.memory_space<semaphore_mem>>
        %dma_start3A_652 = tpu.memref_squeeze %dma_start3A_651 : memref<1x!tpu.dma_semaphore, #tpu.memory_space<semaphore_mem>> -> memref<!tpu.dma_semaphore, #tpu.memory_space<semaphore_mem>>
        %dma_start3A_653 = arith.constant 0 : i32
        %dma_start3A_654 = arith.constant 0 : i32
        %dma_start3A_655 = tpu.memref_slice %arg14[%get3A_648, %dma_start3A_653, %dma_start3A_654] : memref<2x2048x2048xf32, #tpu.memory_space<any>> -> memref<1x2048x2048xf32, #tpu.memory_space<any>>
        %dma_start3A_656 = tpu.memref_squeeze %dma_start3A_655 : memref<1x2048x2048xf32, #tpu.memory_space<any>> -> memref<2048x2048xf32, #tpu.memory_space<any>>
        %dma_start3A_657 = arith.constant 0 : i32
        %dma_start3A_658 = tpu.memref_slice %dma_start3A_656[%get3A_650, %dma_start3A_657] : memref<2048x2048xf32, #tpu.memory_space<any>> -> memref<1x2048xf32, #tpu.memory_space<any>>
        %dma_start3A_659 = arith.constant 5 : i32
        %dma_start3A_660 = arith.constant 0 : i32
        %dma_start3A_661 = tpu.memref_slice %arg19[%dma_start3A_659, %dma_start3A_660] : memref<32x2048xf32, #tpu.memory_space<vmem>> -> memref<1x2048xf32, #tpu.memory_space<vmem>>
        tpu.enqueue_dma source(%dma_start3A_661 : memref<1x2048xf32, #tpu.memory_space<vmem>>) target(%dma_start3A_658 : memref<1x2048xf32, #tpu.memory_space<any>>) target_semaphore(%dma_start3A_652 : memref<!tpu.dma_semaphore, #tpu.memory_space<semaphore_mem>>)
      } else {
      }
      %get3A_241 = arith.constant 6 : index
      %get3A_242 = memref.load %arg11[%get3A_241] : memref<32xi32, #tpu.memory_space<smem>>
      %ne3A_243 = arith.constant 0 : i32
      %ne3A_244 = arith.cmpi ne, %get3A_242, %ne3A_243 : i32
      %convert_element_type3A_245 = arith.extui %ne3A_244 : i1 to i32
      %cond3A_246 = arith.constant 0 : i32
      %cond3A_247 = arith.cmpi ne, %convert_element_type3A_245, %cond3A_246 : i32
      scf.if %cond3A_247 {
        %get3A_647 = arith.constant 6 : index
        %get3A_648 = memref.load %arg12[%get3A_647] : memref<32xi32, #tpu.memory_space<smem>>
        %get3A_649 = arith.constant 6 : index
        %get3A_650 = memref.load %arg13[%get3A_649] : memref<32xi32, #tpu.memory_space<smem>>
        %dma_start3A = arith.constant 6 : i32
        %dma_start3A_651 = tpu.memref_slice %arg22[%dma_start3A] : memref<32x!tpu.dma_semaphore, #tpu.memory_space<semaphore_mem>> -> memref<1x!tpu.dma_semaphore, #tpu.memory_space<semaphore_mem>>
        %dma_start3A_652 = tpu.memref_squeeze %dma_start3A_651 : memref<1x!tpu.dma_semaphore, #tpu.memory_space<semaphore_mem>> -> memref<!tpu.dma_semaphore, #tpu.memory_space<semaphore_mem>>
        %dma_start3A_653 = arith.constant 0 : i32
        %dma_start3A_654 = arith.constant 0 : i32
        %dma_start3A_655 = tpu.memref_slice %arg14[%get3A_648, %dma_start3A_653, %dma_start3A_654] : memref<2x2048x2048xf32, #tpu.memory_space<any>> -> memref<1x2048x2048xf32, #tpu.memory_space<any>>
        %dma_start3A_656 = tpu.memref_squeeze %dma_start3A_655 : memref<1x2048x2048xf32, #tpu.memory_space<any>> -> memref<2048x2048xf32, #tpu.memory_space<any>>
        %dma_start3A_657 = arith.constant 0 : i32
        %dma_start3A_658 = tpu.memref_slice %dma_start3A_656[%get3A_650, %dma_start3A_657] : memref<2048x2048xf32, #tpu.memory_space<any>> -> memref<1x2048xf32, #tpu.memory_space<any>>
        %dma_start3A_659 = arith.constant 6 : i32
        %dma_start3A_660 = arith.constant 0 : i32
        %dma_start3A_661 = tpu.memref_slice %arg19[%dma_start3A_659, %dma_start3A_660] : memref<32x2048xf32, #tpu.memory_space<vmem>> -> memref<1x2048xf32, #tpu.memory_space<vmem>>
        tpu.enqueue_dma source(%dma_start3A_661 : memref<1x2048xf32, #tpu.memory_space<vmem>>) target(%dma_start3A_658 : memref<1x2048xf32, #tpu.memory_space<any>>) target_semaphore(%dma_start3A_652 : memref<!tpu.dma_semaphore, #tpu.memory_space<semaphore_mem>>)
      } else {
      }
      %get3A_248 = arith.constant 7 : index
      %get3A_249 = memref.load %arg11[%get3A_248] : memref<32xi32, #tpu.memory_space<smem>>
      %ne3A_250 = arith.constant 0 : i32
      %ne3A_251 = arith.cmpi ne, %get3A_249, %ne3A_250 : i32
      %convert_element_type3A_252 = arith.extui %ne3A_251 : i1 to i32
      %cond3A_253 = arith.constant 0 : i32
      %cond3A_254 = arith.cmpi ne, %convert_element_type3A_252, %cond3A_253 : i32
      scf.if %cond3A_254 {
        %get3A_647 = arith.constant 7 : index
        %get3A_648 = memref.load %arg12[%get3A_647] : memref<32xi32, #tpu.memory_space<smem>>
        %get3A_649 = arith.constant 7 : index
        %get3A_650 = memref.load %arg13[%get3A_649] : memref<32xi32, #tpu.memory_space<smem>>
        %dma_start3A = arith.constant 7 : i32
        %dma_start3A_651 = tpu.memref_slice %arg22[%dma_start3A] : memref<32x!tpu.dma_semaphore, #tpu.memory_space<semaphore_mem>> -> memref<1x!tpu.dma_semaphore, #tpu.memory_space<semaphore_mem>>
        %dma_start3A_652 = tpu.memref_squeeze %dma_start3A_651 : memref<1x!tpu.dma_semaphore, #tpu.memory_space<semaphore_mem>> -> memref<!tpu.dma_semaphore, #tpu.memory_space<semaphore_mem>>
        %dma_start3A_653 = arith.constant 0 : i32
        %dma_start3A_654 = arith.constant 0 : i32
        %dma_start3A_655 = tpu.memref_slice %arg14[%get3A_648, %dma_start3A_653, %dma_start3A_654] : memref<2x2048x2048xf32, #tpu.memory_space<any>> -> memref<1x2048x2048xf32, #tpu.memory_space<any>>
        %dma_start3A_656 = tpu.memref_squeeze %dma_start3A_655 : memref<1x2048x2048xf32, #tpu.memory_space<any>> -> memref<2048x2048xf32, #tpu.memory_space<any>>
        %dma_start3A_657 = arith.constant 0 : i32
        %dma_start3A_658 = tpu.memref_slice %dma_start3A_656[%get3A_650, %dma_start3A_657] : memref<2048x2048xf32, #tpu.memory_space<any>> -> memref<1x2048xf32, #tpu.memory_space<any>>
        %dma_start3A_659 = arith.constant 7 : i32
        %dma_start3A_660 = arith.constant 0 : i32
        %dma_start3A_661 = tpu.memref_slice %arg19[%dma_start3A_659, %dma_start3A_660] : memref<32x2048xf32, #tpu.memory_space<vmem>> -> memref<1x2048xf32, #tpu.memory_space<vmem>>
        tpu.enqueue_dma source(%dma_start3A_661 : memref<1x2048xf32, #tpu.memory_space<vmem>>) target(%dma_start3A_658 : memref<1x2048xf32, #tpu.memory_space<any>>) target_semaphore(%dma_start3A_652 : memref<!tpu.dma_semaphore, #tpu.memory_space<semaphore_mem>>)
      } else {
      }
      %get3A_255 = arith.constant 8 : index
      %get3A_256 = memref.load %arg11[%get3A_255] : memref<32xi32, #tpu.memory_space<smem>>
      %ne3A_257 = arith.constant 0 : i32
      %ne3A_258 = arith.cmpi ne, %get3A_256, %ne3A_257 : i32
      %convert_element_type3A_259 = arith.extui %ne3A_258 : i1 to i32
      %cond3A_260 = arith.constant 0 : i32
      %cond3A_261 = arith.cmpi ne, %convert_element_type3A_259, %cond3A_260 : i32
      scf.if %cond3A_261 {
        %get3A_647 = arith.constant 8 : index
        %get3A_648 = memref.load %arg12[%get3A_647] : memref<32xi32, #tpu.memory_space<smem>>
        %get3A_649 = arith.constant 8 : index
        %get3A_650 = memref.load %arg13[%get3A_649] : memref<32xi32, #tpu.memory_space<smem>>
        %dma_start3A = arith.constant 8 : i32
        %dma_start3A_651 = tpu.memref_slice %arg22[%dma_start3A] : memref<32x!tpu.dma_semaphore, #tpu.memory_space<semaphore_mem>> -> memref<1x!tpu.dma_semaphore, #tpu.memory_space<semaphore_mem>>
        %dma_start3A_652 = tpu.memref_squeeze %dma_start3A_651 : memref<1x!tpu.dma_semaphore, #tpu.memory_space<semaphore_mem>> -> memref<!tpu.dma_semaphore, #tpu.memory_space<semaphore_mem>>
        %dma_start3A_653 = arith.constant 0 : i32
        %dma_start3A_654 = arith.constant 0 : i32
        %dma_start3A_655 = tpu.memref_slice %arg14[%get3A_648, %dma_start3A_653, %dma_start3A_654] : memref<2x2048x2048xf32, #tpu.memory_space<any>> -> memref<1x2048x2048xf32, #tpu.memory_space<any>>
        %dma_start3A_656 = tpu.memref_squeeze %dma_start3A_655 : memref<1x2048x2048xf32, #tpu.memory_space<any>> -> memref<2048x2048xf32, #tpu.memory_space<any>>
        %dma_start3A_657 = arith.constant 0 : i32
        %dma_start3A_658 = tpu.memref_slice %dma_start3A_656[%get3A_650, %dma_start3A_657] : memref<2048x2048xf32, #tpu.memory_space<any>> -> memref<1x2048xf32, #tpu.memory_space<any>>
        %dma_start3A_659 = arith.constant 8 : i32
        %dma_start3A_660 = arith.constant 0 : i32
        %dma_start3A_661 = tpu.memref_slice %arg19[%dma_start3A_659, %dma_start3A_660] : memref<32x2048xf32, #tpu.memory_space<vmem>> -> memref<1x2048xf32, #tpu.memory_space<vmem>>
        tpu.enqueue_dma source(%dma_start3A_661 : memref<1x2048xf32, #tpu.memory_space<vmem>>) target(%dma_start3A_658 : memref<1x2048xf32, #tpu.memory_space<any>>) target_semaphore(%dma_start3A_652 : memref<!tpu.dma_semaphore, #tpu.memory_space<semaphore_mem>>)
      } else {
      }
      %get3A_262 = arith.constant 9 : index
      %get3A_263 = memref.load %arg11[%get3A_262] : memref<32xi32, #tpu.memory_space<smem>>
      %ne3A_264 = arith.constant 0 : i32
      %ne3A_265 = arith.cmpi ne, %get3A_263, %ne3A_264 : i32
      %convert_element_type3A_266 = arith.extui %ne3A_265 : i1 to i32
      %cond3A_267 = arith.constant 0 : i32
      %cond3A_268 = arith.cmpi ne, %convert_element_type3A_266, %cond3A_267 : i32
      scf.if %cond3A_268 {
        %get3A_647 = arith.constant 9 : index
        %get3A_648 = memref.load %arg12[%get3A_647] : memref<32xi32, #tpu.memory_space<smem>>
        %get3A_649 = arith.constant 9 : index
        %get3A_650 = memref.load %arg13[%get3A_649] : memref<32xi32, #tpu.memory_space<smem>>
        %dma_start3A = arith.constant 9 : i32
        %dma_start3A_651 = tpu.memref_slice %arg22[%dma_start3A] : memref<32x!tpu.dma_semaphore, #tpu.memory_space<semaphore_mem>> -> memref<1x!tpu.dma_semaphore, #tpu.memory_space<semaphore_mem>>
        %dma_start3A_652 = tpu.memref_squeeze %dma_start3A_651 : memref<1x!tpu.dma_semaphore, #tpu.memory_space<semaphore_mem>> -> memref<!tpu.dma_semaphore, #tpu.memory_space<semaphore_mem>>
        %dma_start3A_653 = arith.constant 0 : i32
        %dma_start3A_654 = arith.constant 0 : i32
        %dma_start3A_655 = tpu.memref_slice %arg14[%get3A_648, %dma_start3A_653, %dma_start3A_654] : memref<2x2048x2048xf32, #tpu.memory_space<any>> -> memref<1x2048x2048xf32, #tpu.memory_space<any>>
        %dma_start3A_656 = tpu.memref_squeeze %dma_start3A_655 : memref<1x2048x2048xf32, #tpu.memory_space<any>> -> memref<2048x2048xf32, #tpu.memory_space<any>>
        %dma_start3A_657 = arith.constant 0 : i32
        %dma_start3A_658 = tpu.memref_slice %dma_start3A_656[%get3A_650, %dma_start3A_657] : memref<2048x2048xf32, #tpu.memory_space<any>> -> memref<1x2048xf32, #tpu.memory_space<any>>
        %dma_start3A_659 = arith.constant 9 : i32
        %dma_start3A_660 = arith.constant 0 : i32
        %dma_start3A_661 = tpu.memref_slice %arg19[%dma_start3A_659, %dma_start3A_660] : memref<32x2048xf32, #tpu.memory_space<vmem>> -> memref<1x2048xf32, #tpu.memory_space<vmem>>
        tpu.enqueue_dma source(%dma_start3A_661 : memref<1x2048xf32, #tpu.memory_space<vmem>>) target(%dma_start3A_658 : memref<1x2048xf32, #tpu.memory_space<any>>) target_semaphore(%dma_start3A_652 : memref<!tpu.dma_semaphore, #tpu.memory_space<semaphore_mem>>)
      } else {
      }
      %get3A_269 = arith.constant 10 : index
      %get3A_270 = memref.load %arg11[%get3A_269] : memref<32xi32, #tpu.memory_space<smem>>
      %ne3A_271 = arith.constant 0 : i32
      %ne3A_272 = arith.cmpi ne, %get3A_270, %ne3A_271 : i32
      %convert_element_type3A_273 = arith.extui %ne3A_272 : i1 to i32
      %cond3A_274 = arith.constant 0 : i32
      %cond3A_275 = arith.cmpi ne, %convert_element_type3A_273, %cond3A_274 : i32
      scf.if %cond3A_275 {
        %get3A_647 = arith.constant 10 : index
        %get3A_648 = memref.load %arg12[%get3A_647] : memref<32xi32, #tpu.memory_space<smem>>
        %get3A_649 = arith.constant 10 : index
        %get3A_650 = memref.load %arg13[%get3A_649] : memref<32xi32, #tpu.memory_space<smem>>
        %dma_start3A = arith.constant 10 : i32
        %dma_start3A_651 = tpu.memref_slice %arg22[%dma_start3A] : memref<32x!tpu.dma_semaphore, #tpu.memory_space<semaphore_mem>> -> memref<1x!tpu.dma_semaphore, #tpu.memory_space<semaphore_mem>>
        %dma_start3A_652 = tpu.memref_squeeze %dma_start3A_651 : memref<1x!tpu.dma_semaphore, #tpu.memory_space<semaphore_mem>> -> memref<!tpu.dma_semaphore, #tpu.memory_space<semaphore_mem>>
        %dma_start3A_653 = arith.constant 0 : i32
        %dma_start3A_654 = arith.constant 0 : i32
        %dma_start3A_655 = tpu.memref_slice %arg14[%get3A_648, %dma_start3A_653, %dma_start3A_654] : memref<2x2048x2048xf32, #tpu.memory_space<any>> -> memref<1x2048x2048xf32, #tpu.memory_space<any>>
        %dma_start3A_656 = tpu.memref_squeeze %dma_start3A_655 : memref<1x2048x2048xf32, #tpu.memory_space<any>> -> memref<2048x2048xf32, #tpu.memory_space<any>>
        %dma_start3A_657 = arith.constant 0 : i32
        %dma_start3A_658 = tpu.memref_slice %dma_start3A_656[%get3A_650, %dma_start3A_657] : memref<2048x2048xf32, #tpu.memory_space<any>> -> memref<1x2048xf32, #tpu.memory_space<any>>
        %dma_start3A_659 = arith.constant 10 : i32
        %dma_start3A_660 = arith.constant 0 : i32
        %dma_start3A_661 = tpu.memref_slice %arg19[%dma_start3A_659, %dma_start3A_660] : memref<32x2048xf32, #tpu.memory_space<vmem>> -> memref<1x2048xf32, #tpu.memory_space<vmem>>
        tpu.enqueue_dma source(%dma_start3A_661 : memref<1x2048xf32, #tpu.memory_space<vmem>>) target(%dma_start3A_658 : memref<1x2048xf32, #tpu.memory_space<any>>) target_semaphore(%dma_start3A_652 : memref<!tpu.dma_semaphore, #tpu.memory_space<semaphore_mem>>)
      } else {
      }
      %get3A_276 = arith.constant 11 : index
      %get3A_277 = memref.load %arg11[%get3A_276] : memref<32xi32, #tpu.memory_space<smem>>
      %ne3A_278 = arith.constant 0 : i32
      %ne3A_279 = arith.cmpi ne, %get3A_277, %ne3A_278 : i32
      %convert_element_type3A_280 = arith.extui %ne3A_279 : i1 to i32
      %cond3A_281 = arith.constant 0 : i32
      %cond3A_282 = arith.cmpi ne, %convert_element_type3A_280, %cond3A_281 : i32
      scf.if %cond3A_282 {
        %get3A_647 = arith.constant 11 : index
        %get3A_648 = memref.load %arg12[%get3A_647] : memref<32xi32, #tpu.memory_space<smem>>
        %get3A_649 = arith.constant 11 : index
        %get3A_650 = memref.load %arg13[%get3A_649] : memref<32xi32, #tpu.memory_space<smem>>
        %dma_start3A = arith.constant 11 : i32
        %dma_start3A_651 = tpu.memref_slice %arg22[%dma_start3A] : memref<32x!tpu.dma_semaphore, #tpu.memory_space<semaphore_mem>> -> memref<1x!tpu.dma_semaphore, #tpu.memory_space<semaphore_mem>>
        %dma_start3A_652 = tpu.memref_squeeze %dma_start3A_651 : memref<1x!tpu.dma_semaphore, #tpu.memory_space<semaphore_mem>> -> memref<!tpu.dma_semaphore, #tpu.memory_space<semaphore_mem>>
        %dma_start3A_653 = arith.constant 0 : i32
        %dma_start3A_654 = arith.constant 0 : i32
        %dma_start3A_655 = tpu.memref_slice %arg14[%get3A_648, %dma_start3A_653, %dma_start3A_654] : memref<2x2048x2048xf32, #tpu.memory_space<any>> -> memref<1x2048x2048xf32, #tpu.memory_space<any>>
        %dma_start3A_656 = tpu.memref_squeeze %dma_start3A_655 : memref<1x2048x2048xf32, #tpu.memory_space<any>> -> memref<2048x2048xf32, #tpu.memory_space<any>>
        %dma_start3A_657 = arith.constant 0 : i32
        %dma_start3A_658 = tpu.memref_slice %dma_start3A_656[%get3A_650, %dma_start3A_657] : memref<2048x2048xf32, #tpu.memory_space<any>> -> memref<1x2048xf32, #tpu.memory_space<any>>
        %dma_start3A_659 = arith.constant 11 : i32
        %dma_start3A_660 = arith.constant 0 : i32
        %dma_start3A_661 = tpu.memref_slice %arg19[%dma_start3A_659, %dma_start3A_660] : memref<32x2048xf32, #tpu.memory_space<vmem>> -> memref<1x2048xf32, #tpu.memory_space<vmem>>
        tpu.enqueue_dma source(%dma_start3A_661 : memref<1x2048xf32, #tpu.memory_space<vmem>>) target(%dma_start3A_658 : memref<1x2048xf32, #tpu.memory_space<any>>) target_semaphore(%dma_start3A_652 : memref<!tpu.dma_semaphore, #tpu.memory_space<semaphore_mem>>)
      } else {
      }
      %get3A_283 = arith.constant 12 : index
      %get3A_284 = memref.load %arg11[%get3A_283] : memref<32xi32, #tpu.memory_space<smem>>
      %ne3A_285 = arith.constant 0 : i32
      %ne3A_286 = arith.cmpi ne, %get3A_284, %ne3A_285 : i32
      %convert_element_type3A_287 = arith.extui %ne3A_286 : i1 to i32
      %cond3A_288 = arith.constant 0 : i32
      %cond3A_289 = arith.cmpi ne, %convert_element_type3A_287, %cond3A_288 : i32
      scf.if %cond3A_289 {
        %get3A_647 = arith.constant 12 : index
        %get3A_648 = memref.load %arg12[%get3A_647] : memref<32xi32, #tpu.memory_space<smem>>
        %get3A_649 = arith.constant 12 : index
        %get3A_650 = memref.load %arg13[%get3A_649] : memref<32xi32, #tpu.memory_space<smem>>
        %dma_start3A = arith.constant 12 : i32
        %dma_start3A_651 = tpu.memref_slice %arg22[%dma_start3A] : memref<32x!tpu.dma_semaphore, #tpu.memory_space<semaphore_mem>> -> memref<1x!tpu.dma_semaphore, #tpu.memory_space<semaphore_mem>>
        %dma_start3A_652 = tpu.memref_squeeze %dma_start3A_651 : memref<1x!tpu.dma_semaphore, #tpu.memory_space<semaphore_mem>> -> memref<!tpu.dma_semaphore, #tpu.memory_space<semaphore_mem>>
        %dma_start3A_653 = arith.constant 0 : i32
        %dma_start3A_654 = arith.constant 0 : i32
        %dma_start3A_655 = tpu.memref_slice %arg14[%get3A_648, %dma_start3A_653, %dma_start3A_654] : memref<2x2048x2048xf32, #tpu.memory_space<any>> -> memref<1x2048x2048xf32, #tpu.memory_space<any>>
        %dma_start3A_656 = tpu.memref_squeeze %dma_start3A_655 : memref<1x2048x2048xf32, #tpu.memory_space<any>> -> memref<2048x2048xf32, #tpu.memory_space<any>>
        %dma_start3A_657 = arith.constant 0 : i32
        %dma_start3A_658 = tpu.memref_slice %dma_start3A_656[%get3A_650, %dma_start3A_657] : memref<2048x2048xf32, #tpu.memory_space<any>> -> memref<1x2048xf32, #tpu.memory_space<any>>
        %dma_start3A_659 = arith.constant 12 : i32
        %dma_start3A_660 = arith.constant 0 : i32
        %dma_start3A_661 = tpu.memref_slice %arg19[%dma_start3A_659, %dma_start3A_660] : memref<32x2048xf32, #tpu.memory_space<vmem>> -> memref<1x2048xf32, #tpu.memory_space<vmem>>
        tpu.enqueue_dma source(%dma_start3A_661 : memref<1x2048xf32, #tpu.memory_space<vmem>>) target(%dma_start3A_658 : memref<1x2048xf32, #tpu.memory_space<any>>) target_semaphore(%dma_start3A_652 : memref<!tpu.dma_semaphore, #tpu.memory_space<semaphore_mem>>)
      } else {
      }
      %get3A_290 = arith.constant 13 : index
      %get3A_291 = memref.load %arg11[%get3A_290] : memref<32xi32, #tpu.memory_space<smem>>
      %ne3A_292 = arith.constant 0 : i32
      %ne3A_293 = arith.cmpi ne, %get3A_291, %ne3A_292 : i32
      %convert_element_type3A_294 = arith.extui %ne3A_293 : i1 to i32
      %cond3A_295 = arith.constant 0 : i32
      %cond3A_296 = arith.cmpi ne, %convert_element_type3A_294, %cond3A_295 : i32
      scf.if %cond3A_296 {
        %get3A_647 = arith.constant 13 : index
        %get3A_648 = memref.load %arg12[%get3A_647] : memref<32xi32, #tpu.memory_space<smem>>
        %get3A_649 = arith.constant 13 : index
        %get3A_650 = memref.load %arg13[%get3A_649] : memref<32xi32, #tpu.memory_space<smem>>
        %dma_start3A = arith.constant 13 : i32
        %dma_start3A_651 = tpu.memref_slice %arg22[%dma_start3A] : memref<32x!tpu.dma_semaphore, #tpu.memory_space<semaphore_mem>> -> memref<1x!tpu.dma_semaphore, #tpu.memory_space<semaphore_mem>>
        %dma_start3A_652 = tpu.memref_squeeze %dma_start3A_651 : memref<1x!tpu.dma_semaphore, #tpu.memory_space<semaphore_mem>> -> memref<!tpu.dma_semaphore, #tpu.memory_space<semaphore_mem>>
        %dma_start3A_653 = arith.constant 0 : i32
        %dma_start3A_654 = arith.constant 0 : i32
        %dma_start3A_655 = tpu.memref_slice %arg14[%get3A_648, %dma_start3A_653, %dma_start3A_654] : memref<2x2048x2048xf32, #tpu.memory_space<any>> -> memref<1x2048x2048xf32, #tpu.memory_space<any>>
        %dma_start3A_656 = tpu.memref_squeeze %dma_start3A_655 : memref<1x2048x2048xf32, #tpu.memory_space<any>> -> memref<2048x2048xf32, #tpu.memory_space<any>>
        %dma_start3A_657 = arith.constant 0 : i32
        %dma_start3A_658 = tpu.memref_slice %dma_start3A_656[%get3A_650, %dma_start3A_657] : memref<2048x2048xf32, #tpu.memory_space<any>> -> memref<1x2048xf32, #tpu.memory_space<any>>
        %dma_start3A_659 = arith.constant 13 : i32
        %dma_start3A_660 = arith.constant 0 : i32
        %dma_start3A_661 = tpu.memref_slice %arg19[%dma_start3A_659, %dma_start3A_660] : memref<32x2048xf32, #tpu.memory_space<vmem>> -> memref<1x2048xf32, #tpu.memory_space<vmem>>
        tpu.enqueue_dma source(%dma_start3A_661 : memref<1x2048xf32, #tpu.memory_space<vmem>>) target(%dma_start3A_658 : memref<1x2048xf32, #tpu.memory_space<any>>) target_semaphore(%dma_start3A_652 : memref<!tpu.dma_semaphore, #tpu.memory_space<semaphore_mem>>)
      } else {
      }
      %get3A_297 = arith.constant 14 : index
      %get3A_298 = memref.load %arg11[%get3A_297] : memref<32xi32, #tpu.memory_space<smem>>
      %ne3A_299 = arith.constant 0 : i32
      %ne3A_300 = arith.cmpi ne, %get3A_298, %ne3A_299 : i32
      %convert_element_type3A_301 = arith.extui %ne3A_300 : i1 to i32
      %cond3A_302 = arith.constant 0 : i32
      %cond3A_303 = arith.cmpi ne, %convert_element_type3A_301, %cond3A_302 : i32
      scf.if %cond3A_303 {
        %get3A_647 = arith.constant 14 : index
        %get3A_648 = memref.load %arg12[%get3A_647] : memref<32xi32, #tpu.memory_space<smem>>
        %get3A_649 = arith.constant 14 : index
        %get3A_650 = memref.load %arg13[%get3A_649] : memref<32xi32, #tpu.memory_space<smem>>
        %dma_start3A = arith.constant 14 : i32
        %dma_start3A_651 = tpu.memref_slice %arg22[%dma_start3A] : memref<32x!tpu.dma_semaphore, #tpu.memory_space<semaphore_mem>> -> memref<1x!tpu.dma_semaphore, #tpu.memory_space<semaphore_mem>>
        %dma_start3A_652 = tpu.memref_squeeze %dma_start3A_651 : memref<1x!tpu.dma_semaphore, #tpu.memory_space<semaphore_mem>> -> memref<!tpu.dma_semaphore, #tpu.memory_space<semaphore_mem>>
        %dma_start3A_653 = arith.constant 0 : i32
        %dma_start3A_654 = arith.constant 0 : i32
        %dma_start3A_655 = tpu.memref_slice %arg14[%get3A_648, %dma_start3A_653, %dma_start3A_654] : memref<2x2048x2048xf32, #tpu.memory_space<any>> -> memref<1x2048x2048xf32, #tpu.memory_space<any>>
        %dma_start3A_656 = tpu.memref_squeeze %dma_start3A_655 : memref<1x2048x2048xf32, #tpu.memory_space<any>> -> memref<2048x2048xf32, #tpu.memory_space<any>>
        %dma_start3A_657 = arith.constant 0 : i32
        %dma_start3A_658 = tpu.memref_slice %dma_start3A_656[%get3A_650, %dma_start3A_657] : memref<2048x2048xf32, #tpu.memory_space<any>> -> memref<1x2048xf32, #tpu.memory_space<any>>
        %dma_start3A_659 = arith.constant 14 : i32
        %dma_start3A_660 = arith.constant 0 : i32
        %dma_start3A_661 = tpu.memref_slice %arg19[%dma_start3A_659, %dma_start3A_660] : memref<32x2048xf32, #tpu.memory_space<vmem>> -> memref<1x2048xf32, #tpu.memory_space<vmem>>
        tpu.enqueue_dma source(%dma_start3A_661 : memref<1x2048xf32, #tpu.memory_space<vmem>>) target(%dma_start3A_658 : memref<1x2048xf32, #tpu.memory_space<any>>) target_semaphore(%dma_start3A_652 : memref<!tpu.dma_semaphore, #tpu.memory_space<semaphore_mem>>)
      } else {
      }
      %get3A_304 = arith.constant 15 : index
      %get3A_305 = memref.load %arg11[%get3A_304] : memref<32xi32, #tpu.memory_space<smem>>
      %ne3A_306 = arith.constant 0 : i32
      %ne3A_307 = arith.cmpi ne, %get3A_305, %ne3A_306 : i32
      %convert_element_type3A_308 = arith.extui %ne3A_307 : i1 to i32
      %cond3A_309 = arith.constant 0 : i32
      %cond3A_310 = arith.cmpi ne, %convert_element_type3A_308, %cond3A_309 : i32
      scf.if %cond3A_310 {
        %get3A_647 = arith.constant 15 : index
        %get3A_648 = memref.load %arg12[%get3A_647] : memref<32xi32, #tpu.memory_space<smem>>
        %get3A_649 = arith.constant 15 : index
        %get3A_650 = memref.load %arg13[%get3A_649] : memref<32xi32, #tpu.memory_space<smem>>
        %dma_start3A = arith.constant 15 : i32
        %dma_start3A_651 = tpu.memref_slice %arg22[%dma_start3A] : memref<32x!tpu.dma_semaphore, #tpu.memory_space<semaphore_mem>> -> memref<1x!tpu.dma_semaphore, #tpu.memory_space<semaphore_mem>>
        %dma_start3A_652 = tpu.memref_squeeze %dma_start3A_651 : memref<1x!tpu.dma_semaphore, #tpu.memory_space<semaphore_mem>> -> memref<!tpu.dma_semaphore, #tpu.memory_space<semaphore_mem>>
        %dma_start3A_653 = arith.constant 0 : i32
        %dma_start3A_654 = arith.constant 0 : i32
        %dma_start3A_655 = tpu.memref_slice %arg14[%get3A_648, %dma_start3A_653, %dma_start3A_654] : memref<2x2048x2048xf32, #tpu.memory_space<any>> -> memref<1x2048x2048xf32, #tpu.memory_space<any>>
        %dma_start3A_656 = tpu.memref_squeeze %dma_start3A_655 : memref<1x2048x2048xf32, #tpu.memory_space<any>> -> memref<2048x2048xf32, #tpu.memory_space<any>>
        %dma_start3A_657 = arith.constant 0 : i32
        %dma_start3A_658 = tpu.memref_slice %dma_start3A_656[%get3A_650, %dma_start3A_657] : memref<2048x2048xf32, #tpu.memory_space<any>> -> memref<1x2048xf32, #tpu.memory_space<any>>
        %dma_start3A_659 = arith.constant 15 : i32
        %dma_start3A_660 = arith.constant 0 : i32
        %dma_start3A_661 = tpu.memref_slice %arg19[%dma_start3A_659, %dma_start3A_660] : memref<32x2048xf32, #tpu.memory_space<vmem>> -> memref<1x2048xf32, #tpu.memory_space<vmem>>
        tpu.enqueue_dma source(%dma_start3A_661 : memref<1x2048xf32, #tpu.memory_space<vmem>>) target(%dma_start3A_658 : memref<1x2048xf32, #tpu.memory_space<any>>) target_semaphore(%dma_start3A_652 : memref<!tpu.dma_semaphore, #tpu.memory_space<semaphore_mem>>)
      } else {
      }
      %get3A_311 = arith.constant 16 : index
      %get3A_312 = memref.load %arg11[%get3A_311] : memref<32xi32, #tpu.memory_space<smem>>
      %ne3A_313 = arith.constant 0 : i32
      %ne3A_314 = arith.cmpi ne, %get3A_312, %ne3A_313 : i32
      %convert_element_type3A_315 = arith.extui %ne3A_314 : i1 to i32
      %cond3A_316 = arith.constant 0 : i32
      %cond3A_317 = arith.cmpi ne, %convert_element_type3A_315, %cond3A_316 : i32
      scf.if %cond3A_317 {
        %get3A_647 = arith.constant 16 : index
        %get3A_648 = memref.load %arg12[%get3A_647] : memref<32xi32, #tpu.memory_space<smem>>
        %get3A_649 = arith.constant 16 : index
        %get3A_650 = memref.load %arg13[%get3A_649] : memref<32xi32, #tpu.memory_space<smem>>
        %dma_start3A = arith.constant 16 : i32
        %dma_start3A_651 = tpu.memref_slice %arg22[%dma_start3A] : memref<32x!tpu.dma_semaphore, #tpu.memory_space<semaphore_mem>> -> memref<1x!tpu.dma_semaphore, #tpu.memory_space<semaphore_mem>>
        %dma_start3A_652 = tpu.memref_squeeze %dma_start3A_651 : memref<1x!tpu.dma_semaphore, #tpu.memory_space<semaphore_mem>> -> memref<!tpu.dma_semaphore, #tpu.memory_space<semaphore_mem>>
        %dma_start3A_653 = arith.constant 0 : i32
        %dma_start3A_654 = arith.constant 0 : i32
        %dma_start3A_655 = tpu.memref_slice %arg14[%get3A_648, %dma_start3A_653, %dma_start3A_654] : memref<2x2048x2048xf32, #tpu.memory_space<any>> -> memref<1x2048x2048xf32, #tpu.memory_space<any>>
        %dma_start3A_656 = tpu.memref_squeeze %dma_start3A_655 : memref<1x2048x2048xf32, #tpu.memory_space<any>> -> memref<2048x2048xf32, #tpu.memory_space<any>>
        %dma_start3A_657 = arith.constant 0 : i32
        %dma_start3A_658 = tpu.memref_slice %dma_start3A_656[%get3A_650, %dma_start3A_657] : memref<2048x2048xf32, #tpu.memory_space<any>> -> memref<1x2048xf32, #tpu.memory_space<any>>
        %dma_start3A_659 = arith.constant 16 : i32
        %dma_start3A_660 = arith.constant 0 : i32
        %dma_start3A_661 = tpu.memref_slice %arg19[%dma_start3A_659, %dma_start3A_660] : memref<32x2048xf32, #tpu.memory_space<vmem>> -> memref<1x2048xf32, #tpu.memory_space<vmem>>
        tpu.enqueue_dma source(%dma_start3A_661 : memref<1x2048xf32, #tpu.memory_space<vmem>>) target(%dma_start3A_658 : memref<1x2048xf32, #tpu.memory_space<any>>) target_semaphore(%dma_start3A_652 : memref<!tpu.dma_semaphore, #tpu.memory_space<semaphore_mem>>)
      } else {
      }
      %get3A_318 = arith.constant 17 : index
      %get3A_319 = memref.load %arg11[%get3A_318] : memref<32xi32, #tpu.memory_space<smem>>
      %ne3A_320 = arith.constant 0 : i32
      %ne3A_321 = arith.cmpi ne, %get3A_319, %ne3A_320 : i32
      %convert_element_type3A_322 = arith.extui %ne3A_321 : i1 to i32
      %cond3A_323 = arith.constant 0 : i32
      %cond3A_324 = arith.cmpi ne, %convert_element_type3A_322, %cond3A_323 : i32
      scf.if %cond3A_324 {
        %get3A_647 = arith.constant 17 : index
        %get3A_648 = memref.load %arg12[%get3A_647] : memref<32xi32, #tpu.memory_space<smem>>
        %get3A_649 = arith.constant 17 : index
        %get3A_650 = memref.load %arg13[%get3A_649] : memref<32xi32, #tpu.memory_space<smem>>
        %dma_start3A = arith.constant 17 : i32
        %dma_start3A_651 = tpu.memref_slice %arg22[%dma_start3A] : memref<32x!tpu.dma_semaphore, #tpu.memory_space<semaphore_mem>> -> memref<1x!tpu.dma_semaphore, #tpu.memory_space<semaphore_mem>>
        %dma_start3A_652 = tpu.memref_squeeze %dma_start3A_651 : memref<1x!tpu.dma_semaphore, #tpu.memory_space<semaphore_mem>> -> memref<!tpu.dma_semaphore, #tpu.memory_space<semaphore_mem>>
        %dma_start3A_653 = arith.constant 0 : i32
        %dma_start3A_654 = arith.constant 0 : i32
        %dma_start3A_655 = tpu.memref_slice %arg14[%get3A_648, %dma_start3A_653, %dma_start3A_654] : memref<2x2048x2048xf32, #tpu.memory_space<any>> -> memref<1x2048x2048xf32, #tpu.memory_space<any>>
        %dma_start3A_656 = tpu.memref_squeeze %dma_start3A_655 : memref<1x2048x2048xf32, #tpu.memory_space<any>> -> memref<2048x2048xf32, #tpu.memory_space<any>>
        %dma_start3A_657 = arith.constant 0 : i32
        %dma_start3A_658 = tpu.memref_slice %dma_start3A_656[%get3A_650, %dma_start3A_657] : memref<2048x2048xf32, #tpu.memory_space<any>> -> memref<1x2048xf32, #tpu.memory_space<any>>
        %dma_start3A_659 = arith.constant 17 : i32
        %dma_start3A_660 = arith.constant 0 : i32
        %dma_start3A_661 = tpu.memref_slice %arg19[%dma_start3A_659, %dma_start3A_660] : memref<32x2048xf32, #tpu.memory_space<vmem>> -> memref<1x2048xf32, #tpu.memory_space<vmem>>
        tpu.enqueue_dma source(%dma_start3A_661 : memref<1x2048xf32, #tpu.memory_space<vmem>>) target(%dma_start3A_658 : memref<1x2048xf32, #tpu.memory_space<any>>) target_semaphore(%dma_start3A_652 : memref<!tpu.dma_semaphore, #tpu.memory_space<semaphore_mem>>)
      } else {
      }
      %get3A_325 = arith.constant 18 : index
      %get3A_326 = memref.load %arg11[%get3A_325] : memref<32xi32, #tpu.memory_space<smem>>
      %ne3A_327 = arith.constant 0 : i32
      %ne3A_328 = arith.cmpi ne, %get3A_326, %ne3A_327 : i32
      %convert_element_type3A_329 = arith.extui %ne3A_328 : i1 to i32
      %cond3A_330 = arith.constant 0 : i32
      %cond3A_331 = arith.cmpi ne, %convert_element_type3A_329, %cond3A_330 : i32
      scf.if %cond3A_331 {
        %get3A_647 = arith.constant 18 : index
        %get3A_648 = memref.load %arg12[%get3A_647] : memref<32xi32, #tpu.memory_space<smem>>
        %get3A_649 = arith.constant 18 : index
        %get3A_650 = memref.load %arg13[%get3A_649] : memref<32xi32, #tpu.memory_space<smem>>
        %dma_start3A = arith.constant 18 : i32
        %dma_start3A_651 = tpu.memref_slice %arg22[%dma_start3A] : memref<32x!tpu.dma_semaphore, #tpu.memory_space<semaphore_mem>> -> memref<1x!tpu.dma_semaphore, #tpu.memory_space<semaphore_mem>>
        %dma_start3A_652 = tpu.memref_squeeze %dma_start3A_651 : memref<1x!tpu.dma_semaphore, #tpu.memory_space<semaphore_mem>> -> memref<!tpu.dma_semaphore, #tpu.memory_space<semaphore_mem>>
        %dma_start3A_653 = arith.constant 0 : i32
        %dma_start3A_654 = arith.constant 0 : i32
        %dma_start3A_655 = tpu.memref_slice %arg14[%get3A_648, %dma_start3A_653, %dma_start3A_654] : memref<2x2048x2048xf32, #tpu.memory_space<any>> -> memref<1x2048x2048xf32, #tpu.memory_space<any>>
        %dma_start3A_656 = tpu.memref_squeeze %dma_start3A_655 : memref<1x2048x2048xf32, #tpu.memory_space<any>> -> memref<2048x2048xf32, #tpu.memory_space<any>>
        %dma_start3A_657 = arith.constant 0 : i32
        %dma_start3A_658 = tpu.memref_slice %dma_start3A_656[%get3A_650, %dma_start3A_657] : memref<2048x2048xf32, #tpu.memory_space<any>> -> memref<1x2048xf32, #tpu.memory_space<any>>
        %dma_start3A_659 = arith.constant 18 : i32
        %dma_start3A_660 = arith.constant 0 : i32
        %dma_start3A_661 = tpu.memref_slice %arg19[%dma_start3A_659, %dma_start3A_660] : memref<32x2048xf32, #tpu.memory_space<vmem>> -> memref<1x2048xf32, #tpu.memory_space<vmem>>
        tpu.enqueue_dma source(%dma_start3A_661 : memref<1x2048xf32, #tpu.memory_space<vmem>>) target(%dma_start3A_658 : memref<1x2048xf32, #tpu.memory_space<any>>) target_semaphore(%dma_start3A_652 : memref<!tpu.dma_semaphore, #tpu.memory_space<semaphore_mem>>)
      } else {
      }
      %get3A_332 = arith.constant 19 : index
      %get3A_333 = memref.load %arg11[%get3A_332] : memref<32xi32, #tpu.memory_space<smem>>
      %ne3A_334 = arith.constant 0 : i32
      %ne3A_335 = arith.cmpi ne, %get3A_333, %ne3A_334 : i32
      %convert_element_type3A_336 = arith.extui %ne3A_335 : i1 to i32
      %cond3A_337 = arith.constant 0 : i32
      %cond3A_338 = arith.cmpi ne, %convert_element_type3A_336, %cond3A_337 : i32
      scf.if %cond3A_338 {
        %get3A_647 = arith.constant 19 : index
        %get3A_648 = memref.load %arg12[%get3A_647] : memref<32xi32, #tpu.memory_space<smem>>
        %get3A_649 = arith.constant 19 : index
        %get3A_650 = memref.load %arg13[%get3A_649] : memref<32xi32, #tpu.memory_space<smem>>
        %dma_start3A = arith.constant 19 : i32
        %dma_start3A_651 = tpu.memref_slice %arg22[%dma_start3A] : memref<32x!tpu.dma_semaphore, #tpu.memory_space<semaphore_mem>> -> memref<1x!tpu.dma_semaphore, #tpu.memory_space<semaphore_mem>>
        %dma_start3A_652 = tpu.memref_squeeze %dma_start3A_651 : memref<1x!tpu.dma_semaphore, #tpu.memory_space<semaphore_mem>> -> memref<!tpu.dma_semaphore, #tpu.memory_space<semaphore_mem>>
        %dma_start3A_653 = arith.constant 0 : i32
        %dma_start3A_654 = arith.constant 0 : i32
        %dma_start3A_655 = tpu.memref_slice %arg14[%get3A_648, %dma_start3A_653, %dma_start3A_654] : memref<2x2048x2048xf32, #tpu.memory_space<any>> -> memref<1x2048x2048xf32, #tpu.memory_space<any>>
        %dma_start3A_656 = tpu.memref_squeeze %dma_start3A_655 : memref<1x2048x2048xf32, #tpu.memory_space<any>> -> memref<2048x2048xf32, #tpu.memory_space<any>>
        %dma_start3A_657 = arith.constant 0 : i32
        %dma_start3A_658 = tpu.memref_slice %dma_start3A_656[%get3A_650, %dma_start3A_657] : memref<2048x2048xf32, #tpu.memory_space<any>> -> memref<1x2048xf32, #tpu.memory_space<any>>
        %dma_start3A_659 = arith.constant 19 : i32
        %dma_start3A_660 = arith.constant 0 : i32
        %dma_start3A_661 = tpu.memref_slice %arg19[%dma_start3A_659, %dma_start3A_660] : memref<32x2048xf32, #tpu.memory_space<vmem>> -> memref<1x2048xf32, #tpu.memory_space<vmem>>
        tpu.enqueue_dma source(%dma_start3A_661 : memref<1x2048xf32, #tpu.memory_space<vmem>>) target(%dma_start3A_658 : memref<1x2048xf32, #tpu.memory_space<any>>) target_semaphore(%dma_start3A_652 : memref<!tpu.dma_semaphore, #tpu.memory_space<semaphore_mem>>)
      } else {
      }
      %get3A_339 = arith.constant 20 : index
      %get3A_340 = memref.load %arg11[%get3A_339] : memref<32xi32, #tpu.memory_space<smem>>
      %ne3A_341 = arith.constant 0 : i32
      %ne3A_342 = arith.cmpi ne, %get3A_340, %ne3A_341 : i32
      %convert_element_type3A_343 = arith.extui %ne3A_342 : i1 to i32
      %cond3A_344 = arith.constant 0 : i32
      %cond3A_345 = arith.cmpi ne, %convert_element_type3A_343, %cond3A_344 : i32
      scf.if %cond3A_345 {
        %get3A_647 = arith.constant 20 : index
        %get3A_648 = memref.load %arg12[%get3A_647] : memref<32xi32, #tpu.memory_space<smem>>
        %get3A_649 = arith.constant 20 : index
        %get3A_650 = memref.load %arg13[%get3A_649] : memref<32xi32, #tpu.memory_space<smem>>
        %dma_start3A = arith.constant 20 : i32
        %dma_start3A_651 = tpu.memref_slice %arg22[%dma_start3A] : memref<32x!tpu.dma_semaphore, #tpu.memory_space<semaphore_mem>> -> memref<1x!tpu.dma_semaphore, #tpu.memory_space<semaphore_mem>>
        %dma_start3A_652 = tpu.memref_squeeze %dma_start3A_651 : memref<1x!tpu.dma_semaphore, #tpu.memory_space<semaphore_mem>> -> memref<!tpu.dma_semaphore, #tpu.memory_space<semaphore_mem>>
        %dma_start3A_653 = arith.constant 0 : i32
        %dma_start3A_654 = arith.constant 0 : i32
        %dma_start3A_655 = tpu.memref_slice %arg14[%get3A_648, %dma_start3A_653, %dma_start3A_654] : memref<2x2048x2048xf32, #tpu.memory_space<any>> -> memref<1x2048x2048xf32, #tpu.memory_space<any>>
        %dma_start3A_656 = tpu.memref_squeeze %dma_start3A_655 : memref<1x2048x2048xf32, #tpu.memory_space<any>> -> memref<2048x2048xf32, #tpu.memory_space<any>>
        %dma_start3A_657 = arith.constant 0 : i32
        %dma_start3A_658 = tpu.memref_slice %dma_start3A_656[%get3A_650, %dma_start3A_657] : memref<2048x2048xf32, #tpu.memory_space<any>> -> memref<1x2048xf32, #tpu.memory_space<any>>
        %dma_start3A_659 = arith.constant 20 : i32
        %dma_start3A_660 = arith.constant 0 : i32
        %dma_start3A_661 = tpu.memref_slice %arg19[%dma_start3A_659, %dma_start3A_660] : memref<32x2048xf32, #tpu.memory_space<vmem>> -> memref<1x2048xf32, #tpu.memory_space<vmem>>
        tpu.enqueue_dma source(%dma_start3A_661 : memref<1x2048xf32, #tpu.memory_space<vmem>>) target(%dma_start3A_658 : memref<1x2048xf32, #tpu.memory_space<any>>) target_semaphore(%dma_start3A_652 : memref<!tpu.dma_semaphore, #tpu.memory_space<semaphore_mem>>)
      } else {
      }
      %get3A_346 = arith.constant 21 : index
      %get3A_347 = memref.load %arg11[%get3A_346] : memref<32xi32, #tpu.memory_space<smem>>
      %ne3A_348 = arith.constant 0 : i32
      %ne3A_349 = arith.cmpi ne, %get3A_347, %ne3A_348 : i32
      %convert_element_type3A_350 = arith.extui %ne3A_349 : i1 to i32
      %cond3A_351 = arith.constant 0 : i32
      %cond3A_352 = arith.cmpi ne, %convert_element_type3A_350, %cond3A_351 : i32
      scf.if %cond3A_352 {
        %get3A_647 = arith.constant 21 : index
        %get3A_648 = memref.load %arg12[%get3A_647] : memref<32xi32, #tpu.memory_space<smem>>
        %get3A_649 = arith.constant 21 : index
        %get3A_650 = memref.load %arg13[%get3A_649] : memref<32xi32, #tpu.memory_space<smem>>
        %dma_start3A = arith.constant 21 : i32
        %dma_start3A_651 = tpu.memref_slice %arg22[%dma_start3A] : memref<32x!tpu.dma_semaphore, #tpu.memory_space<semaphore_mem>> -> memref<1x!tpu.dma_semaphore, #tpu.memory_space<semaphore_mem>>
        %dma_start3A_652 = tpu.memref_squeeze %dma_start3A_651 : memref<1x!tpu.dma_semaphore, #tpu.memory_space<semaphore_mem>> -> memref<!tpu.dma_semaphore, #tpu.memory_space<semaphore_mem>>
        %dma_start3A_653 = arith.constant 0 : i32
        %dma_start3A_654 = arith.constant 0 : i32
        %dma_start3A_655 = tpu.memref_slice %arg14[%get3A_648, %dma_start3A_653, %dma_start3A_654] : memref<2x2048x2048xf32, #tpu.memory_space<any>> -> memref<1x2048x2048xf32, #tpu.memory_space<any>>
        %dma_start3A_656 = tpu.memref_squeeze %dma_start3A_655 : memref<1x2048x2048xf32, #tpu.memory_space<any>> -> memref<2048x2048xf32, #tpu.memory_space<any>>
        %dma_start3A_657 = arith.constant 0 : i32
        %dma_start3A_658 = tpu.memref_slice %dma_start3A_656[%get3A_650, %dma_start3A_657] : memref<2048x2048xf32, #tpu.memory_space<any>> -> memref<1x2048xf32, #tpu.memory_space<any>>
        %dma_start3A_659 = arith.constant 21 : i32
        %dma_start3A_660 = arith.constant 0 : i32
        %dma_start3A_661 = tpu.memref_slice %arg19[%dma_start3A_659, %dma_start3A_660] : memref<32x2048xf32, #tpu.memory_space<vmem>> -> memref<1x2048xf32, #tpu.memory_space<vmem>>
        tpu.enqueue_dma source(%dma_start3A_661 : memref<1x2048xf32, #tpu.memory_space<vmem>>) target(%dma_start3A_658 : memref<1x2048xf32, #tpu.memory_space<any>>) target_semaphore(%dma_start3A_652 : memref<!tpu.dma_semaphore, #tpu.memory_space<semaphore_mem>>)
      } else {
      }
      %get3A_353 = arith.constant 22 : index
      %get3A_354 = memref.load %arg11[%get3A_353] : memref<32xi32, #tpu.memory_space<smem>>
      %ne3A_355 = arith.constant 0 : i32
      %ne3A_356 = arith.cmpi ne, %get3A_354, %ne3A_355 : i32
      %convert_element_type3A_357 = arith.extui %ne3A_356 : i1 to i32
      %cond3A_358 = arith.constant 0 : i32
      %cond3A_359 = arith.cmpi ne, %convert_element_type3A_357, %cond3A_358 : i32
      scf.if %cond3A_359 {
        %get3A_647 = arith.constant 22 : index
        %get3A_648 = memref.load %arg12[%get3A_647] : memref<32xi32, #tpu.memory_space<smem>>
        %get3A_649 = arith.constant 22 : index
        %get3A_650 = memref.load %arg13[%get3A_649] : memref<32xi32, #tpu.memory_space<smem>>
        %dma_start3A = arith.constant 22 : i32
        %dma_start3A_651 = tpu.memref_slice %arg22[%dma_start3A] : memref<32x!tpu.dma_semaphore, #tpu.memory_space<semaphore_mem>> -> memref<1x!tpu.dma_semaphore, #tpu.memory_space<semaphore_mem>>
        %dma_start3A_652 = tpu.memref_squeeze %dma_start3A_651 : memref<1x!tpu.dma_semaphore, #tpu.memory_space<semaphore_mem>> -> memref<!tpu.dma_semaphore, #tpu.memory_space<semaphore_mem>>
        %dma_start3A_653 = arith.constant 0 : i32
        %dma_start3A_654 = arith.constant 0 : i32
        %dma_start3A_655 = tpu.memref_slice %arg14[%get3A_648, %dma_start3A_653, %dma_start3A_654] : memref<2x2048x2048xf32, #tpu.memory_space<any>> -> memref<1x2048x2048xf32, #tpu.memory_space<any>>
        %dma_start3A_656 = tpu.memref_squeeze %dma_start3A_655 : memref<1x2048x2048xf32, #tpu.memory_space<any>> -> memref<2048x2048xf32, #tpu.memory_space<any>>
        %dma_start3A_657 = arith.constant 0 : i32
        %dma_start3A_658 = tpu.memref_slice %dma_start3A_656[%get3A_650, %dma_start3A_657] : memref<2048x2048xf32, #tpu.memory_space<any>> -> memref<1x2048xf32, #tpu.memory_space<any>>
        %dma_start3A_659 = arith.constant 22 : i32
        %dma_start3A_660 = arith.constant 0 : i32
        %dma_start3A_661 = tpu.memref_slice %arg19[%dma_start3A_659, %dma_start3A_660] : memref<32x2048xf32, #tpu.memory_space<vmem>> -> memref<1x2048xf32, #tpu.memory_space<vmem>>
        tpu.enqueue_dma source(%dma_start3A_661 : memref<1x2048xf32, #tpu.memory_space<vmem>>) target(%dma_start3A_658 : memref<1x2048xf32, #tpu.memory_space<any>>) target_semaphore(%dma_start3A_652 : memref<!tpu.dma_semaphore, #tpu.memory_space<semaphore_mem>>)
      } else {
      }
      %get3A_360 = arith.constant 23 : index
      %get3A_361 = memref.load %arg11[%get3A_360] : memref<32xi32, #tpu.memory_space<smem>>
      %ne3A_362 = arith.constant 0 : i32
      %ne3A_363 = arith.cmpi ne, %get3A_361, %ne3A_362 : i32
      %convert_element_type3A_364 = arith.extui %ne3A_363 : i1 to i32
      %cond3A_365 = arith.constant 0 : i32
      %cond3A_366 = arith.cmpi ne, %convert_element_type3A_364, %cond3A_365 : i32
      scf.if %cond3A_366 {
        %get3A_647 = arith.constant 23 : index
        %get3A_648 = memref.load %arg12[%get3A_647] : memref<32xi32, #tpu.memory_space<smem>>
        %get3A_649 = arith.constant 23 : index
        %get3A_650 = memref.load %arg13[%get3A_649] : memref<32xi32, #tpu.memory_space<smem>>
        %dma_start3A = arith.constant 23 : i32
        %dma_start3A_651 = tpu.memref_slice %arg22[%dma_start3A] : memref<32x!tpu.dma_semaphore, #tpu.memory_space<semaphore_mem>> -> memref<1x!tpu.dma_semaphore, #tpu.memory_space<semaphore_mem>>
        %dma_start3A_652 = tpu.memref_squeeze %dma_start3A_651 : memref<1x!tpu.dma_semaphore, #tpu.memory_space<semaphore_mem>> -> memref<!tpu.dma_semaphore, #tpu.memory_space<semaphore_mem>>
        %dma_start3A_653 = arith.constant 0 : i32
        %dma_start3A_654 = arith.constant 0 : i32
        %dma_start3A_655 = tpu.memref_slice %arg14[%get3A_648, %dma_start3A_653, %dma_start3A_654] : memref<2x2048x2048xf32, #tpu.memory_space<any>> -> memref<1x2048x2048xf32, #tpu.memory_space<any>>
        %dma_start3A_656 = tpu.memref_squeeze %dma_start3A_655 : memref<1x2048x2048xf32, #tpu.memory_space<any>> -> memref<2048x2048xf32, #tpu.memory_space<any>>
        %dma_start3A_657 = arith.constant 0 : i32
        %dma_start3A_658 = tpu.memref_slice %dma_start3A_656[%get3A_650, %dma_start3A_657] : memref<2048x2048xf32, #tpu.memory_space<any>> -> memref<1x2048xf32, #tpu.memory_space<any>>
        %dma_start3A_659 = arith.constant 23 : i32
        %dma_start3A_660 = arith.constant 0 : i32
        %dma_start3A_661 = tpu.memref_slice %arg19[%dma_start3A_659, %dma_start3A_660] : memref<32x2048xf32, #tpu.memory_space<vmem>> -> memref<1x2048xf32, #tpu.memory_space<vmem>>
        tpu.enqueue_dma source(%dma_start3A_661 : memref<1x2048xf32, #tpu.memory_space<vmem>>) target(%dma_start3A_658 : memref<1x2048xf32, #tpu.memory_space<any>>) target_semaphore(%dma_start3A_652 : memref<!tpu.dma_semaphore, #tpu.memory_space<semaphore_mem>>)
      } else {
      }
      %get3A_367 = arith.constant 24 : index
      %get3A_368 = memref.load %arg11[%get3A_367] : memref<32xi32, #tpu.memory_space<smem>>
      %ne3A_369 = arith.constant 0 : i32
      %ne3A_370 = arith.cmpi ne, %get3A_368, %ne3A_369 : i32
      %convert_element_type3A_371 = arith.extui %ne3A_370 : i1 to i32
      %cond3A_372 = arith.constant 0 : i32
      %cond3A_373 = arith.cmpi ne, %convert_element_type3A_371, %cond3A_372 : i32
      scf.if %cond3A_373 {
        %get3A_647 = arith.constant 24 : index
        %get3A_648 = memref.load %arg12[%get3A_647] : memref<32xi32, #tpu.memory_space<smem>>
        %get3A_649 = arith.constant 24 : index
        %get3A_650 = memref.load %arg13[%get3A_649] : memref<32xi32, #tpu.memory_space<smem>>
        %dma_start3A = arith.constant 24 : i32
        %dma_start3A_651 = tpu.memref_slice %arg22[%dma_start3A] : memref<32x!tpu.dma_semaphore, #tpu.memory_space<semaphore_mem>> -> memref<1x!tpu.dma_semaphore, #tpu.memory_space<semaphore_mem>>
        %dma_start3A_652 = tpu.memref_squeeze %dma_start3A_651 : memref<1x!tpu.dma_semaphore, #tpu.memory_space<semaphore_mem>> -> memref<!tpu.dma_semaphore, #tpu.memory_space<semaphore_mem>>
        %dma_start3A_653 = arith.constant 0 : i32
        %dma_start3A_654 = arith.constant 0 : i32
        %dma_start3A_655 = tpu.memref_slice %arg14[%get3A_648, %dma_start3A_653, %dma_start3A_654] : memref<2x2048x2048xf32, #tpu.memory_space<any>> -> memref<1x2048x2048xf32, #tpu.memory_space<any>>
        %dma_start3A_656 = tpu.memref_squeeze %dma_start3A_655 : memref<1x2048x2048xf32, #tpu.memory_space<any>> -> memref<2048x2048xf32, #tpu.memory_space<any>>
        %dma_start3A_657 = arith.constant 0 : i32
        %dma_start3A_658 = tpu.memref_slice %dma_start3A_656[%get3A_650, %dma_start3A_657] : memref<2048x2048xf32, #tpu.memory_space<any>> -> memref<1x2048xf32, #tpu.memory_space<any>>
        %dma_start3A_659 = arith.constant 24 : i32
        %dma_start3A_660 = arith.constant 0 : i32
        %dma_start3A_661 = tpu.memref_slice %arg19[%dma_start3A_659, %dma_start3A_660] : memref<32x2048xf32, #tpu.memory_space<vmem>> -> memref<1x2048xf32, #tpu.memory_space<vmem>>
        tpu.enqueue_dma source(%dma_start3A_661 : memref<1x2048xf32, #tpu.memory_space<vmem>>) target(%dma_start3A_658 : memref<1x2048xf32, #tpu.memory_space<any>>) target_semaphore(%dma_start3A_652 : memref<!tpu.dma_semaphore, #tpu.memory_space<semaphore_mem>>)
      } else {
      }
      %get3A_374 = arith.constant 25 : index
      %get3A_375 = memref.load %arg11[%get3A_374] : memref<32xi32, #tpu.memory_space<smem>>
      %ne3A_376 = arith.constant 0 : i32
      %ne3A_377 = arith.cmpi ne, %get3A_375, %ne3A_376 : i32
      %convert_element_type3A_378 = arith.extui %ne3A_377 : i1 to i32
      %cond3A_379 = arith.constant 0 : i32
      %cond3A_380 = arith.cmpi ne, %convert_element_type3A_378, %cond3A_379 : i32
      scf.if %cond3A_380 {
        %get3A_647 = arith.constant 25 : index
        %get3A_648 = memref.load %arg12[%get3A_647] : memref<32xi32, #tpu.memory_space<smem>>
        %get3A_649 = arith.constant 25 : index
        %get3A_650 = memref.load %arg13[%get3A_649] : memref<32xi32, #tpu.memory_space<smem>>
        %dma_start3A = arith.constant 25 : i32
        %dma_start3A_651 = tpu.memref_slice %arg22[%dma_start3A] : memref<32x!tpu.dma_semaphore, #tpu.memory_space<semaphore_mem>> -> memref<1x!tpu.dma_semaphore, #tpu.memory_space<semaphore_mem>>
        %dma_start3A_652 = tpu.memref_squeeze %dma_start3A_651 : memref<1x!tpu.dma_semaphore, #tpu.memory_space<semaphore_mem>> -> memref<!tpu.dma_semaphore, #tpu.memory_space<semaphore_mem>>
        %dma_start3A_653 = arith.constant 0 : i32
        %dma_start3A_654 = arith.constant 0 : i32
        %dma_start3A_655 = tpu.memref_slice %arg14[%get3A_648, %dma_start3A_653, %dma_start3A_654] : memref<2x2048x2048xf32, #tpu.memory_space<any>> -> memref<1x2048x2048xf32, #tpu.memory_space<any>>
        %dma_start3A_656 = tpu.memref_squeeze %dma_start3A_655 : memref<1x2048x2048xf32, #tpu.memory_space<any>> -> memref<2048x2048xf32, #tpu.memory_space<any>>
        %dma_start3A_657 = arith.constant 0 : i32
        %dma_start3A_658 = tpu.memref_slice %dma_start3A_656[%get3A_650, %dma_start3A_657] : memref<2048x2048xf32, #tpu.memory_space<any>> -> memref<1x2048xf32, #tpu.memory_space<any>>
        %dma_start3A_659 = arith.constant 25 : i32
        %dma_start3A_660 = arith.constant 0 : i32
        %dma_start3A_661 = tpu.memref_slice %arg19[%dma_start3A_659, %dma_start3A_660] : memref<32x2048xf32, #tpu.memory_space<vmem>> -> memref<1x2048xf32, #tpu.memory_space<vmem>>
        tpu.enqueue_dma source(%dma_start3A_661 : memref<1x2048xf32, #tpu.memory_space<vmem>>) target(%dma_start3A_658 : memref<1x2048xf32, #tpu.memory_space<any>>) target_semaphore(%dma_start3A_652 : memref<!tpu.dma_semaphore, #tpu.memory_space<semaphore_mem>>)
      } else {
      }
      %get3A_381 = arith.constant 26 : index
      %get3A_382 = memref.load %arg11[%get3A_381] : memref<32xi32, #tpu.memory_space<smem>>
      %ne3A_383 = arith.constant 0 : i32
      %ne3A_384 = arith.cmpi ne, %get3A_382, %ne3A_383 : i32
      %convert_element_type3A_385 = arith.extui %ne3A_384 : i1 to i32
      %cond3A_386 = arith.constant 0 : i32
      %cond3A_387 = arith.cmpi ne, %convert_element_type3A_385, %cond3A_386 : i32
      scf.if %cond3A_387 {
        %get3A_647 = arith.constant 26 : index
        %get3A_648 = memref.load %arg12[%get3A_647] : memref<32xi32, #tpu.memory_space<smem>>
        %get3A_649 = arith.constant 26 : index
        %get3A_650 = memref.load %arg13[%get3A_649] : memref<32xi32, #tpu.memory_space<smem>>
        %dma_start3A = arith.constant 26 : i32
        %dma_start3A_651 = tpu.memref_slice %arg22[%dma_start3A] : memref<32x!tpu.dma_semaphore, #tpu.memory_space<semaphore_mem>> -> memref<1x!tpu.dma_semaphore, #tpu.memory_space<semaphore_mem>>
        %dma_start3A_652 = tpu.memref_squeeze %dma_start3A_651 : memref<1x!tpu.dma_semaphore, #tpu.memory_space<semaphore_mem>> -> memref<!tpu.dma_semaphore, #tpu.memory_space<semaphore_mem>>
        %dma_start3A_653 = arith.constant 0 : i32
        %dma_start3A_654 = arith.constant 0 : i32
        %dma_start3A_655 = tpu.memref_slice %arg14[%get3A_648, %dma_start3A_653, %dma_start3A_654] : memref<2x2048x2048xf32, #tpu.memory_space<any>> -> memref<1x2048x2048xf32, #tpu.memory_space<any>>
        %dma_start3A_656 = tpu.memref_squeeze %dma_start3A_655 : memref<1x2048x2048xf32, #tpu.memory_space<any>> -> memref<2048x2048xf32, #tpu.memory_space<any>>
        %dma_start3A_657 = arith.constant 0 : i32
        %dma_start3A_658 = tpu.memref_slice %dma_start3A_656[%get3A_650, %dma_start3A_657] : memref<2048x2048xf32, #tpu.memory_space<any>> -> memref<1x2048xf32, #tpu.memory_space<any>>
        %dma_start3A_659 = arith.constant 26 : i32
        %dma_start3A_660 = arith.constant 0 : i32
        %dma_start3A_661 = tpu.memref_slice %arg19[%dma_start3A_659, %dma_start3A_660] : memref<32x2048xf32, #tpu.memory_space<vmem>> -> memref<1x2048xf32, #tpu.memory_space<vmem>>
        tpu.enqueue_dma source(%dma_start3A_661 : memref<1x2048xf32, #tpu.memory_space<vmem>>) target(%dma_start3A_658 : memref<1x2048xf32, #tpu.memory_space<any>>) target_semaphore(%dma_start3A_652 : memref<!tpu.dma_semaphore, #tpu.memory_space<semaphore_mem>>)
      } else {
      }
      %get3A_388 = arith.constant 27 : index
      %get3A_389 = memref.load %arg11[%get3A_388] : memref<32xi32, #tpu.memory_space<smem>>
      %ne3A_390 = arith.constant 0 : i32
      %ne3A_391 = arith.cmpi ne, %get3A_389, %ne3A_390 : i32
      %convert_element_type3A_392 = arith.extui %ne3A_391 : i1 to i32
      %cond3A_393 = arith.constant 0 : i32
      %cond3A_394 = arith.cmpi ne, %convert_element_type3A_392, %cond3A_393 : i32
      scf.if %cond3A_394 {
        %get3A_647 = arith.constant 27 : index
        %get3A_648 = memref.load %arg12[%get3A_647] : memref<32xi32, #tpu.memory_space<smem>>
        %get3A_649 = arith.constant 27 : index
        %get3A_650 = memref.load %arg13[%get3A_649] : memref<32xi32, #tpu.memory_space<smem>>
        %dma_start3A = arith.constant 27 : i32
        %dma_start3A_651 = tpu.memref_slice %arg22[%dma_start3A] : memref<32x!tpu.dma_semaphore, #tpu.memory_space<semaphore_mem>> -> memref<1x!tpu.dma_semaphore, #tpu.memory_space<semaphore_mem>>
        %dma_start3A_652 = tpu.memref_squeeze %dma_start3A_651 : memref<1x!tpu.dma_semaphore, #tpu.memory_space<semaphore_mem>> -> memref<!tpu.dma_semaphore, #tpu.memory_space<semaphore_mem>>
        %dma_start3A_653 = arith.constant 0 : i32
        %dma_start3A_654 = arith.constant 0 : i32
        %dma_start3A_655 = tpu.memref_slice %arg14[%get3A_648, %dma_start3A_653, %dma_start3A_654] : memref<2x2048x2048xf32, #tpu.memory_space<any>> -> memref<1x2048x2048xf32, #tpu.memory_space<any>>
        %dma_start3A_656 = tpu.memref_squeeze %dma_start3A_655 : memref<1x2048x2048xf32, #tpu.memory_space<any>> -> memref<2048x2048xf32, #tpu.memory_space<any>>
        %dma_start3A_657 = arith.constant 0 : i32
        %dma_start3A_658 = tpu.memref_slice %dma_start3A_656[%get3A_650, %dma_start3A_657] : memref<2048x2048xf32, #tpu.memory_space<any>> -> memref<1x2048xf32, #tpu.memory_space<any>>
        %dma_start3A_659 = arith.constant 27 : i32
        %dma_start3A_660 = arith.constant 0 : i32
        %dma_start3A_661 = tpu.memref_slice %arg19[%dma_start3A_659, %dma_start3A_660] : memref<32x2048xf32, #tpu.memory_space<vmem>> -> memref<1x2048xf32, #tpu.memory_space<vmem>>
        tpu.enqueue_dma source(%dma_start3A_661 : memref<1x2048xf32, #tpu.memory_space<vmem>>) target(%dma_start3A_658 : memref<1x2048xf32, #tpu.memory_space<any>>) target_semaphore(%dma_start3A_652 : memref<!tpu.dma_semaphore, #tpu.memory_space<semaphore_mem>>)
      } else {
      }
      %get3A_395 = arith.constant 28 : index
      %get3A_396 = memref.load %arg11[%get3A_395] : memref<32xi32, #tpu.memory_space<smem>>
      %ne3A_397 = arith.constant 0 : i32
      %ne3A_398 = arith.cmpi ne, %get3A_396, %ne3A_397 : i32
      %convert_element_type3A_399 = arith.extui %ne3A_398 : i1 to i32
      %cond3A_400 = arith.constant 0 : i32
      %cond3A_401 = arith.cmpi ne, %convert_element_type3A_399, %cond3A_400 : i32
      scf.if %cond3A_401 {
        %get3A_647 = arith.constant 28 : index
        %get3A_648 = memref.load %arg12[%get3A_647] : memref<32xi32, #tpu.memory_space<smem>>
        %get3A_649 = arith.constant 28 : index
        %get3A_650 = memref.load %arg13[%get3A_649] : memref<32xi32, #tpu.memory_space<smem>>
        %dma_start3A = arith.constant 28 : i32
        %dma_start3A_651 = tpu.memref_slice %arg22[%dma_start3A] : memref<32x!tpu.dma_semaphore, #tpu.memory_space<semaphore_mem>> -> memref<1x!tpu.dma_semaphore, #tpu.memory_space<semaphore_mem>>
        %dma_start3A_652 = tpu.memref_squeeze %dma_start3A_651 : memref<1x!tpu.dma_semaphore, #tpu.memory_space<semaphore_mem>> -> memref<!tpu.dma_semaphore, #tpu.memory_space<semaphore_mem>>
        %dma_start3A_653 = arith.constant 0 : i32
        %dma_start3A_654 = arith.constant 0 : i32
        %dma_start3A_655 = tpu.memref_slice %arg14[%get3A_648, %dma_start3A_653, %dma_start3A_654] : memref<2x2048x2048xf32, #tpu.memory_space<any>> -> memref<1x2048x2048xf32, #tpu.memory_space<any>>
        %dma_start3A_656 = tpu.memref_squeeze %dma_start3A_655 : memref<1x2048x2048xf32, #tpu.memory_space<any>> -> memref<2048x2048xf32, #tpu.memory_space<any>>
        %dma_start3A_657 = arith.constant 0 : i32
        %dma_start3A_658 = tpu.memref_slice %dma_start3A_656[%get3A_650, %dma_start3A_657] : memref<2048x2048xf32, #tpu.memory_space<any>> -> memref<1x2048xf32, #tpu.memory_space<any>>
        %dma_start3A_659 = arith.constant 28 : i32
        %dma_start3A_660 = arith.constant 0 : i32
        %dma_start3A_661 = tpu.memref_slice %arg19[%dma_start3A_659, %dma_start3A_660] : memref<32x2048xf32, #tpu.memory_space<vmem>> -> memref<1x2048xf32, #tpu.memory_space<vmem>>
        tpu.enqueue_dma source(%dma_start3A_661 : memref<1x2048xf32, #tpu.memory_space<vmem>>) target(%dma_start3A_658 : memref<1x2048xf32, #tpu.memory_space<any>>) target_semaphore(%dma_start3A_652 : memref<!tpu.dma_semaphore, #tpu.memory_space<semaphore_mem>>)
      } else {
      }
      %get3A_402 = arith.constant 29 : index
      %get3A_403 = memref.load %arg11[%get3A_402] : memref<32xi32, #tpu.memory_space<smem>>
      %ne3A_404 = arith.constant 0 : i32
      %ne3A_405 = arith.cmpi ne, %get3A_403, %ne3A_404 : i32
      %convert_element_type3A_406 = arith.extui %ne3A_405 : i1 to i32
      %cond3A_407 = arith.constant 0 : i32
      %cond3A_408 = arith.cmpi ne, %convert_element_type3A_406, %cond3A_407 : i32
      scf.if %cond3A_408 {
        %get3A_647 = arith.constant 29 : index
        %get3A_648 = memref.load %arg12[%get3A_647] : memref<32xi32, #tpu.memory_space<smem>>
        %get3A_649 = arith.constant 29 : index
        %get3A_650 = memref.load %arg13[%get3A_649] : memref<32xi32, #tpu.memory_space<smem>>
        %dma_start3A = arith.constant 29 : i32
        %dma_start3A_651 = tpu.memref_slice %arg22[%dma_start3A] : memref<32x!tpu.dma_semaphore, #tpu.memory_space<semaphore_mem>> -> memref<1x!tpu.dma_semaphore, #tpu.memory_space<semaphore_mem>>
        %dma_start3A_652 = tpu.memref_squeeze %dma_start3A_651 : memref<1x!tpu.dma_semaphore, #tpu.memory_space<semaphore_mem>> -> memref<!tpu.dma_semaphore, #tpu.memory_space<semaphore_mem>>
        %dma_start3A_653 = arith.constant 0 : i32
        %dma_start3A_654 = arith.constant 0 : i32
        %dma_start3A_655 = tpu.memref_slice %arg14[%get3A_648, %dma_start3A_653, %dma_start3A_654] : memref<2x2048x2048xf32, #tpu.memory_space<any>> -> memref<1x2048x2048xf32, #tpu.memory_space<any>>
        %dma_start3A_656 = tpu.memref_squeeze %dma_start3A_655 : memref<1x2048x2048xf32, #tpu.memory_space<any>> -> memref<2048x2048xf32, #tpu.memory_space<any>>
        %dma_start3A_657 = arith.constant 0 : i32
        %dma_start3A_658 = tpu.memref_slice %dma_start3A_656[%get3A_650, %dma_start3A_657] : memref<2048x2048xf32, #tpu.memory_space<any>> -> memref<1x2048xf32, #tpu.memory_space<any>>
        %dma_start3A_659 = arith.constant 29 : i32
        %dma_start3A_660 = arith.constant 0 : i32
        %dma_start3A_661 = tpu.memref_slice %arg19[%dma_start3A_659, %dma_start3A_660] : memref<32x2048xf32, #tpu.memory_space<vmem>> -> memref<1x2048xf32, #tpu.memory_space<vmem>>
        tpu.enqueue_dma source(%dma_start3A_661 : memref<1x2048xf32, #tpu.memory_space<vmem>>) target(%dma_start3A_658 : memref<1x2048xf32, #tpu.memory_space<any>>) target_semaphore(%dma_start3A_652 : memref<!tpu.dma_semaphore, #tpu.memory_space<semaphore_mem>>)
      } else {
      }
      %get3A_409 = arith.constant 30 : index
      %get3A_410 = memref.load %arg11[%get3A_409] : memref<32xi32, #tpu.memory_space<smem>>
      %ne3A_411 = arith.constant 0 : i32
      %ne3A_412 = arith.cmpi ne, %get3A_410, %ne3A_411 : i32
      %convert_element_type3A_413 = arith.extui %ne3A_412 : i1 to i32
      %cond3A_414 = arith.constant 0 : i32
      %cond3A_415 = arith.cmpi ne, %convert_element_type3A_413, %cond3A_414 : i32
      scf.if %cond3A_415 {
        %get3A_647 = arith.constant 30 : index
        %get3A_648 = memref.load %arg12[%get3A_647] : memref<32xi32, #tpu.memory_space<smem>>
        %get3A_649 = arith.constant 30 : index
        %get3A_650 = memref.load %arg13[%get3A_649] : memref<32xi32, #tpu.memory_space<smem>>
        %dma_start3A = arith.constant 30 : i32
        %dma_start3A_651 = tpu.memref_slice %arg22[%dma_start3A] : memref<32x!tpu.dma_semaphore, #tpu.memory_space<semaphore_mem>> -> memref<1x!tpu.dma_semaphore, #tpu.memory_space<semaphore_mem>>
        %dma_start3A_652 = tpu.memref_squeeze %dma_start3A_651 : memref<1x!tpu.dma_semaphore, #tpu.memory_space<semaphore_mem>> -> memref<!tpu.dma_semaphore, #tpu.memory_space<semaphore_mem>>
        %dma_start3A_653 = arith.constant 0 : i32
        %dma_start3A_654 = arith.constant 0 : i32
        %dma_start3A_655 = tpu.memref_slice %arg14[%get3A_648, %dma_start3A_653, %dma_start3A_654] : memref<2x2048x2048xf32, #tpu.memory_space<any>> -> memref<1x2048x2048xf32, #tpu.memory_space<any>>
        %dma_start3A_656 = tpu.memref_squeeze %dma_start3A_655 : memref<1x2048x2048xf32, #tpu.memory_space<any>> -> memref<2048x2048xf32, #tpu.memory_space<any>>
        %dma_start3A_657 = arith.constant 0 : i32
        %dma_start3A_658 = tpu.memref_slice %dma_start3A_656[%get3A_650, %dma_start3A_657] : memref<2048x2048xf32, #tpu.memory_space<any>> -> memref<1x2048xf32, #tpu.memory_space<any>>
        %dma_start3A_659 = arith.constant 30 : i32
        %dma_start3A_660 = arith.constant 0 : i32
        %dma_start3A_661 = tpu.memref_slice %arg19[%dma_start3A_659, %dma_start3A_660] : memref<32x2048xf32, #tpu.memory_space<vmem>> -> memref<1x2048xf32, #tpu.memory_space<vmem>>
        tpu.enqueue_dma source(%dma_start3A_661 : memref<1x2048xf32, #tpu.memory_space<vmem>>) target(%dma_start3A_658 : memref<1x2048xf32, #tpu.memory_space<any>>) target_semaphore(%dma_start3A_652 : memref<!tpu.dma_semaphore, #tpu.memory_space<semaphore_mem>>)
      } else {
      }
      %get3A_416 = arith.constant 31 : index
      %get3A_417 = memref.load %arg11[%get3A_416] : memref<32xi32, #tpu.memory_space<smem>>
      %ne3A_418 = arith.constant 0 : i32
      %ne3A_419 = arith.cmpi ne, %get3A_417, %ne3A_418 : i32
      %convert_element_type3A_420 = arith.extui %ne3A_419 : i1 to i32
      %cond3A_421 = arith.constant 0 : i32
      %cond3A_422 = arith.cmpi ne, %convert_element_type3A_420, %cond3A_421 : i32
      scf.if %cond3A_422 {
        %get3A_647 = arith.constant 31 : index
        %get3A_648 = memref.load %arg12[%get3A_647] : memref<32xi32, #tpu.memory_space<smem>>
        %get3A_649 = arith.constant 31 : index
        %get3A_650 = memref.load %arg13[%get3A_649] : memref<32xi32, #tpu.memory_space<smem>>
        %dma_start3A = arith.constant 31 : i32
        %dma_start3A_651 = tpu.memref_slice %arg22[%dma_start3A] : memref<32x!tpu.dma_semaphore, #tpu.memory_space<semaphore_mem>> -> memref<1x!tpu.dma_semaphore, #tpu.memory_space<semaphore_mem>>
        %dma_start3A_652 = tpu.memref_squeeze %dma_start3A_651 : memref<1x!tpu.dma_semaphore, #tpu.memory_space<semaphore_mem>> -> memref<!tpu.dma_semaphore, #tpu.memory_space<semaphore_mem>>
        %dma_start3A_653 = arith.constant 0 : i32
        %dma_start3A_654 = arith.constant 0 : i32
        %dma_start3A_655 = tpu.memref_slice %arg14[%get3A_648, %dma_start3A_653, %dma_start3A_654] : memref<2x2048x2048xf32, #tpu.memory_space<any>> -> memref<1x2048x2048xf32, #tpu.memory_space<any>>
        %dma_start3A_656 = tpu.memref_squeeze %dma_start3A_655 : memref<1x2048x2048xf32, #tpu.memory_space<any>> -> memref<2048x2048xf32, #tpu.memory_space<any>>
        %dma_start3A_657 = arith.constant 0 : i32
        %dma_start3A_658 = tpu.memref_slice %dma_start3A_656[%get3A_650, %dma_start3A_657] : memref<2048x2048xf32, #tpu.memory_space<any>> -> memref<1x2048xf32, #tpu.memory_space<any>>
        %dma_start3A_659 = arith.constant 31 : i32
        %dma_start3A_660 = arith.constant 0 : i32
        %dma_start3A_661 = tpu.memref_slice %arg19[%dma_start3A_659, %dma_start3A_660] : memref<32x2048xf32, #tpu.memory_space<vmem>> -> memref<1x2048xf32, #tpu.memory_space<vmem>>
        tpu.enqueue_dma source(%dma_start3A_661 : memref<1x2048xf32, #tpu.memory_space<vmem>>) target(%dma_start3A_658 : memref<1x2048xf32, #tpu.memory_space<any>>) target_semaphore(%dma_start3A_652 : memref<!tpu.dma_semaphore, #tpu.memory_space<semaphore_mem>>)
      } else {
      }
      %get3A_423 = arith.constant 0 : index
      %get3A_424 = memref.load %arg11[%get3A_423] : memref<32xi32, #tpu.memory_space<smem>>
      %ne3A_425 = arith.constant 0 : i32
      %ne3A_426 = arith.cmpi ne, %get3A_424, %ne3A_425 : i32
      %convert_element_type3A_427 = arith.extui %ne3A_426 : i1 to i32
      %cond3A_428 = arith.constant 0 : i32
      %cond3A_429 = arith.cmpi ne, %convert_element_type3A_427, %cond3A_428 : i32
      scf.if %cond3A_429 {
        %get3A_647 = arith.constant 0 : index
        %get3A_648 = memref.load %arg12[%get3A_647] : memref<32xi32, #tpu.memory_space<smem>>
        %get3A_649 = arith.constant 0 : index
        %get3A_650 = memref.load %arg13[%get3A_649] : memref<32xi32, #tpu.memory_space<smem>>
        %dma_wait3A_651 = arith.constant 0 : i32
        %dma_wait3A_652 = tpu.memref_slice %arg22[%dma_wait3A_651] : memref<32x!tpu.dma_semaphore, #tpu.memory_space<semaphore_mem>> -> memref<1x!tpu.dma_semaphore, #tpu.memory_space<semaphore_mem>>
        %dma_wait3A_653 = tpu.memref_squeeze %dma_wait3A_652 : memref<1x!tpu.dma_semaphore, #tpu.memory_space<semaphore_mem>> -> memref<!tpu.dma_semaphore, #tpu.memory_space<semaphore_mem>>
        %dma_wait3A_654 = arith.constant 0 : i32
        %dma_wait3A_655 = arith.constant 0 : i32
        %dma_wait3A_656 = tpu.memref_slice %arg14[%get3A_648, %dma_wait3A_654, %dma_wait3A_655] : memref<2x2048x2048xf32, #tpu.memory_space<any>> -> memref<1x2048x2048xf32, #tpu.memory_space<any>>
        %dma_wait3A_657 = tpu.memref_squeeze %dma_wait3A_656 : memref<1x2048x2048xf32, #tpu.memory_space<any>> -> memref<2048x2048xf32, #tpu.memory_space<any>>
        %dma_wait3A_658 = arith.constant 0 : i32
        %dma_wait3A_659 = tpu.memref_slice %dma_wait3A_657[%get3A_650, %dma_wait3A_658] : memref<2048x2048xf32, #tpu.memory_space<any>> -> memref<1x2048xf32, #tpu.memory_space<any>>
        %dma_wait3A_660 = arith.constant 0 : i32
        %dma_wait3A_661 = arith.constant 0 : i32
        %dma_wait3A_662 = tpu.memref_slice %arg19[%dma_wait3A_660, %dma_wait3A_661] : memref<32x2048xf32, #tpu.memory_space<vmem>> -> memref<1x2048xf32, #tpu.memory_space<vmem>>
        tpu.wait_dma2 semaphore(%dma_wait3A_653 : memref<!tpu.dma_semaphore, #tpu.memory_space<semaphore_mem>>) src(%dma_wait3A_662 : memref<1x2048xf32, #tpu.memory_space<vmem>>) dst(%dma_wait3A_659 : memref<1x2048xf32, #tpu.memory_space<any>>)
      } else {
      }
      %get3A_430 = arith.constant 1 : index
      %get3A_431 = memref.load %arg11[%get3A_430] : memref<32xi32, #tpu.memory_space<smem>>
      %ne3A_432 = arith.constant 0 : i32
      %ne3A_433 = arith.cmpi ne, %get3A_431, %ne3A_432 : i32
      %convert_element_type3A_434 = arith.extui %ne3A_433 : i1 to i32
      %cond3A_435 = arith.constant 0 : i32
      %cond3A_436 = arith.cmpi ne, %convert_element_type3A_434, %cond3A_435 : i32
      scf.if %cond3A_436 {
        %get3A_647 = arith.constant 1 : index
        %get3A_648 = memref.load %arg12[%get3A_647] : memref<32xi32, #tpu.memory_space<smem>>
        %get3A_649 = arith.constant 1 : index
        %get3A_650 = memref.load %arg13[%get3A_649] : memref<32xi32, #tpu.memory_space<smem>>
        %dma_wait3A_651 = arith.constant 1 : i32
        %dma_wait3A_652 = tpu.memref_slice %arg22[%dma_wait3A_651] : memref<32x!tpu.dma_semaphore, #tpu.memory_space<semaphore_mem>> -> memref<1x!tpu.dma_semaphore, #tpu.memory_space<semaphore_mem>>
        %dma_wait3A_653 = tpu.memref_squeeze %dma_wait3A_652 : memref<1x!tpu.dma_semaphore, #tpu.memory_space<semaphore_mem>> -> memref<!tpu.dma_semaphore, #tpu.memory_space<semaphore_mem>>
        %dma_wait3A_654 = arith.constant 0 : i32
        %dma_wait3A_655 = arith.constant 0 : i32
        %dma_wait3A_656 = tpu.memref_slice %arg14[%get3A_648, %dma_wait3A_654, %dma_wait3A_655] : memref<2x2048x2048xf32, #tpu.memory_space<any>> -> memref<1x2048x2048xf32, #tpu.memory_space<any>>
        %dma_wait3A_657 = tpu.memref_squeeze %dma_wait3A_656 : memref<1x2048x2048xf32, #tpu.memory_space<any>> -> memref<2048x2048xf32, #tpu.memory_space<any>>
        %dma_wait3A_658 = arith.constant 0 : i32
        %dma_wait3A_659 = tpu.memref_slice %dma_wait3A_657[%get3A_650, %dma_wait3A_658] : memref<2048x2048xf32, #tpu.memory_space<any>> -> memref<1x2048xf32, #tpu.memory_space<any>>
        %dma_wait3A_660 = arith.constant 1 : i32
        %dma_wait3A_661 = arith.constant 0 : i32
        %dma_wait3A_662 = tpu.memref_slice %arg19[%dma_wait3A_660, %dma_wait3A_661] : memref<32x2048xf32, #tpu.memory_space<vmem>> -> memref<1x2048xf32, #tpu.memory_space<vmem>>
        tpu.wait_dma2 semaphore(%dma_wait3A_653 : memref<!tpu.dma_semaphore, #tpu.memory_space<semaphore_mem>>) src(%dma_wait3A_662 : memref<1x2048xf32, #tpu.memory_space<vmem>>) dst(%dma_wait3A_659 : memref<1x2048xf32, #tpu.memory_space<any>>)
      } else {
      }
      %get3A_437 = arith.constant 2 : index
      %get3A_438 = memref.load %arg11[%get3A_437] : memref<32xi32, #tpu.memory_space<smem>>
      %ne3A_439 = arith.constant 0 : i32
      %ne3A_440 = arith.cmpi ne, %get3A_438, %ne3A_439 : i32
      %convert_element_type3A_441 = arith.extui %ne3A_440 : i1 to i32
      %cond3A_442 = arith.constant 0 : i32
      %cond3A_443 = arith.cmpi ne, %convert_element_type3A_441, %cond3A_442 : i32
      scf.if %cond3A_443 {
        %get3A_647 = arith.constant 2 : index
        %get3A_648 = memref.load %arg12[%get3A_647] : memref<32xi32, #tpu.memory_space<smem>>
        %get3A_649 = arith.constant 2 : index
        %get3A_650 = memref.load %arg13[%get3A_649] : memref<32xi32, #tpu.memory_space<smem>>
        %dma_wait3A_651 = arith.constant 2 : i32
        %dma_wait3A_652 = tpu.memref_slice %arg22[%dma_wait3A_651] : memref<32x!tpu.dma_semaphore, #tpu.memory_space<semaphore_mem>> -> memref<1x!tpu.dma_semaphore, #tpu.memory_space<semaphore_mem>>
        %dma_wait3A_653 = tpu.memref_squeeze %dma_wait3A_652 : memref<1x!tpu.dma_semaphore, #tpu.memory_space<semaphore_mem>> -> memref<!tpu.dma_semaphore, #tpu.memory_space<semaphore_mem>>
        %dma_wait3A_654 = arith.constant 0 : i32
        %dma_wait3A_655 = arith.constant 0 : i32
        %dma_wait3A_656 = tpu.memref_slice %arg14[%get3A_648, %dma_wait3A_654, %dma_wait3A_655] : memref<2x2048x2048xf32, #tpu.memory_space<any>> -> memref<1x2048x2048xf32, #tpu.memory_space<any>>
        %dma_wait3A_657 = tpu.memref_squeeze %dma_wait3A_656 : memref<1x2048x2048xf32, #tpu.memory_space<any>> -> memref<2048x2048xf32, #tpu.memory_space<any>>
        %dma_wait3A_658 = arith.constant 0 : i32
        %dma_wait3A_659 = tpu.memref_slice %dma_wait3A_657[%get3A_650, %dma_wait3A_658] : memref<2048x2048xf32, #tpu.memory_space<any>> -> memref<1x2048xf32, #tpu.memory_space<any>>
        %dma_wait3A_660 = arith.constant 2 : i32
        %dma_wait3A_661 = arith.constant 0 : i32
        %dma_wait3A_662 = tpu.memref_slice %arg19[%dma_wait3A_660, %dma_wait3A_661] : memref<32x2048xf32, #tpu.memory_space<vmem>> -> memref<1x2048xf32, #tpu.memory_space<vmem>>
        tpu.wait_dma2 semaphore(%dma_wait3A_653 : memref<!tpu.dma_semaphore, #tpu.memory_space<semaphore_mem>>) src(%dma_wait3A_662 : memref<1x2048xf32, #tpu.memory_space<vmem>>) dst(%dma_wait3A_659 : memref<1x2048xf32, #tpu.memory_space<any>>)
      } else {
      }
      %get3A_444 = arith.constant 3 : index
      %get3A_445 = memref.load %arg11[%get3A_444] : memref<32xi32, #tpu.memory_space<smem>>
      %ne3A_446 = arith.constant 0 : i32
      %ne3A_447 = arith.cmpi ne, %get3A_445, %ne3A_446 : i32
      %convert_element_type3A_448 = arith.extui %ne3A_447 : i1 to i32
      %cond3A_449 = arith.constant 0 : i32
      %cond3A_450 = arith.cmpi ne, %convert_element_type3A_448, %cond3A_449 : i32
      scf.if %cond3A_450 {
        %get3A_647 = arith.constant 3 : index
        %get3A_648 = memref.load %arg12[%get3A_647] : memref<32xi32, #tpu.memory_space<smem>>
        %get3A_649 = arith.constant 3 : index
        %get3A_650 = memref.load %arg13[%get3A_649] : memref<32xi32, #tpu.memory_space<smem>>
        %dma_wait3A_651 = arith.constant 3 : i32
        %dma_wait3A_652 = tpu.memref_slice %arg22[%dma_wait3A_651] : memref<32x!tpu.dma_semaphore, #tpu.memory_space<semaphore_mem>> -> memref<1x!tpu.dma_semaphore, #tpu.memory_space<semaphore_mem>>
        %dma_wait3A_653 = tpu.memref_squeeze %dma_wait3A_652 : memref<1x!tpu.dma_semaphore, #tpu.memory_space<semaphore_mem>> -> memref<!tpu.dma_semaphore, #tpu.memory_space<semaphore_mem>>
        %dma_wait3A_654 = arith.constant 0 : i32
        %dma_wait3A_655 = arith.constant 0 : i32
        %dma_wait3A_656 = tpu.memref_slice %arg14[%get3A_648, %dma_wait3A_654, %dma_wait3A_655] : memref<2x2048x2048xf32, #tpu.memory_space<any>> -> memref<1x2048x2048xf32, #tpu.memory_space<any>>
        %dma_wait3A_657 = tpu.memref_squeeze %dma_wait3A_656 : memref<1x2048x2048xf32, #tpu.memory_space<any>> -> memref<2048x2048xf32, #tpu.memory_space<any>>
        %dma_wait3A_658 = arith.constant 0 : i32
        %dma_wait3A_659 = tpu.memref_slice %dma_wait3A_657[%get3A_650, %dma_wait3A_658] : memref<2048x2048xf32, #tpu.memory_space<any>> -> memref<1x2048xf32, #tpu.memory_space<any>>
        %dma_wait3A_660 = arith.constant 3 : i32
        %dma_wait3A_661 = arith.constant 0 : i32
        %dma_wait3A_662 = tpu.memref_slice %arg19[%dma_wait3A_660, %dma_wait3A_661] : memref<32x2048xf32, #tpu.memory_space<vmem>> -> memref<1x2048xf32, #tpu.memory_space<vmem>>
        tpu.wait_dma2 semaphore(%dma_wait3A_653 : memref<!tpu.dma_semaphore, #tpu.memory_space<semaphore_mem>>) src(%dma_wait3A_662 : memref<1x2048xf32, #tpu.memory_space<vmem>>) dst(%dma_wait3A_659 : memref<1x2048xf32, #tpu.memory_space<any>>)
      } else {
      }
      %get3A_451 = arith.constant 4 : index
      %get3A_452 = memref.load %arg11[%get3A_451] : memref<32xi32, #tpu.memory_space<smem>>
      %ne3A_453 = arith.constant 0 : i32
      %ne3A_454 = arith.cmpi ne, %get3A_452, %ne3A_453 : i32
      %convert_element_type3A_455 = arith.extui %ne3A_454 : i1 to i32
      %cond3A_456 = arith.constant 0 : i32
      %cond3A_457 = arith.cmpi ne, %convert_element_type3A_455, %cond3A_456 : i32
      scf.if %cond3A_457 {
        %get3A_647 = arith.constant 4 : index
        %get3A_648 = memref.load %arg12[%get3A_647] : memref<32xi32, #tpu.memory_space<smem>>
        %get3A_649 = arith.constant 4 : index
        %get3A_650 = memref.load %arg13[%get3A_649] : memref<32xi32, #tpu.memory_space<smem>>
        %dma_wait3A_651 = arith.constant 4 : i32
        %dma_wait3A_652 = tpu.memref_slice %arg22[%dma_wait3A_651] : memref<32x!tpu.dma_semaphore, #tpu.memory_space<semaphore_mem>> -> memref<1x!tpu.dma_semaphore, #tpu.memory_space<semaphore_mem>>
        %dma_wait3A_653 = tpu.memref_squeeze %dma_wait3A_652 : memref<1x!tpu.dma_semaphore, #tpu.memory_space<semaphore_mem>> -> memref<!tpu.dma_semaphore, #tpu.memory_space<semaphore_mem>>
        %dma_wait3A_654 = arith.constant 0 : i32
        %dma_wait3A_655 = arith.constant 0 : i32
        %dma_wait3A_656 = tpu.memref_slice %arg14[%get3A_648, %dma_wait3A_654, %dma_wait3A_655] : memref<2x2048x2048xf32, #tpu.memory_space<any>> -> memref<1x2048x2048xf32, #tpu.memory_space<any>>
        %dma_wait3A_657 = tpu.memref_squeeze %dma_wait3A_656 : memref<1x2048x2048xf32, #tpu.memory_space<any>> -> memref<2048x2048xf32, #tpu.memory_space<any>>
        %dma_wait3A_658 = arith.constant 0 : i32
        %dma_wait3A_659 = tpu.memref_slice %dma_wait3A_657[%get3A_650, %dma_wait3A_658] : memref<2048x2048xf32, #tpu.memory_space<any>> -> memref<1x2048xf32, #tpu.memory_space<any>>
        %dma_wait3A_660 = arith.constant 4 : i32
        %dma_wait3A_661 = arith.constant 0 : i32
        %dma_wait3A_662 = tpu.memref_slice %arg19[%dma_wait3A_660, %dma_wait3A_661] : memref<32x2048xf32, #tpu.memory_space<vmem>> -> memref<1x2048xf32, #tpu.memory_space<vmem>>
        tpu.wait_dma2 semaphore(%dma_wait3A_653 : memref<!tpu.dma_semaphore, #tpu.memory_space<semaphore_mem>>) src(%dma_wait3A_662 : memref<1x2048xf32, #tpu.memory_space<vmem>>) dst(%dma_wait3A_659 : memref<1x2048xf32, #tpu.memory_space<any>>)
      } else {
      }
      %get3A_458 = arith.constant 5 : index
      %get3A_459 = memref.load %arg11[%get3A_458] : memref<32xi32, #tpu.memory_space<smem>>
      %ne3A_460 = arith.constant 0 : i32
      %ne3A_461 = arith.cmpi ne, %get3A_459, %ne3A_460 : i32
      %convert_element_type3A_462 = arith.extui %ne3A_461 : i1 to i32
      %cond3A_463 = arith.constant 0 : i32
      %cond3A_464 = arith.cmpi ne, %convert_element_type3A_462, %cond3A_463 : i32
      scf.if %cond3A_464 {
        %get3A_647 = arith.constant 5 : index
        %get3A_648 = memref.load %arg12[%get3A_647] : memref<32xi32, #tpu.memory_space<smem>>
        %get3A_649 = arith.constant 5 : index
        %get3A_650 = memref.load %arg13[%get3A_649] : memref<32xi32, #tpu.memory_space<smem>>
        %dma_wait3A_651 = arith.constant 5 : i32
        %dma_wait3A_652 = tpu.memref_slice %arg22[%dma_wait3A_651] : memref<32x!tpu.dma_semaphore, #tpu.memory_space<semaphore_mem>> -> memref<1x!tpu.dma_semaphore, #tpu.memory_space<semaphore_mem>>
        %dma_wait3A_653 = tpu.memref_squeeze %dma_wait3A_652 : memref<1x!tpu.dma_semaphore, #tpu.memory_space<semaphore_mem>> -> memref<!tpu.dma_semaphore, #tpu.memory_space<semaphore_mem>>
        %dma_wait3A_654 = arith.constant 0 : i32
        %dma_wait3A_655 = arith.constant 0 : i32
        %dma_wait3A_656 = tpu.memref_slice %arg14[%get3A_648, %dma_wait3A_654, %dma_wait3A_655] : memref<2x2048x2048xf32, #tpu.memory_space<any>> -> memref<1x2048x2048xf32, #tpu.memory_space<any>>
        %dma_wait3A_657 = tpu.memref_squeeze %dma_wait3A_656 : memref<1x2048x2048xf32, #tpu.memory_space<any>> -> memref<2048x2048xf32, #tpu.memory_space<any>>
        %dma_wait3A_658 = arith.constant 0 : i32
        %dma_wait3A_659 = tpu.memref_slice %dma_wait3A_657[%get3A_650, %dma_wait3A_658] : memref<2048x2048xf32, #tpu.memory_space<any>> -> memref<1x2048xf32, #tpu.memory_space<any>>
        %dma_wait3A_660 = arith.constant 5 : i32
        %dma_wait3A_661 = arith.constant 0 : i32
        %dma_wait3A_662 = tpu.memref_slice %arg19[%dma_wait3A_660, %dma_wait3A_661] : memref<32x2048xf32, #tpu.memory_space<vmem>> -> memref<1x2048xf32, #tpu.memory_space<vmem>>
        tpu.wait_dma2 semaphore(%dma_wait3A_653 : memref<!tpu.dma_semaphore, #tpu.memory_space<semaphore_mem>>) src(%dma_wait3A_662 : memref<1x2048xf32, #tpu.memory_space<vmem>>) dst(%dma_wait3A_659 : memref<1x2048xf32, #tpu.memory_space<any>>)
      } else {
      }
      %get3A_465 = arith.constant 6 : index
      %get3A_466 = memref.load %arg11[%get3A_465] : memref<32xi32, #tpu.memory_space<smem>>
      %ne3A_467 = arith.constant 0 : i32
      %ne3A_468 = arith.cmpi ne, %get3A_466, %ne3A_467 : i32
      %convert_element_type3A_469 = arith.extui %ne3A_468 : i1 to i32
      %cond3A_470 = arith.constant 0 : i32
      %cond3A_471 = arith.cmpi ne, %convert_element_type3A_469, %cond3A_470 : i32
      scf.if %cond3A_471 {
        %get3A_647 = arith.constant 6 : index
        %get3A_648 = memref.load %arg12[%get3A_647] : memref<32xi32, #tpu.memory_space<smem>>
        %get3A_649 = arith.constant 6 : index
        %get3A_650 = memref.load %arg13[%get3A_649] : memref<32xi32, #tpu.memory_space<smem>>
        %dma_wait3A_651 = arith.constant 6 : i32
        %dma_wait3A_652 = tpu.memref_slice %arg22[%dma_wait3A_651] : memref<32x!tpu.dma_semaphore, #tpu.memory_space<semaphore_mem>> -> memref<1x!tpu.dma_semaphore, #tpu.memory_space<semaphore_mem>>
        %dma_wait3A_653 = tpu.memref_squeeze %dma_wait3A_652 : memref<1x!tpu.dma_semaphore, #tpu.memory_space<semaphore_mem>> -> memref<!tpu.dma_semaphore, #tpu.memory_space<semaphore_mem>>
        %dma_wait3A_654 = arith.constant 0 : i32
        %dma_wait3A_655 = arith.constant 0 : i32
        %dma_wait3A_656 = tpu.memref_slice %arg14[%get3A_648, %dma_wait3A_654, %dma_wait3A_655] : memref<2x2048x2048xf32, #tpu.memory_space<any>> -> memref<1x2048x2048xf32, #tpu.memory_space<any>>
        %dma_wait3A_657 = tpu.memref_squeeze %dma_wait3A_656 : memref<1x2048x2048xf32, #tpu.memory_space<any>> -> memref<2048x2048xf32, #tpu.memory_space<any>>
        %dma_wait3A_658 = arith.constant 0 : i32
        %dma_wait3A_659 = tpu.memref_slice %dma_wait3A_657[%get3A_650, %dma_wait3A_658] : memref<2048x2048xf32, #tpu.memory_space<any>> -> memref<1x2048xf32, #tpu.memory_space<any>>
        %dma_wait3A_660 = arith.constant 6 : i32
        %dma_wait3A_661 = arith.constant 0 : i32
        %dma_wait3A_662 = tpu.memref_slice %arg19[%dma_wait3A_660, %dma_wait3A_661] : memref<32x2048xf32, #tpu.memory_space<vmem>> -> memref<1x2048xf32, #tpu.memory_space<vmem>>
        tpu.wait_dma2 semaphore(%dma_wait3A_653 : memref<!tpu.dma_semaphore, #tpu.memory_space<semaphore_mem>>) src(%dma_wait3A_662 : memref<1x2048xf32, #tpu.memory_space<vmem>>) dst(%dma_wait3A_659 : memref<1x2048xf32, #tpu.memory_space<any>>)
      } else {
      }
      %get3A_472 = arith.constant 7 : index
      %get3A_473 = memref.load %arg11[%get3A_472] : memref<32xi32, #tpu.memory_space<smem>>
      %ne3A_474 = arith.constant 0 : i32
      %ne3A_475 = arith.cmpi ne, %get3A_473, %ne3A_474 : i32
      %convert_element_type3A_476 = arith.extui %ne3A_475 : i1 to i32
      %cond3A_477 = arith.constant 0 : i32
      %cond3A_478 = arith.cmpi ne, %convert_element_type3A_476, %cond3A_477 : i32
      scf.if %cond3A_478 {
        %get3A_647 = arith.constant 7 : index
        %get3A_648 = memref.load %arg12[%get3A_647] : memref<32xi32, #tpu.memory_space<smem>>
        %get3A_649 = arith.constant 7 : index
        %get3A_650 = memref.load %arg13[%get3A_649] : memref<32xi32, #tpu.memory_space<smem>>
        %dma_wait3A_651 = arith.constant 7 : i32
        %dma_wait3A_652 = tpu.memref_slice %arg22[%dma_wait3A_651] : memref<32x!tpu.dma_semaphore, #tpu.memory_space<semaphore_mem>> -> memref<1x!tpu.dma_semaphore, #tpu.memory_space<semaphore_mem>>
        %dma_wait3A_653 = tpu.memref_squeeze %dma_wait3A_652 : memref<1x!tpu.dma_semaphore, #tpu.memory_space<semaphore_mem>> -> memref<!tpu.dma_semaphore, #tpu.memory_space<semaphore_mem>>
        %dma_wait3A_654 = arith.constant 0 : i32
        %dma_wait3A_655 = arith.constant 0 : i32
        %dma_wait3A_656 = tpu.memref_slice %arg14[%get3A_648, %dma_wait3A_654, %dma_wait3A_655] : memref<2x2048x2048xf32, #tpu.memory_space<any>> -> memref<1x2048x2048xf32, #tpu.memory_space<any>>
        %dma_wait3A_657 = tpu.memref_squeeze %dma_wait3A_656 : memref<1x2048x2048xf32, #tpu.memory_space<any>> -> memref<2048x2048xf32, #tpu.memory_space<any>>
        %dma_wait3A_658 = arith.constant 0 : i32
        %dma_wait3A_659 = tpu.memref_slice %dma_wait3A_657[%get3A_650, %dma_wait3A_658] : memref<2048x2048xf32, #tpu.memory_space<any>> -> memref<1x2048xf32, #tpu.memory_space<any>>
        %dma_wait3A_660 = arith.constant 7 : i32
        %dma_wait3A_661 = arith.constant 0 : i32
        %dma_wait3A_662 = tpu.memref_slice %arg19[%dma_wait3A_660, %dma_wait3A_661] : memref<32x2048xf32, #tpu.memory_space<vmem>> -> memref<1x2048xf32, #tpu.memory_space<vmem>>
        tpu.wait_dma2 semaphore(%dma_wait3A_653 : memref<!tpu.dma_semaphore, #tpu.memory_space<semaphore_mem>>) src(%dma_wait3A_662 : memref<1x2048xf32, #tpu.memory_space<vmem>>) dst(%dma_wait3A_659 : memref<1x2048xf32, #tpu.memory_space<any>>)
      } else {
      }
      %get3A_479 = arith.constant 8 : index
      %get3A_480 = memref.load %arg11[%get3A_479] : memref<32xi32, #tpu.memory_space<smem>>
      %ne3A_481 = arith.constant 0 : i32
      %ne3A_482 = arith.cmpi ne, %get3A_480, %ne3A_481 : i32
      %convert_element_type3A_483 = arith.extui %ne3A_482 : i1 to i32
      %cond3A_484 = arith.constant 0 : i32
      %cond3A_485 = arith.cmpi ne, %convert_element_type3A_483, %cond3A_484 : i32
      scf.if %cond3A_485 {
        %get3A_647 = arith.constant 8 : index
        %get3A_648 = memref.load %arg12[%get3A_647] : memref<32xi32, #tpu.memory_space<smem>>
        %get3A_649 = arith.constant 8 : index
        %get3A_650 = memref.load %arg13[%get3A_649] : memref<32xi32, #tpu.memory_space<smem>>
        %dma_wait3A_651 = arith.constant 8 : i32
        %dma_wait3A_652 = tpu.memref_slice %arg22[%dma_wait3A_651] : memref<32x!tpu.dma_semaphore, #tpu.memory_space<semaphore_mem>> -> memref<1x!tpu.dma_semaphore, #tpu.memory_space<semaphore_mem>>
        %dma_wait3A_653 = tpu.memref_squeeze %dma_wait3A_652 : memref<1x!tpu.dma_semaphore, #tpu.memory_space<semaphore_mem>> -> memref<!tpu.dma_semaphore, #tpu.memory_space<semaphore_mem>>
        %dma_wait3A_654 = arith.constant 0 : i32
        %dma_wait3A_655 = arith.constant 0 : i32
        %dma_wait3A_656 = tpu.memref_slice %arg14[%get3A_648, %dma_wait3A_654, %dma_wait3A_655] : memref<2x2048x2048xf32, #tpu.memory_space<any>> -> memref<1x2048x2048xf32, #tpu.memory_space<any>>
        %dma_wait3A_657 = tpu.memref_squeeze %dma_wait3A_656 : memref<1x2048x2048xf32, #tpu.memory_space<any>> -> memref<2048x2048xf32, #tpu.memory_space<any>>
        %dma_wait3A_658 = arith.constant 0 : i32
        %dma_wait3A_659 = tpu.memref_slice %dma_wait3A_657[%get3A_650, %dma_wait3A_658] : memref<2048x2048xf32, #tpu.memory_space<any>> -> memref<1x2048xf32, #tpu.memory_space<any>>
        %dma_wait3A_660 = arith.constant 8 : i32
        %dma_wait3A_661 = arith.constant 0 : i32
        %dma_wait3A_662 = tpu.memref_slice %arg19[%dma_wait3A_660, %dma_wait3A_661] : memref<32x2048xf32, #tpu.memory_space<vmem>> -> memref<1x2048xf32, #tpu.memory_space<vmem>>
        tpu.wait_dma2 semaphore(%dma_wait3A_653 : memref<!tpu.dma_semaphore, #tpu.memory_space<semaphore_mem>>) src(%dma_wait3A_662 : memref<1x2048xf32, #tpu.memory_space<vmem>>) dst(%dma_wait3A_659 : memref<1x2048xf32, #tpu.memory_space<any>>)
      } else {
      }
      %get3A_486 = arith.constant 9 : index
      %get3A_487 = memref.load %arg11[%get3A_486] : memref<32xi32, #tpu.memory_space<smem>>
      %ne3A_488 = arith.constant 0 : i32
      %ne3A_489 = arith.cmpi ne, %get3A_487, %ne3A_488 : i32
      %convert_element_type3A_490 = arith.extui %ne3A_489 : i1 to i32
      %cond3A_491 = arith.constant 0 : i32
      %cond3A_492 = arith.cmpi ne, %convert_element_type3A_490, %cond3A_491 : i32
      scf.if %cond3A_492 {
        %get3A_647 = arith.constant 9 : index
        %get3A_648 = memref.load %arg12[%get3A_647] : memref<32xi32, #tpu.memory_space<smem>>
        %get3A_649 = arith.constant 9 : index
        %get3A_650 = memref.load %arg13[%get3A_649] : memref<32xi32, #tpu.memory_space<smem>>
        %dma_wait3A_651 = arith.constant 9 : i32
        %dma_wait3A_652 = tpu.memref_slice %arg22[%dma_wait3A_651] : memref<32x!tpu.dma_semaphore, #tpu.memory_space<semaphore_mem>> -> memref<1x!tpu.dma_semaphore, #tpu.memory_space<semaphore_mem>>
        %dma_wait3A_653 = tpu.memref_squeeze %dma_wait3A_652 : memref<1x!tpu.dma_semaphore, #tpu.memory_space<semaphore_mem>> -> memref<!tpu.dma_semaphore, #tpu.memory_space<semaphore_mem>>
        %dma_wait3A_654 = arith.constant 0 : i32
        %dma_wait3A_655 = arith.constant 0 : i32
        %dma_wait3A_656 = tpu.memref_slice %arg14[%get3A_648, %dma_wait3A_654, %dma_wait3A_655] : memref<2x2048x2048xf32, #tpu.memory_space<any>> -> memref<1x2048x2048xf32, #tpu.memory_space<any>>
        %dma_wait3A_657 = tpu.memref_squeeze %dma_wait3A_656 : memref<1x2048x2048xf32, #tpu.memory_space<any>> -> memref<2048x2048xf32, #tpu.memory_space<any>>
        %dma_wait3A_658 = arith.constant 0 : i32
        %dma_wait3A_659 = tpu.memref_slice %dma_wait3A_657[%get3A_650, %dma_wait3A_658] : memref<2048x2048xf32, #tpu.memory_space<any>> -> memref<1x2048xf32, #tpu.memory_space<any>>
        %dma_wait3A_660 = arith.constant 9 : i32
        %dma_wait3A_661 = arith.constant 0 : i32
        %dma_wait3A_662 = tpu.memref_slice %arg19[%dma_wait3A_660, %dma_wait3A_661] : memref<32x2048xf32, #tpu.memory_space<vmem>> -> memref<1x2048xf32, #tpu.memory_space<vmem>>
        tpu.wait_dma2 semaphore(%dma_wait3A_653 : memref<!tpu.dma_semaphore, #tpu.memory_space<semaphore_mem>>) src(%dma_wait3A_662 : memref<1x2048xf32, #tpu.memory_space<vmem>>) dst(%dma_wait3A_659 : memref<1x2048xf32, #tpu.memory_space<any>>)
      } else {
      }
      %get3A_493 = arith.constant 10 : index
      %get3A_494 = memref.load %arg11[%get3A_493] : memref<32xi32, #tpu.memory_space<smem>>
      %ne3A_495 = arith.constant 0 : i32
      %ne3A_496 = arith.cmpi ne, %get3A_494, %ne3A_495 : i32
      %convert_element_type3A_497 = arith.extui %ne3A_496 : i1 to i32
      %cond3A_498 = arith.constant 0 : i32
      %cond3A_499 = arith.cmpi ne, %convert_element_type3A_497, %cond3A_498 : i32
      scf.if %cond3A_499 {
        %get3A_647 = arith.constant 10 : index
        %get3A_648 = memref.load %arg12[%get3A_647] : memref<32xi32, #tpu.memory_space<smem>>
        %get3A_649 = arith.constant 10 : index
        %get3A_650 = memref.load %arg13[%get3A_649] : memref<32xi32, #tpu.memory_space<smem>>
        %dma_wait3A_651 = arith.constant 10 : i32
        %dma_wait3A_652 = tpu.memref_slice %arg22[%dma_wait3A_651] : memref<32x!tpu.dma_semaphore, #tpu.memory_space<semaphore_mem>> -> memref<1x!tpu.dma_semaphore, #tpu.memory_space<semaphore_mem>>
        %dma_wait3A_653 = tpu.memref_squeeze %dma_wait3A_652 : memref<1x!tpu.dma_semaphore, #tpu.memory_space<semaphore_mem>> -> memref<!tpu.dma_semaphore, #tpu.memory_space<semaphore_mem>>
        %dma_wait3A_654 = arith.constant 0 : i32
        %dma_wait3A_655 = arith.constant 0 : i32
        %dma_wait3A_656 = tpu.memref_slice %arg14[%get3A_648, %dma_wait3A_654, %dma_wait3A_655] : memref<2x2048x2048xf32, #tpu.memory_space<any>> -> memref<1x2048x2048xf32, #tpu.memory_space<any>>
        %dma_wait3A_657 = tpu.memref_squeeze %dma_wait3A_656 : memref<1x2048x2048xf32, #tpu.memory_space<any>> -> memref<2048x2048xf32, #tpu.memory_space<any>>
        %dma_wait3A_658 = arith.constant 0 : i32
        %dma_wait3A_659 = tpu.memref_slice %dma_wait3A_657[%get3A_650, %dma_wait3A_658] : memref<2048x2048xf32, #tpu.memory_space<any>> -> memref<1x2048xf32, #tpu.memory_space<any>>
        %dma_wait3A_660 = arith.constant 10 : i32
        %dma_wait3A_661 = arith.constant 0 : i32
        %dma_wait3A_662 = tpu.memref_slice %arg19[%dma_wait3A_660, %dma_wait3A_661] : memref<32x2048xf32, #tpu.memory_space<vmem>> -> memref<1x2048xf32, #tpu.memory_space<vmem>>
        tpu.wait_dma2 semaphore(%dma_wait3A_653 : memref<!tpu.dma_semaphore, #tpu.memory_space<semaphore_mem>>) src(%dma_wait3A_662 : memref<1x2048xf32, #tpu.memory_space<vmem>>) dst(%dma_wait3A_659 : memref<1x2048xf32, #tpu.memory_space<any>>)
      } else {
      }
      %get3A_500 = arith.constant 11 : index
      %get3A_501 = memref.load %arg11[%get3A_500] : memref<32xi32, #tpu.memory_space<smem>>
      %ne3A_502 = arith.constant 0 : i32
      %ne3A_503 = arith.cmpi ne, %get3A_501, %ne3A_502 : i32
      %convert_element_type3A_504 = arith.extui %ne3A_503 : i1 to i32
      %cond3A_505 = arith.constant 0 : i32
      %cond3A_506 = arith.cmpi ne, %convert_element_type3A_504, %cond3A_505 : i32
      scf.if %cond3A_506 {
        %get3A_647 = arith.constant 11 : index
        %get3A_648 = memref.load %arg12[%get3A_647] : memref<32xi32, #tpu.memory_space<smem>>
        %get3A_649 = arith.constant 11 : index
        %get3A_650 = memref.load %arg13[%get3A_649] : memref<32xi32, #tpu.memory_space<smem>>
        %dma_wait3A_651 = arith.constant 11 : i32
        %dma_wait3A_652 = tpu.memref_slice %arg22[%dma_wait3A_651] : memref<32x!tpu.dma_semaphore, #tpu.memory_space<semaphore_mem>> -> memref<1x!tpu.dma_semaphore, #tpu.memory_space<semaphore_mem>>
        %dma_wait3A_653 = tpu.memref_squeeze %dma_wait3A_652 : memref<1x!tpu.dma_semaphore, #tpu.memory_space<semaphore_mem>> -> memref<!tpu.dma_semaphore, #tpu.memory_space<semaphore_mem>>
        %dma_wait3A_654 = arith.constant 0 : i32
        %dma_wait3A_655 = arith.constant 0 : i32
        %dma_wait3A_656 = tpu.memref_slice %arg14[%get3A_648, %dma_wait3A_654, %dma_wait3A_655] : memref<2x2048x2048xf32, #tpu.memory_space<any>> -> memref<1x2048x2048xf32, #tpu.memory_space<any>>
        %dma_wait3A_657 = tpu.memref_squeeze %dma_wait3A_656 : memref<1x2048x2048xf32, #tpu.memory_space<any>> -> memref<2048x2048xf32, #tpu.memory_space<any>>
        %dma_wait3A_658 = arith.constant 0 : i32
        %dma_wait3A_659 = tpu.memref_slice %dma_wait3A_657[%get3A_650, %dma_wait3A_658] : memref<2048x2048xf32, #tpu.memory_space<any>> -> memref<1x2048xf32, #tpu.memory_space<any>>
        %dma_wait3A_660 = arith.constant 11 : i32
        %dma_wait3A_661 = arith.constant 0 : i32
        %dma_wait3A_662 = tpu.memref_slice %arg19[%dma_wait3A_660, %dma_wait3A_661] : memref<32x2048xf32, #tpu.memory_space<vmem>> -> memref<1x2048xf32, #tpu.memory_space<vmem>>
        tpu.wait_dma2 semaphore(%dma_wait3A_653 : memref<!tpu.dma_semaphore, #tpu.memory_space<semaphore_mem>>) src(%dma_wait3A_662 : memref<1x2048xf32, #tpu.memory_space<vmem>>) dst(%dma_wait3A_659 : memref<1x2048xf32, #tpu.memory_space<any>>)
      } else {
      }
      %get3A_507 = arith.constant 12 : index
      %get3A_508 = memref.load %arg11[%get3A_507] : memref<32xi32, #tpu.memory_space<smem>>
      %ne3A_509 = arith.constant 0 : i32
      %ne3A_510 = arith.cmpi ne, %get3A_508, %ne3A_509 : i32
      %convert_element_type3A_511 = arith.extui %ne3A_510 : i1 to i32
      %cond3A_512 = arith.constant 0 : i32
      %cond3A_513 = arith.cmpi ne, %convert_element_type3A_511, %cond3A_512 : i32
      scf.if %cond3A_513 {
        %get3A_647 = arith.constant 12 : index
        %get3A_648 = memref.load %arg12[%get3A_647] : memref<32xi32, #tpu.memory_space<smem>>
        %get3A_649 = arith.constant 12 : index
        %get3A_650 = memref.load %arg13[%get3A_649] : memref<32xi32, #tpu.memory_space<smem>>
        %dma_wait3A_651 = arith.constant 12 : i32
        %dma_wait3A_652 = tpu.memref_slice %arg22[%dma_wait3A_651] : memref<32x!tpu.dma_semaphore, #tpu.memory_space<semaphore_mem>> -> memref<1x!tpu.dma_semaphore, #tpu.memory_space<semaphore_mem>>
        %dma_wait3A_653 = tpu.memref_squeeze %dma_wait3A_652 : memref<1x!tpu.dma_semaphore, #tpu.memory_space<semaphore_mem>> -> memref<!tpu.dma_semaphore, #tpu.memory_space<semaphore_mem>>
        %dma_wait3A_654 = arith.constant 0 : i32
        %dma_wait3A_655 = arith.constant 0 : i32
        %dma_wait3A_656 = tpu.memref_slice %arg14[%get3A_648, %dma_wait3A_654, %dma_wait3A_655] : memref<2x2048x2048xf32, #tpu.memory_space<any>> -> memref<1x2048x2048xf32, #tpu.memory_space<any>>
        %dma_wait3A_657 = tpu.memref_squeeze %dma_wait3A_656 : memref<1x2048x2048xf32, #tpu.memory_space<any>> -> memref<2048x2048xf32, #tpu.memory_space<any>>
        %dma_wait3A_658 = arith.constant 0 : i32
        %dma_wait3A_659 = tpu.memref_slice %dma_wait3A_657[%get3A_650, %dma_wait3A_658] : memref<2048x2048xf32, #tpu.memory_space<any>> -> memref<1x2048xf32, #tpu.memory_space<any>>
        %dma_wait3A_660 = arith.constant 12 : i32
        %dma_wait3A_661 = arith.constant 0 : i32
        %dma_wait3A_662 = tpu.memref_slice %arg19[%dma_wait3A_660, %dma_wait3A_661] : memref<32x2048xf32, #tpu.memory_space<vmem>> -> memref<1x2048xf32, #tpu.memory_space<vmem>>
        tpu.wait_dma2 semaphore(%dma_wait3A_653 : memref<!tpu.dma_semaphore, #tpu.memory_space<semaphore_mem>>) src(%dma_wait3A_662 : memref<1x2048xf32, #tpu.memory_space<vmem>>) dst(%dma_wait3A_659 : memref<1x2048xf32, #tpu.memory_space<any>>)
      } else {
      }
      %get3A_514 = arith.constant 13 : index
      %get3A_515 = memref.load %arg11[%get3A_514] : memref<32xi32, #tpu.memory_space<smem>>
      %ne3A_516 = arith.constant 0 : i32
      %ne3A_517 = arith.cmpi ne, %get3A_515, %ne3A_516 : i32
      %convert_element_type3A_518 = arith.extui %ne3A_517 : i1 to i32
      %cond3A_519 = arith.constant 0 : i32
      %cond3A_520 = arith.cmpi ne, %convert_element_type3A_518, %cond3A_519 : i32
      scf.if %cond3A_520 {
        %get3A_647 = arith.constant 13 : index
        %get3A_648 = memref.load %arg12[%get3A_647] : memref<32xi32, #tpu.memory_space<smem>>
        %get3A_649 = arith.constant 13 : index
        %get3A_650 = memref.load %arg13[%get3A_649] : memref<32xi32, #tpu.memory_space<smem>>
        %dma_wait3A_651 = arith.constant 13 : i32
        %dma_wait3A_652 = tpu.memref_slice %arg22[%dma_wait3A_651] : memref<32x!tpu.dma_semaphore, #tpu.memory_space<semaphore_mem>> -> memref<1x!tpu.dma_semaphore, #tpu.memory_space<semaphore_mem>>
        %dma_wait3A_653 = tpu.memref_squeeze %dma_wait3A_652 : memref<1x!tpu.dma_semaphore, #tpu.memory_space<semaphore_mem>> -> memref<!tpu.dma_semaphore, #tpu.memory_space<semaphore_mem>>
        %dma_wait3A_654 = arith.constant 0 : i32
        %dma_wait3A_655 = arith.constant 0 : i32
        %dma_wait3A_656 = tpu.memref_slice %arg14[%get3A_648, %dma_wait3A_654, %dma_wait3A_655] : memref<2x2048x2048xf32, #tpu.memory_space<any>> -> memref<1x2048x2048xf32, #tpu.memory_space<any>>
        %dma_wait3A_657 = tpu.memref_squeeze %dma_wait3A_656 : memref<1x2048x2048xf32, #tpu.memory_space<any>> -> memref<2048x2048xf32, #tpu.memory_space<any>>
        %dma_wait3A_658 = arith.constant 0 : i32
        %dma_wait3A_659 = tpu.memref_slice %dma_wait3A_657[%get3A_650, %dma_wait3A_658] : memref<2048x2048xf32, #tpu.memory_space<any>> -> memref<1x2048xf32, #tpu.memory_space<any>>
        %dma_wait3A_660 = arith.constant 13 : i32
        %dma_wait3A_661 = arith.constant 0 : i32
        %dma_wait3A_662 = tpu.memref_slice %arg19[%dma_wait3A_660, %dma_wait3A_661] : memref<32x2048xf32, #tpu.memory_space<vmem>> -> memref<1x2048xf32, #tpu.memory_space<vmem>>
        tpu.wait_dma2 semaphore(%dma_wait3A_653 : memref<!tpu.dma_semaphore, #tpu.memory_space<semaphore_mem>>) src(%dma_wait3A_662 : memref<1x2048xf32, #tpu.memory_space<vmem>>) dst(%dma_wait3A_659 : memref<1x2048xf32, #tpu.memory_space<any>>)
      } else {
      }
      %get3A_521 = arith.constant 14 : index
      %get3A_522 = memref.load %arg11[%get3A_521] : memref<32xi32, #tpu.memory_space<smem>>
      %ne3A_523 = arith.constant 0 : i32
      %ne3A_524 = arith.cmpi ne, %get3A_522, %ne3A_523 : i32
      %convert_element_type3A_525 = arith.extui %ne3A_524 : i1 to i32
      %cond3A_526 = arith.constant 0 : i32
      %cond3A_527 = arith.cmpi ne, %convert_element_type3A_525, %cond3A_526 : i32
      scf.if %cond3A_527 {
        %get3A_647 = arith.constant 14 : index
        %get3A_648 = memref.load %arg12[%get3A_647] : memref<32xi32, #tpu.memory_space<smem>>
        %get3A_649 = arith.constant 14 : index
        %get3A_650 = memref.load %arg13[%get3A_649] : memref<32xi32, #tpu.memory_space<smem>>
        %dma_wait3A_651 = arith.constant 14 : i32
        %dma_wait3A_652 = tpu.memref_slice %arg22[%dma_wait3A_651] : memref<32x!tpu.dma_semaphore, #tpu.memory_space<semaphore_mem>> -> memref<1x!tpu.dma_semaphore, #tpu.memory_space<semaphore_mem>>
        %dma_wait3A_653 = tpu.memref_squeeze %dma_wait3A_652 : memref<1x!tpu.dma_semaphore, #tpu.memory_space<semaphore_mem>> -> memref<!tpu.dma_semaphore, #tpu.memory_space<semaphore_mem>>
        %dma_wait3A_654 = arith.constant 0 : i32
        %dma_wait3A_655 = arith.constant 0 : i32
        %dma_wait3A_656 = tpu.memref_slice %arg14[%get3A_648, %dma_wait3A_654, %dma_wait3A_655] : memref<2x2048x2048xf32, #tpu.memory_space<any>> -> memref<1x2048x2048xf32, #tpu.memory_space<any>>
        %dma_wait3A_657 = tpu.memref_squeeze %dma_wait3A_656 : memref<1x2048x2048xf32, #tpu.memory_space<any>> -> memref<2048x2048xf32, #tpu.memory_space<any>>
        %dma_wait3A_658 = arith.constant 0 : i32
        %dma_wait3A_659 = tpu.memref_slice %dma_wait3A_657[%get3A_650, %dma_wait3A_658] : memref<2048x2048xf32, #tpu.memory_space<any>> -> memref<1x2048xf32, #tpu.memory_space<any>>
        %dma_wait3A_660 = arith.constant 14 : i32
        %dma_wait3A_661 = arith.constant 0 : i32
        %dma_wait3A_662 = tpu.memref_slice %arg19[%dma_wait3A_660, %dma_wait3A_661] : memref<32x2048xf32, #tpu.memory_space<vmem>> -> memref<1x2048xf32, #tpu.memory_space<vmem>>
        tpu.wait_dma2 semaphore(%dma_wait3A_653 : memref<!tpu.dma_semaphore, #tpu.memory_space<semaphore_mem>>) src(%dma_wait3A_662 : memref<1x2048xf32, #tpu.memory_space<vmem>>) dst(%dma_wait3A_659 : memref<1x2048xf32, #tpu.memory_space<any>>)
      } else {
      }
      %get3A_528 = arith.constant 15 : index
      %get3A_529 = memref.load %arg11[%get3A_528] : memref<32xi32, #tpu.memory_space<smem>>
      %ne3A_530 = arith.constant 0 : i32
      %ne3A_531 = arith.cmpi ne, %get3A_529, %ne3A_530 : i32
      %convert_element_type3A_532 = arith.extui %ne3A_531 : i1 to i32
      %cond3A_533 = arith.constant 0 : i32
      %cond3A_534 = arith.cmpi ne, %convert_element_type3A_532, %cond3A_533 : i32
      scf.if %cond3A_534 {
        %get3A_647 = arith.constant 15 : index
        %get3A_648 = memref.load %arg12[%get3A_647] : memref<32xi32, #tpu.memory_space<smem>>
        %get3A_649 = arith.constant 15 : index
        %get3A_650 = memref.load %arg13[%get3A_649] : memref<32xi32, #tpu.memory_space<smem>>
        %dma_wait3A_651 = arith.constant 15 : i32
        %dma_wait3A_652 = tpu.memref_slice %arg22[%dma_wait3A_651] : memref<32x!tpu.dma_semaphore, #tpu.memory_space<semaphore_mem>> -> memref<1x!tpu.dma_semaphore, #tpu.memory_space<semaphore_mem>>
        %dma_wait3A_653 = tpu.memref_squeeze %dma_wait3A_652 : memref<1x!tpu.dma_semaphore, #tpu.memory_space<semaphore_mem>> -> memref<!tpu.dma_semaphore, #tpu.memory_space<semaphore_mem>>
        %dma_wait3A_654 = arith.constant 0 : i32
        %dma_wait3A_655 = arith.constant 0 : i32
        %dma_wait3A_656 = tpu.memref_slice %arg14[%get3A_648, %dma_wait3A_654, %dma_wait3A_655] : memref<2x2048x2048xf32, #tpu.memory_space<any>> -> memref<1x2048x2048xf32, #tpu.memory_space<any>>
        %dma_wait3A_657 = tpu.memref_squeeze %dma_wait3A_656 : memref<1x2048x2048xf32, #tpu.memory_space<any>> -> memref<2048x2048xf32, #tpu.memory_space<any>>
        %dma_wait3A_658 = arith.constant 0 : i32
        %dma_wait3A_659 = tpu.memref_slice %dma_wait3A_657[%get3A_650, %dma_wait3A_658] : memref<2048x2048xf32, #tpu.memory_space<any>> -> memref<1x2048xf32, #tpu.memory_space<any>>
        %dma_wait3A_660 = arith.constant 15 : i32
        %dma_wait3A_661 = arith.constant 0 : i32
        %dma_wait3A_662 = tpu.memref_slice %arg19[%dma_wait3A_660, %dma_wait3A_661] : memref<32x2048xf32, #tpu.memory_space<vmem>> -> memref<1x2048xf32, #tpu.memory_space<vmem>>
        tpu.wait_dma2 semaphore(%dma_wait3A_653 : memref<!tpu.dma_semaphore, #tpu.memory_space<semaphore_mem>>) src(%dma_wait3A_662 : memref<1x2048xf32, #tpu.memory_space<vmem>>) dst(%dma_wait3A_659 : memref<1x2048xf32, #tpu.memory_space<any>>)
      } else {
      }
      %get3A_535 = arith.constant 16 : index
      %get3A_536 = memref.load %arg11[%get3A_535] : memref<32xi32, #tpu.memory_space<smem>>
      %ne3A_537 = arith.constant 0 : i32
      %ne3A_538 = arith.cmpi ne, %get3A_536, %ne3A_537 : i32
      %convert_element_type3A_539 = arith.extui %ne3A_538 : i1 to i32
      %cond3A_540 = arith.constant 0 : i32
      %cond3A_541 = arith.cmpi ne, %convert_element_type3A_539, %cond3A_540 : i32
      scf.if %cond3A_541 {
        %get3A_647 = arith.constant 16 : index
        %get3A_648 = memref.load %arg12[%get3A_647] : memref<32xi32, #tpu.memory_space<smem>>
        %get3A_649 = arith.constant 16 : index
        %get3A_650 = memref.load %arg13[%get3A_649] : memref<32xi32, #tpu.memory_space<smem>>
        %dma_wait3A_651 = arith.constant 16 : i32
        %dma_wait3A_652 = tpu.memref_slice %arg22[%dma_wait3A_651] : memref<32x!tpu.dma_semaphore, #tpu.memory_space<semaphore_mem>> -> memref<1x!tpu.dma_semaphore, #tpu.memory_space<semaphore_mem>>
        %dma_wait3A_653 = tpu.memref_squeeze %dma_wait3A_652 : memref<1x!tpu.dma_semaphore, #tpu.memory_space<semaphore_mem>> -> memref<!tpu.dma_semaphore, #tpu.memory_space<semaphore_mem>>
        %dma_wait3A_654 = arith.constant 0 : i32
        %dma_wait3A_655 = arith.constant 0 : i32
        %dma_wait3A_656 = tpu.memref_slice %arg14[%get3A_648, %dma_wait3A_654, %dma_wait3A_655] : memref<2x2048x2048xf32, #tpu.memory_space<any>> -> memref<1x2048x2048xf32, #tpu.memory_space<any>>
        %dma_wait3A_657 = tpu.memref_squeeze %dma_wait3A_656 : memref<1x2048x2048xf32, #tpu.memory_space<any>> -> memref<2048x2048xf32, #tpu.memory_space<any>>
        %dma_wait3A_658 = arith.constant 0 : i32
        %dma_wait3A_659 = tpu.memref_slice %dma_wait3A_657[%get3A_650, %dma_wait3A_658] : memref<2048x2048xf32, #tpu.memory_space<any>> -> memref<1x2048xf32, #tpu.memory_space<any>>
        %dma_wait3A_660 = arith.constant 16 : i32
        %dma_wait3A_661 = arith.constant 0 : i32
        %dma_wait3A_662 = tpu.memref_slice %arg19[%dma_wait3A_660, %dma_wait3A_661] : memref<32x2048xf32, #tpu.memory_space<vmem>> -> memref<1x2048xf32, #tpu.memory_space<vmem>>
        tpu.wait_dma2 semaphore(%dma_wait3A_653 : memref<!tpu.dma_semaphore, #tpu.memory_space<semaphore_mem>>) src(%dma_wait3A_662 : memref<1x2048xf32, #tpu.memory_space<vmem>>) dst(%dma_wait3A_659 : memref<1x2048xf32, #tpu.memory_space<any>>)
      } else {
      }
      %get3A_542 = arith.constant 17 : index
      %get3A_543 = memref.load %arg11[%get3A_542] : memref<32xi32, #tpu.memory_space<smem>>
      %ne3A_544 = arith.constant 0 : i32
      %ne3A_545 = arith.cmpi ne, %get3A_543, %ne3A_544 : i32
      %convert_element_type3A_546 = arith.extui %ne3A_545 : i1 to i32
      %cond3A_547 = arith.constant 0 : i32
      %cond3A_548 = arith.cmpi ne, %convert_element_type3A_546, %cond3A_547 : i32
      scf.if %cond3A_548 {
        %get3A_647 = arith.constant 17 : index
        %get3A_648 = memref.load %arg12[%get3A_647] : memref<32xi32, #tpu.memory_space<smem>>
        %get3A_649 = arith.constant 17 : index
        %get3A_650 = memref.load %arg13[%get3A_649] : memref<32xi32, #tpu.memory_space<smem>>
        %dma_wait3A_651 = arith.constant 17 : i32
        %dma_wait3A_652 = tpu.memref_slice %arg22[%dma_wait3A_651] : memref<32x!tpu.dma_semaphore, #tpu.memory_space<semaphore_mem>> -> memref<1x!tpu.dma_semaphore, #tpu.memory_space<semaphore_mem>>
        %dma_wait3A_653 = tpu.memref_squeeze %dma_wait3A_652 : memref<1x!tpu.dma_semaphore, #tpu.memory_space<semaphore_mem>> -> memref<!tpu.dma_semaphore, #tpu.memory_space<semaphore_mem>>
        %dma_wait3A_654 = arith.constant 0 : i32
        %dma_wait3A_655 = arith.constant 0 : i32
        %dma_wait3A_656 = tpu.memref_slice %arg14[%get3A_648, %dma_wait3A_654, %dma_wait3A_655] : memref<2x2048x2048xf32, #tpu.memory_space<any>> -> memref<1x2048x2048xf32, #tpu.memory_space<any>>
        %dma_wait3A_657 = tpu.memref_squeeze %dma_wait3A_656 : memref<1x2048x2048xf32, #tpu.memory_space<any>> -> memref<2048x2048xf32, #tpu.memory_space<any>>
        %dma_wait3A_658 = arith.constant 0 : i32
        %dma_wait3A_659 = tpu.memref_slice %dma_wait3A_657[%get3A_650, %dma_wait3A_658] : memref<2048x2048xf32, #tpu.memory_space<any>> -> memref<1x2048xf32, #tpu.memory_space<any>>
        %dma_wait3A_660 = arith.constant 17 : i32
        %dma_wait3A_661 = arith.constant 0 : i32
        %dma_wait3A_662 = tpu.memref_slice %arg19[%dma_wait3A_660, %dma_wait3A_661] : memref<32x2048xf32, #tpu.memory_space<vmem>> -> memref<1x2048xf32, #tpu.memory_space<vmem>>
        tpu.wait_dma2 semaphore(%dma_wait3A_653 : memref<!tpu.dma_semaphore, #tpu.memory_space<semaphore_mem>>) src(%dma_wait3A_662 : memref<1x2048xf32, #tpu.memory_space<vmem>>) dst(%dma_wait3A_659 : memref<1x2048xf32, #tpu.memory_space<any>>)
      } else {
      }
      %get3A_549 = arith.constant 18 : index
      %get3A_550 = memref.load %arg11[%get3A_549] : memref<32xi32, #tpu.memory_space<smem>>
      %ne3A_551 = arith.constant 0 : i32
      %ne3A_552 = arith.cmpi ne, %get3A_550, %ne3A_551 : i32
      %convert_element_type3A_553 = arith.extui %ne3A_552 : i1 to i32
      %cond3A_554 = arith.constant 0 : i32
      %cond3A_555 = arith.cmpi ne, %convert_element_type3A_553, %cond3A_554 : i32
      scf.if %cond3A_555 {
        %get3A_647 = arith.constant 18 : index
        %get3A_648 = memref.load %arg12[%get3A_647] : memref<32xi32, #tpu.memory_space<smem>>
        %get3A_649 = arith.constant 18 : index
        %get3A_650 = memref.load %arg13[%get3A_649] : memref<32xi32, #tpu.memory_space<smem>>
        %dma_wait3A_651 = arith.constant 18 : i32
        %dma_wait3A_652 = tpu.memref_slice %arg22[%dma_wait3A_651] : memref<32x!tpu.dma_semaphore, #tpu.memory_space<semaphore_mem>> -> memref<1x!tpu.dma_semaphore, #tpu.memory_space<semaphore_mem>>
        %dma_wait3A_653 = tpu.memref_squeeze %dma_wait3A_652 : memref<1x!tpu.dma_semaphore, #tpu.memory_space<semaphore_mem>> -> memref<!tpu.dma_semaphore, #tpu.memory_space<semaphore_mem>>
        %dma_wait3A_654 = arith.constant 0 : i32
        %dma_wait3A_655 = arith.constant 0 : i32
        %dma_wait3A_656 = tpu.memref_slice %arg14[%get3A_648, %dma_wait3A_654, %dma_wait3A_655] : memref<2x2048x2048xf32, #tpu.memory_space<any>> -> memref<1x2048x2048xf32, #tpu.memory_space<any>>
        %dma_wait3A_657 = tpu.memref_squeeze %dma_wait3A_656 : memref<1x2048x2048xf32, #tpu.memory_space<any>> -> memref<2048x2048xf32, #tpu.memory_space<any>>
        %dma_wait3A_658 = arith.constant 0 : i32
        %dma_wait3A_659 = tpu.memref_slice %dma_wait3A_657[%get3A_650, %dma_wait3A_658] : memref<2048x2048xf32, #tpu.memory_space<any>> -> memref<1x2048xf32, #tpu.memory_space<any>>
        %dma_wait3A_660 = arith.constant 18 : i32
        %dma_wait3A_661 = arith.constant 0 : i32
        %dma_wait3A_662 = tpu.memref_slice %arg19[%dma_wait3A_660, %dma_wait3A_661] : memref<32x2048xf32, #tpu.memory_space<vmem>> -> memref<1x2048xf32, #tpu.memory_space<vmem>>
        tpu.wait_dma2 semaphore(%dma_wait3A_653 : memref<!tpu.dma_semaphore, #tpu.memory_space<semaphore_mem>>) src(%dma_wait3A_662 : memref<1x2048xf32, #tpu.memory_space<vmem>>) dst(%dma_wait3A_659 : memref<1x2048xf32, #tpu.memory_space<any>>)
      } else {
      }
      %get3A_556 = arith.constant 19 : index
      %get3A_557 = memref.load %arg11[%get3A_556] : memref<32xi32, #tpu.memory_space<smem>>
      %ne3A_558 = arith.constant 0 : i32
      %ne3A_559 = arith.cmpi ne, %get3A_557, %ne3A_558 : i32
      %convert_element_type3A_560 = arith.extui %ne3A_559 : i1 to i32
      %cond3A_561 = arith.constant 0 : i32
      %cond3A_562 = arith.cmpi ne, %convert_element_type3A_560, %cond3A_561 : i32
      scf.if %cond3A_562 {
        %get3A_647 = arith.constant 19 : index
        %get3A_648 = memref.load %arg12[%get3A_647] : memref<32xi32, #tpu.memory_space<smem>>
        %get3A_649 = arith.constant 19 : index
        %get3A_650 = memref.load %arg13[%get3A_649] : memref<32xi32, #tpu.memory_space<smem>>
        %dma_wait3A_651 = arith.constant 19 : i32
        %dma_wait3A_652 = tpu.memref_slice %arg22[%dma_wait3A_651] : memref<32x!tpu.dma_semaphore, #tpu.memory_space<semaphore_mem>> -> memref<1x!tpu.dma_semaphore, #tpu.memory_space<semaphore_mem>>
        %dma_wait3A_653 = tpu.memref_squeeze %dma_wait3A_652 : memref<1x!tpu.dma_semaphore, #tpu.memory_space<semaphore_mem>> -> memref<!tpu.dma_semaphore, #tpu.memory_space<semaphore_mem>>
        %dma_wait3A_654 = arith.constant 0 : i32
        %dma_wait3A_655 = arith.constant 0 : i32
        %dma_wait3A_656 = tpu.memref_slice %arg14[%get3A_648, %dma_wait3A_654, %dma_wait3A_655] : memref<2x2048x2048xf32, #tpu.memory_space<any>> -> memref<1x2048x2048xf32, #tpu.memory_space<any>>
        %dma_wait3A_657 = tpu.memref_squeeze %dma_wait3A_656 : memref<1x2048x2048xf32, #tpu.memory_space<any>> -> memref<2048x2048xf32, #tpu.memory_space<any>>
        %dma_wait3A_658 = arith.constant 0 : i32
        %dma_wait3A_659 = tpu.memref_slice %dma_wait3A_657[%get3A_650, %dma_wait3A_658] : memref<2048x2048xf32, #tpu.memory_space<any>> -> memref<1x2048xf32, #tpu.memory_space<any>>
        %dma_wait3A_660 = arith.constant 19 : i32
        %dma_wait3A_661 = arith.constant 0 : i32
        %dma_wait3A_662 = tpu.memref_slice %arg19[%dma_wait3A_660, %dma_wait3A_661] : memref<32x2048xf32, #tpu.memory_space<vmem>> -> memref<1x2048xf32, #tpu.memory_space<vmem>>
        tpu.wait_dma2 semaphore(%dma_wait3A_653 : memref<!tpu.dma_semaphore, #tpu.memory_space<semaphore_mem>>) src(%dma_wait3A_662 : memref<1x2048xf32, #tpu.memory_space<vmem>>) dst(%dma_wait3A_659 : memref<1x2048xf32, #tpu.memory_space<any>>)
      } else {
      }
      %get3A_563 = arith.constant 20 : index
      %get3A_564 = memref.load %arg11[%get3A_563] : memref<32xi32, #tpu.memory_space<smem>>
      %ne3A_565 = arith.constant 0 : i32
      %ne3A_566 = arith.cmpi ne, %get3A_564, %ne3A_565 : i32
      %convert_element_type3A_567 = arith.extui %ne3A_566 : i1 to i32
      %cond3A_568 = arith.constant 0 : i32
      %cond3A_569 = arith.cmpi ne, %convert_element_type3A_567, %cond3A_568 : i32
      scf.if %cond3A_569 {
        %get3A_647 = arith.constant 20 : index
        %get3A_648 = memref.load %arg12[%get3A_647] : memref<32xi32, #tpu.memory_space<smem>>
        %get3A_649 = arith.constant 20 : index
        %get3A_650 = memref.load %arg13[%get3A_649] : memref<32xi32, #tpu.memory_space<smem>>
        %dma_wait3A_651 = arith.constant 20 : i32
        %dma_wait3A_652 = tpu.memref_slice %arg22[%dma_wait3A_651] : memref<32x!tpu.dma_semaphore, #tpu.memory_space<semaphore_mem>> -> memref<1x!tpu.dma_semaphore, #tpu.memory_space<semaphore_mem>>
        %dma_wait3A_653 = tpu.memref_squeeze %dma_wait3A_652 : memref<1x!tpu.dma_semaphore, #tpu.memory_space<semaphore_mem>> -> memref<!tpu.dma_semaphore, #tpu.memory_space<semaphore_mem>>
        %dma_wait3A_654 = arith.constant 0 : i32
        %dma_wait3A_655 = arith.constant 0 : i32
        %dma_wait3A_656 = tpu.memref_slice %arg14[%get3A_648, %dma_wait3A_654, %dma_wait3A_655] : memref<2x2048x2048xf32, #tpu.memory_space<any>> -> memref<1x2048x2048xf32, #tpu.memory_space<any>>
        %dma_wait3A_657 = tpu.memref_squeeze %dma_wait3A_656 : memref<1x2048x2048xf32, #tpu.memory_space<any>> -> memref<2048x2048xf32, #tpu.memory_space<any>>
        %dma_wait3A_658 = arith.constant 0 : i32
        %dma_wait3A_659 = tpu.memref_slice %dma_wait3A_657[%get3A_650, %dma_wait3A_658] : memref<2048x2048xf32, #tpu.memory_space<any>> -> memref<1x2048xf32, #tpu.memory_space<any>>
        %dma_wait3A_660 = arith.constant 20 : i32
        %dma_wait3A_661 = arith.constant 0 : i32
        %dma_wait3A_662 = tpu.memref_slice %arg19[%dma_wait3A_660, %dma_wait3A_661] : memref<32x2048xf32, #tpu.memory_space<vmem>> -> memref<1x2048xf32, #tpu.memory_space<vmem>>
        tpu.wait_dma2 semaphore(%dma_wait3A_653 : memref<!tpu.dma_semaphore, #tpu.memory_space<semaphore_mem>>) src(%dma_wait3A_662 : memref<1x2048xf32, #tpu.memory_space<vmem>>) dst(%dma_wait3A_659 : memref<1x2048xf32, #tpu.memory_space<any>>)
      } else {
      }
      %get3A_570 = arith.constant 21 : index
      %get3A_571 = memref.load %arg11[%get3A_570] : memref<32xi32, #tpu.memory_space<smem>>
      %ne3A_572 = arith.constant 0 : i32
      %ne3A_573 = arith.cmpi ne, %get3A_571, %ne3A_572 : i32
      %convert_element_type3A_574 = arith.extui %ne3A_573 : i1 to i32
      %cond3A_575 = arith.constant 0 : i32
      %cond3A_576 = arith.cmpi ne, %convert_element_type3A_574, %cond3A_575 : i32
      scf.if %cond3A_576 {
        %get3A_647 = arith.constant 21 : index
        %get3A_648 = memref.load %arg12[%get3A_647] : memref<32xi32, #tpu.memory_space<smem>>
        %get3A_649 = arith.constant 21 : index
        %get3A_650 = memref.load %arg13[%get3A_649] : memref<32xi32, #tpu.memory_space<smem>>
        %dma_wait3A_651 = arith.constant 21 : i32
        %dma_wait3A_652 = tpu.memref_slice %arg22[%dma_wait3A_651] : memref<32x!tpu.dma_semaphore, #tpu.memory_space<semaphore_mem>> -> memref<1x!tpu.dma_semaphore, #tpu.memory_space<semaphore_mem>>
        %dma_wait3A_653 = tpu.memref_squeeze %dma_wait3A_652 : memref<1x!tpu.dma_semaphore, #tpu.memory_space<semaphore_mem>> -> memref<!tpu.dma_semaphore, #tpu.memory_space<semaphore_mem>>
        %dma_wait3A_654 = arith.constant 0 : i32
        %dma_wait3A_655 = arith.constant 0 : i32
        %dma_wait3A_656 = tpu.memref_slice %arg14[%get3A_648, %dma_wait3A_654, %dma_wait3A_655] : memref<2x2048x2048xf32, #tpu.memory_space<any>> -> memref<1x2048x2048xf32, #tpu.memory_space<any>>
        %dma_wait3A_657 = tpu.memref_squeeze %dma_wait3A_656 : memref<1x2048x2048xf32, #tpu.memory_space<any>> -> memref<2048x2048xf32, #tpu.memory_space<any>>
        %dma_wait3A_658 = arith.constant 0 : i32
        %dma_wait3A_659 = tpu.memref_slice %dma_wait3A_657[%get3A_650, %dma_wait3A_658] : memref<2048x2048xf32, #tpu.memory_space<any>> -> memref<1x2048xf32, #tpu.memory_space<any>>
        %dma_wait3A_660 = arith.constant 21 : i32
        %dma_wait3A_661 = arith.constant 0 : i32
        %dma_wait3A_662 = tpu.memref_slice %arg19[%dma_wait3A_660, %dma_wait3A_661] : memref<32x2048xf32, #tpu.memory_space<vmem>> -> memref<1x2048xf32, #tpu.memory_space<vmem>>
        tpu.wait_dma2 semaphore(%dma_wait3A_653 : memref<!tpu.dma_semaphore, #tpu.memory_space<semaphore_mem>>) src(%dma_wait3A_662 : memref<1x2048xf32, #tpu.memory_space<vmem>>) dst(%dma_wait3A_659 : memref<1x2048xf32, #tpu.memory_space<any>>)
      } else {
      }
      %get3A_577 = arith.constant 22 : index
      %get3A_578 = memref.load %arg11[%get3A_577] : memref<32xi32, #tpu.memory_space<smem>>
      %ne3A_579 = arith.constant 0 : i32
      %ne3A_580 = arith.cmpi ne, %get3A_578, %ne3A_579 : i32
      %convert_element_type3A_581 = arith.extui %ne3A_580 : i1 to i32
      %cond3A_582 = arith.constant 0 : i32
      %cond3A_583 = arith.cmpi ne, %convert_element_type3A_581, %cond3A_582 : i32
      scf.if %cond3A_583 {
        %get3A_647 = arith.constant 22 : index
        %get3A_648 = memref.load %arg12[%get3A_647] : memref<32xi32, #tpu.memory_space<smem>>
        %get3A_649 = arith.constant 22 : index
        %get3A_650 = memref.load %arg13[%get3A_649] : memref<32xi32, #tpu.memory_space<smem>>
        %dma_wait3A_651 = arith.constant 22 : i32
        %dma_wait3A_652 = tpu.memref_slice %arg22[%dma_wait3A_651] : memref<32x!tpu.dma_semaphore, #tpu.memory_space<semaphore_mem>> -> memref<1x!tpu.dma_semaphore, #tpu.memory_space<semaphore_mem>>
        %dma_wait3A_653 = tpu.memref_squeeze %dma_wait3A_652 : memref<1x!tpu.dma_semaphore, #tpu.memory_space<semaphore_mem>> -> memref<!tpu.dma_semaphore, #tpu.memory_space<semaphore_mem>>
        %dma_wait3A_654 = arith.constant 0 : i32
        %dma_wait3A_655 = arith.constant 0 : i32
        %dma_wait3A_656 = tpu.memref_slice %arg14[%get3A_648, %dma_wait3A_654, %dma_wait3A_655] : memref<2x2048x2048xf32, #tpu.memory_space<any>> -> memref<1x2048x2048xf32, #tpu.memory_space<any>>
        %dma_wait3A_657 = tpu.memref_squeeze %dma_wait3A_656 : memref<1x2048x2048xf32, #tpu.memory_space<any>> -> memref<2048x2048xf32, #tpu.memory_space<any>>
        %dma_wait3A_658 = arith.constant 0 : i32
        %dma_wait3A_659 = tpu.memref_slice %dma_wait3A_657[%get3A_650, %dma_wait3A_658] : memref<2048x2048xf32, #tpu.memory_space<any>> -> memref<1x2048xf32, #tpu.memory_space<any>>
        %dma_wait3A_660 = arith.constant 22 : i32
        %dma_wait3A_661 = arith.constant 0 : i32
        %dma_wait3A_662 = tpu.memref_slice %arg19[%dma_wait3A_660, %dma_wait3A_661] : memref<32x2048xf32, #tpu.memory_space<vmem>> -> memref<1x2048xf32, #tpu.memory_space<vmem>>
        tpu.wait_dma2 semaphore(%dma_wait3A_653 : memref<!tpu.dma_semaphore, #tpu.memory_space<semaphore_mem>>) src(%dma_wait3A_662 : memref<1x2048xf32, #tpu.memory_space<vmem>>) dst(%dma_wait3A_659 : memref<1x2048xf32, #tpu.memory_space<any>>)
      } else {
      }
      %get3A_584 = arith.constant 23 : index
      %get3A_585 = memref.load %arg11[%get3A_584] : memref<32xi32, #tpu.memory_space<smem>>
      %ne3A_586 = arith.constant 0 : i32
      %ne3A_587 = arith.cmpi ne, %get3A_585, %ne3A_586 : i32
      %convert_element_type3A_588 = arith.extui %ne3A_587 : i1 to i32
      %cond3A_589 = arith.constant 0 : i32
      %cond3A_590 = arith.cmpi ne, %convert_element_type3A_588, %cond3A_589 : i32
      scf.if %cond3A_590 {
        %get3A_647 = arith.constant 23 : index
        %get3A_648 = memref.load %arg12[%get3A_647] : memref<32xi32, #tpu.memory_space<smem>>
        %get3A_649 = arith.constant 23 : index
        %get3A_650 = memref.load %arg13[%get3A_649] : memref<32xi32, #tpu.memory_space<smem>>
        %dma_wait3A_651 = arith.constant 23 : i32
        %dma_wait3A_652 = tpu.memref_slice %arg22[%dma_wait3A_651] : memref<32x!tpu.dma_semaphore, #tpu.memory_space<semaphore_mem>> -> memref<1x!tpu.dma_semaphore, #tpu.memory_space<semaphore_mem>>
        %dma_wait3A_653 = tpu.memref_squeeze %dma_wait3A_652 : memref<1x!tpu.dma_semaphore, #tpu.memory_space<semaphore_mem>> -> memref<!tpu.dma_semaphore, #tpu.memory_space<semaphore_mem>>
        %dma_wait3A_654 = arith.constant 0 : i32
        %dma_wait3A_655 = arith.constant 0 : i32
        %dma_wait3A_656 = tpu.memref_slice %arg14[%get3A_648, %dma_wait3A_654, %dma_wait3A_655] : memref<2x2048x2048xf32, #tpu.memory_space<any>> -> memref<1x2048x2048xf32, #tpu.memory_space<any>>
        %dma_wait3A_657 = tpu.memref_squeeze %dma_wait3A_656 : memref<1x2048x2048xf32, #tpu.memory_space<any>> -> memref<2048x2048xf32, #tpu.memory_space<any>>
        %dma_wait3A_658 = arith.constant 0 : i32
        %dma_wait3A_659 = tpu.memref_slice %dma_wait3A_657[%get3A_650, %dma_wait3A_658] : memref<2048x2048xf32, #tpu.memory_space<any>> -> memref<1x2048xf32, #tpu.memory_space<any>>
        %dma_wait3A_660 = arith.constant 23 : i32
        %dma_wait3A_661 = arith.constant 0 : i32
        %dma_wait3A_662 = tpu.memref_slice %arg19[%dma_wait3A_660, %dma_wait3A_661] : memref<32x2048xf32, #tpu.memory_space<vmem>> -> memref<1x2048xf32, #tpu.memory_space<vmem>>
        tpu.wait_dma2 semaphore(%dma_wait3A_653 : memref<!tpu.dma_semaphore, #tpu.memory_space<semaphore_mem>>) src(%dma_wait3A_662 : memref<1x2048xf32, #tpu.memory_space<vmem>>) dst(%dma_wait3A_659 : memref<1x2048xf32, #tpu.memory_space<any>>)
      } else {
      }
      %get3A_591 = arith.constant 24 : index
      %get3A_592 = memref.load %arg11[%get3A_591] : memref<32xi32, #tpu.memory_space<smem>>
      %ne3A_593 = arith.constant 0 : i32
      %ne3A_594 = arith.cmpi ne, %get3A_592, %ne3A_593 : i32
      %convert_element_type3A_595 = arith.extui %ne3A_594 : i1 to i32
      %cond3A_596 = arith.constant 0 : i32
      %cond3A_597 = arith.cmpi ne, %convert_element_type3A_595, %cond3A_596 : i32
      scf.if %cond3A_597 {
        %get3A_647 = arith.constant 24 : index
        %get3A_648 = memref.load %arg12[%get3A_647] : memref<32xi32, #tpu.memory_space<smem>>
        %get3A_649 = arith.constant 24 : index
        %get3A_650 = memref.load %arg13[%get3A_649] : memref<32xi32, #tpu.memory_space<smem>>
        %dma_wait3A_651 = arith.constant 24 : i32
        %dma_wait3A_652 = tpu.memref_slice %arg22[%dma_wait3A_651] : memref<32x!tpu.dma_semaphore, #tpu.memory_space<semaphore_mem>> -> memref<1x!tpu.dma_semaphore, #tpu.memory_space<semaphore_mem>>
        %dma_wait3A_653 = tpu.memref_squeeze %dma_wait3A_652 : memref<1x!tpu.dma_semaphore, #tpu.memory_space<semaphore_mem>> -> memref<!tpu.dma_semaphore, #tpu.memory_space<semaphore_mem>>
        %dma_wait3A_654 = arith.constant 0 : i32
        %dma_wait3A_655 = arith.constant 0 : i32
        %dma_wait3A_656 = tpu.memref_slice %arg14[%get3A_648, %dma_wait3A_654, %dma_wait3A_655] : memref<2x2048x2048xf32, #tpu.memory_space<any>> -> memref<1x2048x2048xf32, #tpu.memory_space<any>>
        %dma_wait3A_657 = tpu.memref_squeeze %dma_wait3A_656 : memref<1x2048x2048xf32, #tpu.memory_space<any>> -> memref<2048x2048xf32, #tpu.memory_space<any>>
        %dma_wait3A_658 = arith.constant 0 : i32
        %dma_wait3A_659 = tpu.memref_slice %dma_wait3A_657[%get3A_650, %dma_wait3A_658] : memref<2048x2048xf32, #tpu.memory_space<any>> -> memref<1x2048xf32, #tpu.memory_space<any>>
        %dma_wait3A_660 = arith.constant 24 : i32
        %dma_wait3A_661 = arith.constant 0 : i32
        %dma_wait3A_662 = tpu.memref_slice %arg19[%dma_wait3A_660, %dma_wait3A_661] : memref<32x2048xf32, #tpu.memory_space<vmem>> -> memref<1x2048xf32, #tpu.memory_space<vmem>>
        tpu.wait_dma2 semaphore(%dma_wait3A_653 : memref<!tpu.dma_semaphore, #tpu.memory_space<semaphore_mem>>) src(%dma_wait3A_662 : memref<1x2048xf32, #tpu.memory_space<vmem>>) dst(%dma_wait3A_659 : memref<1x2048xf32, #tpu.memory_space<any>>)
      } else {
      }
      %get3A_598 = arith.constant 25 : index
      %get3A_599 = memref.load %arg11[%get3A_598] : memref<32xi32, #tpu.memory_space<smem>>
      %ne3A_600 = arith.constant 0 : i32
      %ne3A_601 = arith.cmpi ne, %get3A_599, %ne3A_600 : i32
      %convert_element_type3A_602 = arith.extui %ne3A_601 : i1 to i32
      %cond3A_603 = arith.constant 0 : i32
      %cond3A_604 = arith.cmpi ne, %convert_element_type3A_602, %cond3A_603 : i32
      scf.if %cond3A_604 {
        %get3A_647 = arith.constant 25 : index
        %get3A_648 = memref.load %arg12[%get3A_647] : memref<32xi32, #tpu.memory_space<smem>>
        %get3A_649 = arith.constant 25 : index
        %get3A_650 = memref.load %arg13[%get3A_649] : memref<32xi32, #tpu.memory_space<smem>>
        %dma_wait3A_651 = arith.constant 25 : i32
        %dma_wait3A_652 = tpu.memref_slice %arg22[%dma_wait3A_651] : memref<32x!tpu.dma_semaphore, #tpu.memory_space<semaphore_mem>> -> memref<1x!tpu.dma_semaphore, #tpu.memory_space<semaphore_mem>>
        %dma_wait3A_653 = tpu.memref_squeeze %dma_wait3A_652 : memref<1x!tpu.dma_semaphore, #tpu.memory_space<semaphore_mem>> -> memref<!tpu.dma_semaphore, #tpu.memory_space<semaphore_mem>>
        %dma_wait3A_654 = arith.constant 0 : i32
        %dma_wait3A_655 = arith.constant 0 : i32
        %dma_wait3A_656 = tpu.memref_slice %arg14[%get3A_648, %dma_wait3A_654, %dma_wait3A_655] : memref<2x2048x2048xf32, #tpu.memory_space<any>> -> memref<1x2048x2048xf32, #tpu.memory_space<any>>
        %dma_wait3A_657 = tpu.memref_squeeze %dma_wait3A_656 : memref<1x2048x2048xf32, #tpu.memory_space<any>> -> memref<2048x2048xf32, #tpu.memory_space<any>>
        %dma_wait3A_658 = arith.constant 0 : i32
        %dma_wait3A_659 = tpu.memref_slice %dma_wait3A_657[%get3A_650, %dma_wait3A_658] : memref<2048x2048xf32, #tpu.memory_space<any>> -> memref<1x2048xf32, #tpu.memory_space<any>>
        %dma_wait3A_660 = arith.constant 25 : i32
        %dma_wait3A_661 = arith.constant 0 : i32
        %dma_wait3A_662 = tpu.memref_slice %arg19[%dma_wait3A_660, %dma_wait3A_661] : memref<32x2048xf32, #tpu.memory_space<vmem>> -> memref<1x2048xf32, #tpu.memory_space<vmem>>
        tpu.wait_dma2 semaphore(%dma_wait3A_653 : memref<!tpu.dma_semaphore, #tpu.memory_space<semaphore_mem>>) src(%dma_wait3A_662 : memref<1x2048xf32, #tpu.memory_space<vmem>>) dst(%dma_wait3A_659 : memref<1x2048xf32, #tpu.memory_space<any>>)
      } else {
      }
      %get3A_605 = arith.constant 26 : index
      %get3A_606 = memref.load %arg11[%get3A_605] : memref<32xi32, #tpu.memory_space<smem>>
      %ne3A_607 = arith.constant 0 : i32
      %ne3A_608 = arith.cmpi ne, %get3A_606, %ne3A_607 : i32
      %convert_element_type3A_609 = arith.extui %ne3A_608 : i1 to i32
      %cond3A_610 = arith.constant 0 : i32
      %cond3A_611 = arith.cmpi ne, %convert_element_type3A_609, %cond3A_610 : i32
      scf.if %cond3A_611 {
        %get3A_647 = arith.constant 26 : index
        %get3A_648 = memref.load %arg12[%get3A_647] : memref<32xi32, #tpu.memory_space<smem>>
        %get3A_649 = arith.constant 26 : index
        %get3A_650 = memref.load %arg13[%get3A_649] : memref<32xi32, #tpu.memory_space<smem>>
        %dma_wait3A_651 = arith.constant 26 : i32
        %dma_wait3A_652 = tpu.memref_slice %arg22[%dma_wait3A_651] : memref<32x!tpu.dma_semaphore, #tpu.memory_space<semaphore_mem>> -> memref<1x!tpu.dma_semaphore, #tpu.memory_space<semaphore_mem>>
        %dma_wait3A_653 = tpu.memref_squeeze %dma_wait3A_652 : memref<1x!tpu.dma_semaphore, #tpu.memory_space<semaphore_mem>> -> memref<!tpu.dma_semaphore, #tpu.memory_space<semaphore_mem>>
        %dma_wait3A_654 = arith.constant 0 : i32
        %dma_wait3A_655 = arith.constant 0 : i32
        %dma_wait3A_656 = tpu.memref_slice %arg14[%get3A_648, %dma_wait3A_654, %dma_wait3A_655] : memref<2x2048x2048xf32, #tpu.memory_space<any>> -> memref<1x2048x2048xf32, #tpu.memory_space<any>>
        %dma_wait3A_657 = tpu.memref_squeeze %dma_wait3A_656 : memref<1x2048x2048xf32, #tpu.memory_space<any>> -> memref<2048x2048xf32, #tpu.memory_space<any>>
        %dma_wait3A_658 = arith.constant 0 : i32
        %dma_wait3A_659 = tpu.memref_slice %dma_wait3A_657[%get3A_650, %dma_wait3A_658] : memref<2048x2048xf32, #tpu.memory_space<any>> -> memref<1x2048xf32, #tpu.memory_space<any>>
        %dma_wait3A_660 = arith.constant 26 : i32
        %dma_wait3A_661 = arith.constant 0 : i32
        %dma_wait3A_662 = tpu.memref_slice %arg19[%dma_wait3A_660, %dma_wait3A_661] : memref<32x2048xf32, #tpu.memory_space<vmem>> -> memref<1x2048xf32, #tpu.memory_space<vmem>>
        tpu.wait_dma2 semaphore(%dma_wait3A_653 : memref<!tpu.dma_semaphore, #tpu.memory_space<semaphore_mem>>) src(%dma_wait3A_662 : memref<1x2048xf32, #tpu.memory_space<vmem>>) dst(%dma_wait3A_659 : memref<1x2048xf32, #tpu.memory_space<any>>)
      } else {
      }
      %get3A_612 = arith.constant 27 : index
      %get3A_613 = memref.load %arg11[%get3A_612] : memref<32xi32, #tpu.memory_space<smem>>
      %ne3A_614 = arith.constant 0 : i32
      %ne3A_615 = arith.cmpi ne, %get3A_613, %ne3A_614 : i32
      %convert_element_type3A_616 = arith.extui %ne3A_615 : i1 to i32
      %cond3A_617 = arith.constant 0 : i32
      %cond3A_618 = arith.cmpi ne, %convert_element_type3A_616, %cond3A_617 : i32
      scf.if %cond3A_618 {
        %get3A_647 = arith.constant 27 : index
        %get3A_648 = memref.load %arg12[%get3A_647] : memref<32xi32, #tpu.memory_space<smem>>
        %get3A_649 = arith.constant 27 : index
        %get3A_650 = memref.load %arg13[%get3A_649] : memref<32xi32, #tpu.memory_space<smem>>
        %dma_wait3A_651 = arith.constant 27 : i32
        %dma_wait3A_652 = tpu.memref_slice %arg22[%dma_wait3A_651] : memref<32x!tpu.dma_semaphore, #tpu.memory_space<semaphore_mem>> -> memref<1x!tpu.dma_semaphore, #tpu.memory_space<semaphore_mem>>
        %dma_wait3A_653 = tpu.memref_squeeze %dma_wait3A_652 : memref<1x!tpu.dma_semaphore, #tpu.memory_space<semaphore_mem>> -> memref<!tpu.dma_semaphore, #tpu.memory_space<semaphore_mem>>
        %dma_wait3A_654 = arith.constant 0 : i32
        %dma_wait3A_655 = arith.constant 0 : i32
        %dma_wait3A_656 = tpu.memref_slice %arg14[%get3A_648, %dma_wait3A_654, %dma_wait3A_655] : memref<2x2048x2048xf32, #tpu.memory_space<any>> -> memref<1x2048x2048xf32, #tpu.memory_space<any>>
        %dma_wait3A_657 = tpu.memref_squeeze %dma_wait3A_656 : memref<1x2048x2048xf32, #tpu.memory_space<any>> -> memref<2048x2048xf32, #tpu.memory_space<any>>
        %dma_wait3A_658 = arith.constant 0 : i32
        %dma_wait3A_659 = tpu.memref_slice %dma_wait3A_657[%get3A_650, %dma_wait3A_658] : memref<2048x2048xf32, #tpu.memory_space<any>> -> memref<1x2048xf32, #tpu.memory_space<any>>
        %dma_wait3A_660 = arith.constant 27 : i32
        %dma_wait3A_661 = arith.constant 0 : i32
        %dma_wait3A_662 = tpu.memref_slice %arg19[%dma_wait3A_660, %dma_wait3A_661] : memref<32x2048xf32, #tpu.memory_space<vmem>> -> memref<1x2048xf32, #tpu.memory_space<vmem>>
        tpu.wait_dma2 semaphore(%dma_wait3A_653 : memref<!tpu.dma_semaphore, #tpu.memory_space<semaphore_mem>>) src(%dma_wait3A_662 : memref<1x2048xf32, #tpu.memory_space<vmem>>) dst(%dma_wait3A_659 : memref<1x2048xf32, #tpu.memory_space<any>>)
      } else {
      }
      %get3A_619 = arith.constant 28 : index
      %get3A_620 = memref.load %arg11[%get3A_619] : memref<32xi32, #tpu.memory_space<smem>>
      %ne3A_621 = arith.constant 0 : i32
      %ne3A_622 = arith.cmpi ne, %get3A_620, %ne3A_621 : i32
      %convert_element_type3A_623 = arith.extui %ne3A_622 : i1 to i32
      %cond3A_624 = arith.constant 0 : i32
      %cond3A_625 = arith.cmpi ne, %convert_element_type3A_623, %cond3A_624 : i32
      scf.if %cond3A_625 {
        %get3A_647 = arith.constant 28 : index
        %get3A_648 = memref.load %arg12[%get3A_647] : memref<32xi32, #tpu.memory_space<smem>>
        %get3A_649 = arith.constant 28 : index
        %get3A_650 = memref.load %arg13[%get3A_649] : memref<32xi32, #tpu.memory_space<smem>>
        %dma_wait3A_651 = arith.constant 28 : i32
        %dma_wait3A_652 = tpu.memref_slice %arg22[%dma_wait3A_651] : memref<32x!tpu.dma_semaphore, #tpu.memory_space<semaphore_mem>> -> memref<1x!tpu.dma_semaphore, #tpu.memory_space<semaphore_mem>>
        %dma_wait3A_653 = tpu.memref_squeeze %dma_wait3A_652 : memref<1x!tpu.dma_semaphore, #tpu.memory_space<semaphore_mem>> -> memref<!tpu.dma_semaphore, #tpu.memory_space<semaphore_mem>>
        %dma_wait3A_654 = arith.constant 0 : i32
        %dma_wait3A_655 = arith.constant 0 : i32
        %dma_wait3A_656 = tpu.memref_slice %arg14[%get3A_648, %dma_wait3A_654, %dma_wait3A_655] : memref<2x2048x2048xf32, #tpu.memory_space<any>> -> memref<1x2048x2048xf32, #tpu.memory_space<any>>
        %dma_wait3A_657 = tpu.memref_squeeze %dma_wait3A_656 : memref<1x2048x2048xf32, #tpu.memory_space<any>> -> memref<2048x2048xf32, #tpu.memory_space<any>>
        %dma_wait3A_658 = arith.constant 0 : i32
        %dma_wait3A_659 = tpu.memref_slice %dma_wait3A_657[%get3A_650, %dma_wait3A_658] : memref<2048x2048xf32, #tpu.memory_space<any>> -> memref<1x2048xf32, #tpu.memory_space<any>>
        %dma_wait3A_660 = arith.constant 28 : i32
        %dma_wait3A_661 = arith.constant 0 : i32
        %dma_wait3A_662 = tpu.memref_slice %arg19[%dma_wait3A_660, %dma_wait3A_661] : memref<32x2048xf32, #tpu.memory_space<vmem>> -> memref<1x2048xf32, #tpu.memory_space<vmem>>
        tpu.wait_dma2 semaphore(%dma_wait3A_653 : memref<!tpu.dma_semaphore, #tpu.memory_space<semaphore_mem>>) src(%dma_wait3A_662 : memref<1x2048xf32, #tpu.memory_space<vmem>>) dst(%dma_wait3A_659 : memref<1x2048xf32, #tpu.memory_space<any>>)
      } else {
      }
      %get3A_626 = arith.constant 29 : index
      %get3A_627 = memref.load %arg11[%get3A_626] : memref<32xi32, #tpu.memory_space<smem>>
      %ne3A_628 = arith.constant 0 : i32
      %ne3A_629 = arith.cmpi ne, %get3A_627, %ne3A_628 : i32
      %convert_element_type3A_630 = arith.extui %ne3A_629 : i1 to i32
      %cond3A_631 = arith.constant 0 : i32
      %cond3A_632 = arith.cmpi ne, %convert_element_type3A_630, %cond3A_631 : i32
      scf.if %cond3A_632 {
        %get3A_647 = arith.constant 29 : index
        %get3A_648 = memref.load %arg12[%get3A_647] : memref<32xi32, #tpu.memory_space<smem>>
        %get3A_649 = arith.constant 29 : index
        %get3A_650 = memref.load %arg13[%get3A_649] : memref<32xi32, #tpu.memory_space<smem>>
        %dma_wait3A_651 = arith.constant 29 : i32
        %dma_wait3A_652 = tpu.memref_slice %arg22[%dma_wait3A_651] : memref<32x!tpu.dma_semaphore, #tpu.memory_space<semaphore_mem>> -> memref<1x!tpu.dma_semaphore, #tpu.memory_space<semaphore_mem>>
        %dma_wait3A_653 = tpu.memref_squeeze %dma_wait3A_652 : memref<1x!tpu.dma_semaphore, #tpu.memory_space<semaphore_mem>> -> memref<!tpu.dma_semaphore, #tpu.memory_space<semaphore_mem>>
        %dma_wait3A_654 = arith.constant 0 : i32
        %dma_wait3A_655 = arith.constant 0 : i32
        %dma_wait3A_656 = tpu.memref_slice %arg14[%get3A_648, %dma_wait3A_654, %dma_wait3A_655] : memref<2x2048x2048xf32, #tpu.memory_space<any>> -> memref<1x2048x2048xf32, #tpu.memory_space<any>>
        %dma_wait3A_657 = tpu.memref_squeeze %dma_wait3A_656 : memref<1x2048x2048xf32, #tpu.memory_space<any>> -> memref<2048x2048xf32, #tpu.memory_space<any>>
        %dma_wait3A_658 = arith.constant 0 : i32
        %dma_wait3A_659 = tpu.memref_slice %dma_wait3A_657[%get3A_650, %dma_wait3A_658] : memref<2048x2048xf32, #tpu.memory_space<any>> -> memref<1x2048xf32, #tpu.memory_space<any>>
        %dma_wait3A_660 = arith.constant 29 : i32
        %dma_wait3A_661 = arith.constant 0 : i32
        %dma_wait3A_662 = tpu.memref_slice %arg19[%dma_wait3A_660, %dma_wait3A_661] : memref<32x2048xf32, #tpu.memory_space<vmem>> -> memref<1x2048xf32, #tpu.memory_space<vmem>>
        tpu.wait_dma2 semaphore(%dma_wait3A_653 : memref<!tpu.dma_semaphore, #tpu.memory_space<semaphore_mem>>) src(%dma_wait3A_662 : memref<1x2048xf32, #tpu.memory_space<vmem>>) dst(%dma_wait3A_659 : memref<1x2048xf32, #tpu.memory_space<any>>)
      } else {
      }
      %get3A_633 = arith.constant 30 : index
      %get3A_634 = memref.load %arg11[%get3A_633] : memref<32xi32, #tpu.memory_space<smem>>
      %ne3A_635 = arith.constant 0 : i32
      %ne3A_636 = arith.cmpi ne, %get3A_634, %ne3A_635 : i32
      %convert_element_type3A_637 = arith.extui %ne3A_636 : i1 to i32
      %cond3A_638 = arith.constant 0 : i32
      %cond3A_639 = arith.cmpi ne, %convert_element_type3A_637, %cond3A_638 : i32
      scf.if %cond3A_639 {
        %get3A_647 = arith.constant 30 : index
        %get3A_648 = memref.load %arg12[%get3A_647] : memref<32xi32, #tpu.memory_space<smem>>
        %get3A_649 = arith.constant 30 : index
        %get3A_650 = memref.load %arg13[%get3A_649] : memref<32xi32, #tpu.memory_space<smem>>
        %dma_wait3A_651 = arith.constant 30 : i32
        %dma_wait3A_652 = tpu.memref_slice %arg22[%dma_wait3A_651] : memref<32x!tpu.dma_semaphore, #tpu.memory_space<semaphore_mem>> -> memref<1x!tpu.dma_semaphore, #tpu.memory_space<semaphore_mem>>
        %dma_wait3A_653 = tpu.memref_squeeze %dma_wait3A_652 : memref<1x!tpu.dma_semaphore, #tpu.memory_space<semaphore_mem>> -> memref<!tpu.dma_semaphore, #tpu.memory_space<semaphore_mem>>
        %dma_wait3A_654 = arith.constant 0 : i32
        %dma_wait3A_655 = arith.constant 0 : i32
        %dma_wait3A_656 = tpu.memref_slice %arg14[%get3A_648, %dma_wait3A_654, %dma_wait3A_655] : memref<2x2048x2048xf32, #tpu.memory_space<any>> -> memref<1x2048x2048xf32, #tpu.memory_space<any>>
        %dma_wait3A_657 = tpu.memref_squeeze %dma_wait3A_656 : memref<1x2048x2048xf32, #tpu.memory_space<any>> -> memref<2048x2048xf32, #tpu.memory_space<any>>
        %dma_wait3A_658 = arith.constant 0 : i32
        %dma_wait3A_659 = tpu.memref_slice %dma_wait3A_657[%get3A_650, %dma_wait3A_658] : memref<2048x2048xf32, #tpu.memory_space<any>> -> memref<1x2048xf32, #tpu.memory_space<any>>
        %dma_wait3A_660 = arith.constant 30 : i32
        %dma_wait3A_661 = arith.constant 0 : i32
        %dma_wait3A_662 = tpu.memref_slice %arg19[%dma_wait3A_660, %dma_wait3A_661] : memref<32x2048xf32, #tpu.memory_space<vmem>> -> memref<1x2048xf32, #tpu.memory_space<vmem>>
        tpu.wait_dma2 semaphore(%dma_wait3A_653 : memref<!tpu.dma_semaphore, #tpu.memory_space<semaphore_mem>>) src(%dma_wait3A_662 : memref<1x2048xf32, #tpu.memory_space<vmem>>) dst(%dma_wait3A_659 : memref<1x2048xf32, #tpu.memory_space<any>>)
      } else {
      }
      %get3A_640 = arith.constant 31 : index
      %get3A_641 = memref.load %arg11[%get3A_640] : memref<32xi32, #tpu.memory_space<smem>>
      %ne3A_642 = arith.constant 0 : i32
      %ne3A_643 = arith.cmpi ne, %get3A_641, %ne3A_642 : i32
      %convert_element_type3A_644 = arith.extui %ne3A_643 : i1 to i32
      %cond3A_645 = arith.constant 0 : i32
      %cond3A_646 = arith.cmpi ne, %convert_element_type3A_644, %cond3A_645 : i32
      scf.if %cond3A_646 {
        %get3A_647 = arith.constant 31 : index
        %get3A_648 = memref.load %arg12[%get3A_647] : memref<32xi32, #tpu.memory_space<smem>>
        %get3A_649 = arith.constant 31 : index
        %get3A_650 = memref.load %arg13[%get3A_649] : memref<32xi32, #tpu.memory_space<smem>>
        %dma_wait3A_651 = arith.constant 31 : i32
        %dma_wait3A_652 = tpu.memref_slice %arg22[%dma_wait3A_651] : memref<32x!tpu.dma_semaphore, #tpu.memory_space<semaphore_mem>> -> memref<1x!tpu.dma_semaphore, #tpu.memory_space<semaphore_mem>>
        %dma_wait3A_653 = tpu.memref_squeeze %dma_wait3A_652 : memref<1x!tpu.dma_semaphore, #tpu.memory_space<semaphore_mem>> -> memref<!tpu.dma_semaphore, #tpu.memory_space<semaphore_mem>>
        %dma_wait3A_654 = arith.constant 0 : i32
        %dma_wait3A_655 = arith.constant 0 : i32
        %dma_wait3A_656 = tpu.memref_slice %arg14[%get3A_648, %dma_wait3A_654, %dma_wait3A_655] : memref<2x2048x2048xf32, #tpu.memory_space<any>> -> memref<1x2048x2048xf32, #tpu.memory_space<any>>
        %dma_wait3A_657 = tpu.memref_squeeze %dma_wait3A_656 : memref<1x2048x2048xf32, #tpu.memory_space<any>> -> memref<2048x2048xf32, #tpu.memory_space<any>>
        %dma_wait3A_658 = arith.constant 0 : i32
        %dma_wait3A_659 = tpu.memref_slice %dma_wait3A_657[%get3A_650, %dma_wait3A_658] : memref<2048x2048xf32, #tpu.memory_space<any>> -> memref<1x2048xf32, #tpu.memory_space<any>>
        %dma_wait3A_660 = arith.constant 31 : i32
        %dma_wait3A_661 = arith.constant 0 : i32
        %dma_wait3A_662 = tpu.memref_slice %arg19[%dma_wait3A_660, %dma_wait3A_661] : memref<32x2048xf32, #tpu.memory_space<vmem>> -> memref<1x2048xf32, #tpu.memory_space<vmem>>
        tpu.wait_dma2 semaphore(%dma_wait3A_653 : memref<!tpu.dma_semaphore, #tpu.memory_space<semaphore_mem>>) src(%dma_wait3A_662 : memref<1x2048xf32, #tpu.memory_space<vmem>>) dst(%dma_wait3A_659 : memref<1x2048xf32, #tpu.memory_space<any>>)
      } else {
      }
    } else {
    }
    return
  }
  func.func @transform_0(%arg0: i32) -> (i32, i32) {
    %c0_i32 = arith.constant 0 : i32
    %c0_i32_0 = arith.constant 0 : i32
    %c0_i32_1 = arith.constant 0 : i32
    return %c0_i32, %c0_i32_0 : i32, i32
  }
  func.func @transform_1(%arg0: i32) -> (i32, i32, i32) {
    %c0_i32 = arith.constant 0 : i32
    %c0_i32_0 = arith.constant 0 : i32
    %c0_i32_1 = arith.constant 0 : i32
    return %arg0, %c0_i32, %c0_i32_0 : i32, i32, i32
  }
  func.func @transform_2(%arg0: i32) -> (i32, i32, i32) {
    %c0_i32 = arith.constant 0 : i32
    %c0_i32_0 = arith.constant 0 : i32
    %c0_i32_1 = arith.constant 0 : i32
    return %arg0, %c0_i32, %c0_i32_0 : i32, i32, i32
  }
  func.func @transform_3(%arg0: i32) -> (i32, i32, i32) {
    %c0_i32 = arith.constant 0 : i32
    %c0_i32_0 = arith.constant 0 : i32
    %c0_i32_1 = arith.constant 0 : i32
    return %arg0, %c0_i32, %c0_i32_0 : i32, i32, i32
  }
  func.func @transform_4(%arg0: i32) -> (i32, i32, i32) {
    %c0_i32 = arith.constant 0 : i32
    %c0_i32_0 = arith.constant 0 : i32
    %c0_i32_1 = arith.constant 0 : i32
    return %arg0, %c0_i32, %c0_i32_0 : i32, i32, i32
  }
  func.func @transform_5(%arg0: i32) -> (i32, i32) {
    %c0_i32 = arith.constant 0 : i32
    %c0_i32_0 = arith.constant 0 : i32
    %c0_i32_1 = arith.constant 0 : i32
    return %c0_i32, %c0_i32_0 : i32, i32
  }
  func.func @transform_6(%arg0: i32) -> (i32, i32) {
    %c0_i32 = arith.constant 0 : i32
    %c0_i32_0 = arith.constant 0 : i32
    %c0_i32_1 = arith.constant 0 : i32
    return %c0_i32, %c0_i32_0 : i32, i32
  }
  func.func @transform_7(%arg0: i32) -> (i32, i32) {
    %c0_i32 = arith.constant 0 : i32
    %c0_i32_0 = arith.constant 0 : i32
    %c0_i32_1 = arith.constant 0 : i32
    return %c0_i32, %c0_i32_0 : i32, i32
  }
  func.func @transform_8(%arg0: i32) -> (i32, i32) {
    %c0_i32 = arith.constant 0 : i32
    %c0_i32_0 = arith.constant 0 : i32
    %c0_i32_1 = arith.constant 0 : i32
    return %c0_i32, %c0_i32_0 : i32, i32
  }
  func.func @transform_9(%arg0: i32) -> (i32, i32) {
    %c0_i32 = arith.constant 0 : i32
    %c0_i32_0 = arith.constant 0 : i32
    %c0_i32_1 = arith.constant 0 : i32
    return %c0_i32, %c0_i32_0 : i32, i32
  }
  func.func @transform_10(%arg0: i32) -> i32 {
    %c0_i32 = arith.constant 0 : i32
    %c0_i32_0 = arith.constant 0 : i32
    return %c0_i32 : i32
  }
  func.func @transform_11(%arg0: i32) -> i32 {
    %c0_i32 = arith.constant 0 : i32
    %c0_i32_0 = arith.constant 0 : i32
    return %c0_i32 : i32
  }
  func.func @transform_12(%arg0: i32) -> i32 {
    %c0_i32 = arith.constant 0 : i32
    %c0_i32_0 = arith.constant 0 : i32
    return %c0_i32 : i32
  }
}

</mosaic_0001>

<sc_bundles>
// kernel: kernel.4.cloned.1.call-start
scs
__scs_entry_jumppad:
0x0: {  	(pc) =	sbr.rel $0x88, $3  }
0x1: {  	(tag) =	ssettag $0x0;
	lr =	simm.s32 $0x1  }
0x2: {  	[smem:$0x3F97] =	sst lr;
	_ =	strace $0xD0000000  }
0x3: {  	_ = 	snop  }
0x4: {  	_ = 	snop  }
0x5: {  	_ = 	snop  }
0x6: {  	_ = 	snop  }
0x7: {  	_ = 	snop  }
__scs_overlays_trampoline_lowered:
0x8: {  	[smem:$0x3FA6] =	sst s0  }
0x9: {  	[smem:$0x3FA7] =	sst s1  }
0xa: {  	[smem:$0x3FA8] =	sst s2  }
0xb: {  	[smem:$0x3FA9] =	sst s3  }
0xc: {  	[smem:$0x3FAA] =	sst s4  }
0xd: {  	[smem:$0x3FAB] =	sst s5  }
0xe: {  	[smem:$0x3FAC] =	sst s6  }
0xf: {  	[smem:$0x3FAD] =	sst s7  }
0x10: {  	[smem:$0x3FAE] =	sst s8  }
0x11: {  	[smem:$0x3FAF] =	sst s9;
	s0 =	simm.s32 @!p0 $0x0  }
0x12: {  	s1 =	sld [smem:$0x3F95];
	s0 =	simm.s32 @p0 $0x1  }
0x13: {  	[smem:$0x3FB0] =	sst s0;
	s0 =	simm.s32 @!p1 $0x0  }
0x14: {  	s2 =	sld [smem:$0x3F94];
	s0 =	simm.s32 @p1 $0x1  }
0x15: {  	[smem:$0x3FB1] =	sst s0;
	s0 =	simm.s32 @!p2 $0x0  }
0x16: {  	s3 =	sld [smem:$0x3FDB];
	s0 =	simm.s32 @p2 $0x1  }
0x17: {  	s4 =	simm.s32 $0x1BF5;
	[smem:$0x3FB3] =	sst s0  }
0x18: {  	s0 =	sld [smem:$0x3F96];
	_ =	swait.ge [sflag:s4], $0x0  }
0x19: {  	s7 =	sld [smem:$0x3F97]  }
0x1a: {  	s8 =	sadd.s32 $0xFFFFE003, lr  }
0x1b: {  	s9 =	sadd.s32 $0xFFFFFEF7, lr;
	s5 =	simm.s32 $0xFFFFFFFF;
	p2 =	slt.u32 s8, $0xFFFFF086  }
0x1c: {  	p1 =	slt.u32 s9, $0xF7A;
	s5 =	simm.s32 @!p2 $0x0  }
0x1d: {  	s5 =	simm.s32 @p1 $0x1;
	p0 =	seq.s32 s7, s2  }
0x1e: {  	s7 =	smul.u32 @!p0 $0xF7A, s2;
	p2 =	seq.s32 @!p0 s5, $0x0  }
0x1f: {  	s9 =	smul.u32 $0xF7A, s1;
	s8 =	simm.s32 @!p0 $0x1BF5;
	p2 =	por !p2, p0  }
0x20: {  	[sflag:s8] =	ssyncset.s32 @!p0 $0xFFFFF086;
	s6 =	sadd.s32 @!p0 s3, s7;
	s7 =	simm.s32 @!p0 $0x108  }
0x21: {  	s3 =	sadd.s32 s3, s9;
	s6 =	sadd.s32 @!p0 $0x88, s6;
	s7 =	simm.s32 @p2 $0x1082  }
0x22: {  	[simem:s7], [sflag:s8] =	dma.local @!p0 [hbm:s6], $0xF7A  }
0x23: {  	s9 =	sor.u32 $0xD0000000, s2;
	s6 =	simm.s32 $0x108;
	_ =	swait.ge @!p0 [sflag:s8], $0x0  }
0x24: {  	s3 =	sadd.s32 $0x88, s3;
	s6 =	simm.s32 @!p1 $0x1082;
	[sflag:s4] =	ssyncset.s32 $0xFFFFF086  }
0x25: {  	[simem:s6], [sflag:s4] =	dma.local [hbm:s3], $0xF7A  }
0x26: {  	[smem:$0x3F97] =	sst s1;
	(tag) =	ssettag s2;
	_ =	strace s9  }
0x27: {  	s1 =	sld [smem:$0x3FA7]  }
0x28: {  	s2 =	sld [smem:$0x3FA8]  }
0x29: {  	s4 =	sld [smem:$0x3FAA]  }
0x2a: {  	p0 =	seq.s32 s5, $0x0;
	s5 =	sld [smem:$0x3FAB]  }
0x2b: {  	s6 =	sld [smem:$0x3FAC]  }
0x2c: {  	s7 =	sld [smem:$0x3FAD]  }
0x2d: {  	s3 =	simm.s32 $0x108;
	s8 =	sld [smem:$0x3FAE]  }
0x2e: {  	s3 =	simm.s32 @!p0 $0x1082;
	s9 =	sld [smem:$0x3FAF]  }
0x2f: {  	lr =	sadd.s32 s0, s3;
	s0 =	sld [smem:$0x3FA6]  }
0x30: {  	s3 =	sld [smem:$0x3FA9]  }
0x31: {  	[smem:$0x3FB2] =	sst s10  }
0x32: {  	s10 =	sld [smem:$0x3FB0];
	_ =	sdelay $0x3  }
0x33: {  	p0 =	seq.s32 s10, $0x1;
	s10 =	sld [smem:$0x3FB2];
	_ =	sdelay $0x3  }
0x34: {  	[smem:$0x3FB2] =	sst s10  }
0x35: {  	s10 =	sld [smem:$0x3FB1];
	_ =	sdelay $0x3  }
0x36: {  	p1 =	seq.s32 s10, $0x1;
	s10 =	sld [smem:$0x3FB2];
	_ =	sdelay $0x3  }
0x37: {  	[smem:$0x3FB2] =	sst s10  }
0x38: {  	s10 =	sld [smem:$0x3FB3]  }
0x39: {  	_ = 	snop;
	(pc) =	sbr.ind lr, $3  }
0x3a: {  	_ = 	snop  }
0x3b: {  	_ = 	snop  }
0x3c: {  	p2 =	seq.s32 s10, $0x1;
	s10 =	sld [smem:$0x3FB2]  }
0x3d: {  	_ =	shalt  }
0x3e: {  	_ =	shalt  }
0x3f: {  	_ =	shalt  }
0x40: {  	_ =	shalt  }
0x41: {  	_ =	shalt  }
0x42: {  	_ =	shalt  }
0x43: {  	_ =	shalt  }
0x44: {  	_ =	shalt  }
0x45: {  	_ =	shalt  }
0x46: {  	_ =	shalt  }
0x47: {  	_ =	shalt  }
0x48: {  	_ =	shalt  }
0x49: {  	_ =	shalt  }
0x4a: {  	_ =	shalt  }
0x4b: {  	_ =	shalt  }
0x4c: {  	_ =	shalt  }
0x4d: {  	_ =	shalt  }
0x4e: {  	_ =	shalt  }
0x4f: {  	_ =	shalt  }
0x50: {  	_ =	shalt  }
0x51: {  	_ =	shalt  }
0x52: {  	_ =	shalt  }
0x53: {  	_ =	shalt  }
0x54: {  	_ =	shalt  }
0x55: {  	_ =	shalt  }
0x56: {  	_ =	shalt  }
0x57: {  	_ =	shalt  }
0x58: {  	_ =	shalt  }
0x59: {  	_ =	shalt  }
0x5a: {  	_ =	shalt  }
0x5b: {  	_ =	shalt  }
0x5c: {  	_ =	shalt  }
0x5d: {  	_ =	shalt  }
0x5e: {  	_ =	shalt  }
0x5f: {  	_ =	shalt  }
0x60: {  	_ =	shalt  }
0x61: {  	_ =	shalt  }
0x62: {  	_ =	shalt  }
0x63: {  	_ =	shalt  }
0x64: {  	_ =	shalt  }
0x65: {  	_ =	shalt  }
0x66: {  	_ =	shalt  }
0x67: {  	_ =	shalt  }
0x68: {  	_ =	shalt  }
0x69: {  	_ =	shalt  }
0x6a: {  	_ =	shalt  }
0x6b: {  	_ =	shalt  }
0x6c: {  	_ =	shalt  }
0x6d: {  	_ =	shalt  }
0x6e: {  	_ =	shalt  }
0x6f: {  	_ =	shalt  }
0x70: {  	_ =	shalt  }
0x71: {  	_ =	shalt  }
0x72: {  	_ =	shalt  }
0x73: {  	_ =	shalt  }
0x74: {  	_ =	shalt  }
0x75: {  	_ =	shalt  }
0x76: {  	_ =	shalt  }
0x77: {  	_ =	shalt  }
0x78: {  	_ =	shalt  }
0x79: {  	_ =	shalt  }
0x7a: {  	_ =	shalt  }
0x7b: {  	_ =	shalt  }
0x7c: {  	_ =	shalt  }
0x7d: {  	_ =	shalt  }
0x7e: {  	_ =	shalt  }
0x7f: {  	_ =	shalt  }
0x80: {  	_ =	shalt  }
0x81: {  	_ =	shalt  }
0x82: {  	_ =	shalt  }
0x83: {  	_ =	shalt  }
0x84: {  	_ =	shalt  }
0x85: {  	_ =	shalt  }
0x86: {  	_ =	shalt  }
0x87: {  	_ =	shalt  }
.Lfunc_end0:
.L_simem_size_0:
called_computation_lowered:
.L_overlay_start_0:
0x88: {  	s2 =	sld [smem:$0x3FD9]  }
0x89: {  	s3 =	sld [smem:$0x3FFE];
	_ =	sdelay $0x1  }
0x8a: {  	s1 =	srdreg.scid  }
0x8b: {  	s0 =	sand.u32 $0x1, s1  }
0x8c: {  	s17 =	sshll.u32 s0, $0xA;
	s2 =	sadd.s32 s3, s2  }
0x8d: {  	s2 =	sadd.s32 s2, s17  }
0x8e: {  	[smem:$0x3FBE] =	sst s2  }
0x8f: {  	_ = 	snop  }
0x90: {  	s2 =	sld [smem:$0x3FC9]  }
0x91: {  	s18 =	sld [smem:$0x3FD0];
	(tm) =	ssettm $0x1  }
0x92: {  	s4 =	sld [smem:$0x3FFB];
	_ =	sdelay $0x3  }
0x93: {  	_ =	strace s4  }
0x94: {  	s4 =	sld [smem:$0x3FFC];
	_ =	sdelay $0x3  }
0x95: {  	_ =	strace s4  }
0x96: {  	s4 =	sld [smem:$0x3FFD];
	_ =	sdelay $0x3  }
0x97: {  	_ =	strace s4  }
0x98: {  	_ =	strace $0x8FFFFFFF  }
0x99: {  	s19 =	sld [smem:$0x3FDB];
	_ =	sdelay $0x1  }
0x9a: {  	s5 =	simm.s32 $_scs_section_size  }
0x9b: {  	s6 =	simm.s32 $_size__tile_overlayer_lowered;
	s7 =	simm.s32 $_tile_overlayer_lowered  }
0x9c: {  	s22 =	simm.s32 $0x1BFF;
	s21 =	sshll.u32 s7, $0x1;
	s4 =	sadd.s32 s5, s19  }
0x9d: {  	s8 =	simm.s32 $0x0;
	s20 =	sshll.u32 s6, $0x1;
	s6 =	sadd.s32 s21, s4  }
0x9e: {  	[timem:s8], [sflag:s22] =	dma.local [hbm:s6], s20  }
0x9f: {  	_ =	swait.ge [sflag:s22], s20  }
0xa0: {  	s5 =	ssub.s32 $0x0, s20;
	[sflag:s22] =	ssyncset.done $0x0  }
0xa1: {  	[sflag:s22] =	ssyncadd.s32 s5;
	_ =	sdelay $0x1  }
0xa2: {  	s23 =	simm.s32 $0x1B8B  }
0xa3: {  	_ =	swait.ge [sflag:s23], $0x1  }
0xa4: {  	[sflag:s23] =	ssyncset.done $0x0  }
0xa5: {  	s25 =	simm.s32 $0x1B8E;
	s24 =	sld [smem:$0x3FFE];
	[sflag:s23] =	ssyncadd.s32 $0xFFFFFFFF  }
0xa6: {  	s26 =	simm.s32 $execute0_lowered;
	[smem:$0x3FD2] =	sst s25  }
0xa7: {  	s6 =	sshll.u32 s26, $0x1;
	_ =	strace $0x80000046;
	[dreg:$0x1] =	wrdreg $0xFFFFFFFF  }
0xa8: {  	s28 =	simm.s32 $_size_execute0_lowered;
	s4 =	sadd.s32 s4, s6;
	[dreg:$0x0] =	wrdreg $0x0  }
0xa9: {  	s6 =	sshll.u32 s28, $0x1;
	[dreg:$0x2] =	wrdreg s4  }
0xaa: {  	[dreg:$0x3] =	wrdreg s6  }
0xab: {  	[dreg:$0x4] =	wrdreg $0xC0  }
0xac: {  	_ =	task [dreg:s8], $0x5FFFF  }
0xad: {  	[dreg:$0x1] =	wrdreg $0xFFFFFFFF  }
0xae: {  	[dreg:$0x0] =	wrdreg $0x60  }
0xaf: {  	[dreg:$0x2] =	wrdreg s2  }
0xb0: {  	[dreg:$0x3] =	wrdreg s24  }
0xb1: {  	[dreg:$0x4] =	wrdreg s18  }
0xb2: {  	[dreg:$0x5] =	wrdreg $0x9  }
0xb3: {  	_ =	task.clear_ibuf [dreg:s8], $0x6FFFF;
	_ =	strace $0x90000046  }
0xb4: {  	s29 =	simm.s32 $0x9;
	_ =	strace $0x80000048  }
0xb5: {  	_ =	swait.ge [sflag:s29], $0x1  }
0xb6: {  	[sflag:s29] =	ssyncadd.s32 $0xFFFFFFFF  }
0xb7: {  	_ =	strace $0x90000048  }
0xb8: {  	_ =	sfence  }
0xb9: {  	s30 =	sld [smem:$0x0];
	_ =	sdelay $0x2  }
0xba: {  	s31 =	sshll.u32 s1, $0xD;
	s1 =	sshrl.u32 s1, $0x2  }
0xbb: {  	s3 =	sand.u32 $0x4000, s31;
	s1 =	sadd.s32 s1, s30  }
0xbc: {  	s0 =	sor.u32 s3, s0;
	s1 =	sshll.u32 s1, $0x11  }
0xbd: {  	s0 =	sor.u32 s1, s0  }
0xbe: {  	s0 =	sadd.s32 $0x8F2B, s0  }
0xbf: {  	[sflag:s0] =	ssyncadd.remote.s32 $0x1  }
0xc0: {  	_ =	sfence.sel $0xFFFF  }
0xc1: {  	[dreg:$0x0] =	wrdreg $0xFFFFFFFF;
	(pc) =	sbr.abs _section_cstart, $3  }
0xc2: {  	[dreg:$0x1] =	wrdreg $0xFFFFFFFF  }
0xc3: {  	_ =	task.clear_ibuf [dreg:s8], $0x2FFFF;
	_ =	strace $0x9FFFFFFF  }
0xc4: {  	(tm) =	ssettm $0x7FFFFFFF  }
0xc5: {  	_ =	shalt  }
tec
execute0_lowered:
.L_overlay_start_1:
0x0: {  	(tag) =	ssettag $0x1  }
0x1: {  	s19 =	rddreg [dreg:$0x0]  }
0x2: {  	s1 =	rddreg [dreg:$0x1]  }
0x3: {  	s0 =	srdreg.scid;
	s3 =	rddreg [dreg:$0x2]  }
0x4: {  	s6 =	stileid.u32;
	s7 =	rddreg [dreg:$0x3]  }
0x5: {  	s25 =	simm.s32 $0x880;
	s26 =	simm.s32 $0x1080;
	s29 =	simm.s32 $0x1880  }
0x6: {  	s30 =	simm.s32 $0x2080;
	s31 =	simm.s32 $0x2880;
	s21 =	simm.s32 $0x4880  }
0x7: {  	s17 =	simm.s32 $0x5080;
	s15 =	simm.s32 $0x4480;
	s16 =	simm.s32 $0x5880  }
0x8: {  	s20 =	simm.s32 $0x4C80;
	s0 =	sand.u32 $0x1, s0;
	s2 =	sshll.u32 s6, $0x1  }
0x9: {  	p0 =	por $0x0, $0x0;
	s4 =	sor.u32 s0, s2;
	s2 =	simm.s32 $0x0  }
0xa: {  	s8 =	sadd.s32 $0x100, s19;
	s9 =	sadd.s32 $0x200, s19;
	[smem:$0x7FF] =	sst s2  }
0xb: {  	s10 =	sadd.s32 $0x300, s19;
	_ =	strace $0x80000047;
	[dreg:$0x6] =	wrdreg s25  }
0xc: {  	s11 =	sadd.s32 $0x400, s19;
	s12 =	sadd.s32 $0x500, s19;
	[dreg:$0x7] =	wrdreg s26  }
0xd: {  	s13 =	sadd.s32 $0x600, s19;
	s14 =	sadd.s32 $0x700, s19;
	[dreg:$0x8] =	wrdreg s29  }
0xe: {  	s0 =	ssub.s32 $0x2, s0;
	s5 =	sshll.u32 s4, $0x4;
	[dreg:$0x9] =	wrdreg s30  }
0xf: {  	s22 =	sshrl.u32 s0, $0x1;
	s23 =	sshll.u32 s4, $0x7;
	[dreg:$0xa] =	wrdreg s31  }
0x10: {  	s24 =	sshll.u32 s4, $0xB;
	s1 =	sadd.s32 s5, s1;
	[dreg:$0xd] =	wrdreg s15  }
0x11: {  	s0 =	ssub.s32 s0, s22;
	s4 =	sadd.s32 s3, s24;
	[dreg:$0xe] =	wrdreg s20  }
0x12: {  	s5 =	simm.s32 $0x3880;
	s22 =	simm.s32 $0x4080;
	[dreg:$0x5] =	wrdreg s4  }
0x13: {  	s25 =	simm.s32 $0x5C80;
	s15 =	simm.s32 $0x7080;
	[dreg:$0xc] =	wrdreg s5  }
0x14: {  	s26 =	simm.s32 $0x6480;
	s20 =	simm.s32 $0x7880;
	[dreg:$0x10] =	wrdreg s25  }
0x15: {  	s29 =	simm.s32 $0x6C80;
	s30 =	simm.s32 $0x7480;
	[dreg:$0x11] =	wrdreg s26  }
0x16: {  	s31 =	simm.s32 $0x7C80;
	s1 =	sadd.s32 $0xC00, s1;
	[dreg:$0x12] =	wrdreg s29  }
0x17: {  	s0 =	smax.u32 s0, $0x1;
	s4 =	simm.s32 $0x2;
	[dreg:$0x13] =	wrdreg s30  }
0x18: {  	s5 =	simm.s32 $0x6080;
	[dreg:$0x14] =	wrdreg s31;
	p1 =	sne.s32 s0, $0x1  }
.Ltmp0:
0x19: {  	[dreg:$0x4] =	wrdreg s1;
	s1 =	sor.u32 s23, s24;
	(pc) =	sbr.rel @!p1 .LBB2_5-.Ltmp0, $4  }
0x1a: {  	s23 =	simm.s32 $0x80;
	s24 =	simm.s32 $0x5480;
	s1 =	sand.u32 $0xC380, s1  }
0x1b: {  	v1 =	vlaneseq.u32;
	s28 =	sadd.s32 $0xFFFFFFFF, s0;
	[dreg:$0xf] =	wrdreg s24;
	s1 =	sshrl.u32 s1, $0x3  }
0x1c: {  	vm0 =	vmmov $0xffff;
	v0 =	vshrl.u32 v1, $0x3;
	s24 =	simm.s32 $0x1;
	s1 =	sadd.s32 s1, s3;
	s3 =	simm.s32 $0x3080  }
0x1d: {  	v2 =	vand.u32 $0x7, v1;
	v1 =	vor.u32 $0x8, v1;
	v0 =	vmul.u32 $0x8, v0;
	s18 =	sadd.s32 $0x10000, s1;
	[dreg:$0xb] =	wrdreg s3;
	s3 =	simm.s32 $0x6880  }
0x1e: {  	s0 =	rddreg [dreg:$0x4]  }
0x1f: {  	[tilespmem:s2], [sflag:$0x2] =	stream.linear.gather [hbm4b:s0+s2], $0x80, $0x38;
	[tilespmem:$0x8080] =	vst v63  }
0x20: {  	_ =	swait.ge [sflag:s4], $0x80  }
0x21: {  	[sflag:s4] =	ssyncset.done $0x0  }
0x22: {  	[sflag:s4] =	ssyncadd.s32 $0xFFFFFF80  }
0x23: {  	v3 =	vld [tilespmem:$0x0];
	_ =	sdelay $0x4  }
0x24: {  	v4 =	vshll.u32 v3, $0x4  }
0x25: {  	v3 =	vand.u32 $0x7, v3;
	v4 =	vand.u32 $0xFFFFFF80, v4  }
0x26: {  	v3 =	vor.u32 v3, v4  }
0x27: {  	v4 =	vperm.xlane v3, v2;
	_ =	sdelay $0x1  }
0x28: {  	v4 =	vadd.s32 v0, v4;
	_ =	sdelay $0x4  }
0x29: {  	[tilespmem:s23], [sflag:$0x1] =	stream.indirect_vreg.gather [hbm4b:s19+s2], $0x80, v4, vm0, $0xb8;
	[tilespmem:$0x8080] =	vst v63  }
0x2a: {  	s31 =	rddreg [dreg:$0x6]  }
0x2b: {  	[tilespmem:s31], [sflag:$0x1] =	stream.indirect_vreg.gather [hbm4b:s8+s2], $0x80, v4, vm0, $0xb8;
	[tilespmem:$0x8080] =	vst v63  }
0x2c: {  	s1 =	rddreg [dreg:$0x7]  }
0x2d: {  	[tilespmem:s1], [sflag:$0x1] =	stream.indirect_vreg.gather [hbm4b:s9+s2], $0x80, v4, vm0, $0xb8;
	[tilespmem:$0x8080] =	vst v63  }
0x2e: {  	s6 =	rddreg [dreg:$0x8]  }
0x2f: {  	[tilespmem:s6], [sflag:$0x1] =	stream.indirect_vreg.gather [hbm4b:s10+s2], $0x80, v4, vm0, $0xb8;
	[tilespmem:$0x8080] =	vst v63  }
0x30: {  	s7 =	rddreg [dreg:$0x9]  }
0x31: {  	[tilespmem:s7], [sflag:$0x1] =	stream.indirect_vreg.gather [hbm4b:s11+s2], $0x80, v4, vm0, $0xb8;
	[tilespmem:$0x8080] =	vst v63  }
0x32: {  	s25 =	rddreg [dreg:$0xa];
	v3 =	vperm.xlane v3, v1  }
0x33: {  	[tilespmem:s25], [sflag:$0x1] =	stream.indirect_vreg.gather [hbm4b:s12+s2], $0x80, v4, vm0, $0xb8;
	[tilespmem:$0x8080] =	vst v63  }
0x34: {  	s26 =	rddreg [dreg:$0xb];
	v3 =	vadd.s32 v0, v3  }
0x35: {  	[tilespmem:s26], [sflag:$0x1] =	stream.indirect_vreg.gather [hbm4b:s13+s2], $0x80, v4, vm0, $0xb8;
	[tilespmem:$0x8080] =	vst v63  }
0x36: {  	s31 =	rddreg [dreg:$0xc]  }
0x37: {  	[tilespmem:s31], [sflag:$0x1] =	stream.indirect_vreg.gather [hbm4b:s14+s2], $0x80, v4, vm0, $0xb8;
	[tilespmem:$0x8080] =	vst v63  }
0x38: {  	_ = 	snop  }
0x39: {  	[tilespmem:s22], [sflag:$0x1] =	stream.indirect_vreg.gather [hbm4b:s19+s2], $0x80, v3, vm0, $0xb8;
	[tilespmem:$0x8080] =	vst v63  }
0x3a: {  	_ = 	snop  }
0x3b: {  	[tilespmem:s21], [sflag:$0x1] =	stream.indirect_vreg.gather [hbm4b:s8+s2], $0x80, v3, vm0, $0xb8;
	[tilespmem:$0x8080] =	vst v63  }
0x3c: {  	_ = 	snop  }
0x3d: {  	[tilespmem:s17], [sflag:$0x1] =	stream.indirect_vreg.gather [hbm4b:s9+s2], $0x80, v3, vm0, $0xb8;
	[tilespmem:$0x8080] =	vst v63  }
0x3e: {  	_ = 	snop  }
0x3f: {  	[tilespmem:s16], [sflag:$0x1] =	stream.indirect_vreg.gather [hbm4b:s10+s2], $0x80, v3, vm0, $0xb8;
	[tilespmem:$0x8080] =	vst v63  }
0x40: {  	_ = 	snop  }
0x41: {  	[tilespmem:s5], [sflag:$0x1] =	stream.indirect_vreg.gather [hbm4b:s11+s2], $0x80, v3, vm0, $0xb8;
	[tilespmem:$0x8080] =	vst v63  }
0x42: {  	_ = 	snop  }
0x43: {  	[tilespmem:s3], [sflag:$0x1] =	stream.indirect_vreg.gather [hbm4b:s12+s2], $0x80, v3, vm0, $0xb8;
	[tilespmem:$0x8080] =	vst v63  }
0x44: {  	_ = 	snop  }
0x45: {  	[tilespmem:s15], [sflag:$0x1] =	stream.indirect_vreg.gather [hbm4b:s13+s2], $0x80, v3, vm0, $0xb8;
	[tilespmem:$0x8080] =	vst v63  }
0x46: {  	_ = 	snop  }
0x47: {  	[tilespmem:s20], [sflag:$0x1] =	stream.indirect_vreg.gather [hbm4b:s14+s2], $0x80, v3, vm0, $0xb8;
	[tilespmem:$0x8080] =	vst v63  }
0x48: {  	_ =	swait.ge [sflag:s24], $0x8000  }
0x49: {  	[sflag:s24] =	ssyncset.done $0x0  }
0x4a: {  	s6 =	rddreg [dreg:$0x5];
	[sflag:s24] =	ssyncadd.s32 $0xFFFF8000  }
0x4b: {  	[hbm4b:s6+s2] =	stream.linear.scatter [tilespmem:s23], [sflag:$0x2], $0x4000, $0x38;
	[tilespmem:$0x8080] =	vst v63  }
0x4c: {  	_ =	swait.ge [sflag:s4], $0x4000  }
0x4d: {  	s23 =	sadd.s32 $0x100, s18;
	[sflag:s4] =	ssyncset.done $0x0  }
0x4e: {  	[dreg:$0x16] =	wrdreg s23;
	[sflag:s4] =	ssyncadd.s32 $0xFFFFC000  }
0x4f: {  	[hbm4b:s18+s2] =	stream.linear.scatter [tilespmem:s22], [sflag:$0x2], $0x80, $0x38;
	[tilespmem:$0x8080] =	vst v63  }
0x50: {  	s25 =	sadd.s32 $0x180, s18;
	s7 =	rddreg [dreg:$0xd];
	s22 =	sadd.s32 $0x80, s18  }
0x51: {  	[hbm4b:s22+s2] =	stream.linear.scatter [tilespmem:s7], [sflag:$0x2], $0x80, $0x38;
	[tilespmem:$0x8080] =	vst v63  }
0x52: {  	[dreg:$0x17] =	wrdreg s25  }
0x53: {  	[hbm4b:s23+s2] =	stream.linear.scatter [tilespmem:s21], [sflag:$0x2], $0x80, $0x38;
	[tilespmem:$0x8080] =	vst v63  }
0x54: {  	s6 =	sadd.s32 $0x280, s18;
	s24 =	rddreg [dreg:$0xe]  }
0x55: {  	[hbm4b:s25+s2] =	stream.linear.scatter [tilespmem:s24], [sflag:$0x2], $0x80, $0x38;
	[tilespmem:$0x8080] =	vst v63  }
0x56: {  	s26 =	sadd.s32 $0x200, s18;
	[dreg:$0x19] =	wrdreg s6  }
0x57: {  	[hbm4b:s26+s2] =	stream.linear.scatter [tilespmem:s17], [sflag:$0x2], $0x80, $0x38;
	[tilespmem:$0x8080] =	vst v63  }
0x58: {  	s31 =	rddreg [dreg:$0xf]  }
0x59: {  	[hbm4b:s6+s2] =	stream.linear.scatter [tilespmem:s31], [sflag:$0x2], $0x80, $0x38;
	[tilespmem:$0x8080] =	vst v63  }
0x5a: {  	[dreg:$0x15] =	wrdreg s22;
	s7 =	sadd.s32 $0x300, s18  }
0x5b: {  	[hbm4b:s7+s2] =	stream.linear.scatter [tilespmem:s16], [sflag:$0x2], $0x80, $0x38;
	[tilespmem:$0x8080] =	vst v63  }
0x5c: {  	s17 =	rddreg [dreg:$0x10];
	s6 =	sadd.s32 $0x380, s18  }
0x5d: {  	[hbm4b:s6+s2] =	stream.linear.scatter [tilespmem:s17], [sflag:$0x2], $0x80, $0x38;
	[tilespmem:$0x8080] =	vst v63  }
0x5e: {  	[dreg:$0x1a] =	wrdreg s7;
	s21 =	sadd.s32 $0x400, s18  }
0x5f: {  	[hbm4b:s21+s2] =	stream.linear.scatter [tilespmem:s5], [sflag:$0x2], $0x80, $0x38;
	[tilespmem:$0x8080] =	vst v63  }
0x60: {  	s30 =	simm.s32 $0x1;
	s22 =	sadd.s32 $0x480, s18;
	s7 =	rddreg [dreg:$0x11]  }
0x61: {  	[hbm4b:s22+s2] =	stream.linear.scatter [tilespmem:s7], [sflag:$0x2], $0x80, $0x38;
	[tilespmem:$0x8080] =	vst v63  }
0x62: {  	s29 =	simm.s32 $0x80;
	[dreg:$0x18] =	wrdreg s26;
	s23 =	sadd.s32 $0x500, s18  }
0x63: {  	[hbm4b:s23+s2] =	stream.linear.scatter [tilespmem:s3], [sflag:$0x2], $0x80, $0x38;
	[tilespmem:$0x8080] =	vst v63  }
0x64: {  	p1 =	sne.s32 s28, $0x1;
	s25 =	rddreg [dreg:$0x12];
	s3 =	sadd.s32 $0x580, s18  }
0x65: {  	[hbm4b:s3+s2] =	stream.linear.scatter [tilespmem:s25], [sflag:$0x2], $0x80, $0x38;
	[tilespmem:$0x8080] =	vst v63  }
0x66: {  	p0 =	por $0x1, $0x1;
	s26 =	rddreg [dreg:$0x13];
	s5 =	sadd.s32 $0x600, s18  }
0x67: {  	[hbm4b:s5+s2] =	stream.linear.scatter [tilespmem:s15], [sflag:$0x2], $0x80, $0x38;
	[tilespmem:$0x8080] =	vst v63  }
0x68: {  	s0 =	smov.u32 s22;
	[dreg:$0x1b] =	wrdreg s6;
	s6 =	sadd.s32 $0x680, s18  }
0x69: {  	[hbm4b:s6+s2] =	stream.linear.scatter [tilespmem:s26], [sflag:$0x2], $0x80, $0x38;
	[tilespmem:$0x8080] =	vst v63  }
0x6a: {  	[dreg:$0x1c] =	wrdreg s21;
	s24 =	smov.u32 s23;
	s7 =	sadd.s32 $0x700, s18  }
0x6b: {  	[hbm4b:s7+s2] =	stream.linear.scatter [tilespmem:s20], [sflag:$0x2], $0x80, $0x38;
	[tilespmem:$0x8080] =	vst v63  }
.Ltmp1:
0x6c: {  	s31 =	rddreg [dreg:$0x14];
	s16 =	sadd.s32 $0xFFFFFFFF, s28;
	(pc) =	sbr.rel @!p1 .LBB2_6-.Ltmp1, $4  }
0x6d: {  	s28 =	simm.s32 $0x4080;
	s21 =	simm.s32 $0x7080;
	s15 =	sadd.s32 $0x780, s18  }
0x6e: {  	[hbm4b:s15+s2] =	stream.linear.scatter [tilespmem:s31], [sflag:$0x2], $0x80, $0x38;
	[tilespmem:$0x8080] =	vst v63  }
0x6f: {  	s22 =	simm.s32 $0x5080;
	s23 =	simm.s32 $0x6880;
	_ =	swait.ge [sflag:s4], $0x800  }
0x70: {  	s25 =	simm.s32 $0x5880;
	s26 =	simm.s32 $0x4880;
	[sflag:s4] =	ssyncset.done $0x0  }
0x71: {  	s1 =	simm.s32 $0x6080  }
.LBB2_3:
0x72: {  	s17 =	rddreg [dreg:$0x4];
	[sflag:s4] =	ssyncadd.s32 $0xFFFFF800  }
0x73: {  	[tilespmem:s2], [sflag:$0x2] =	stream.linear.gather [hbm4b:s17+s2], $0x80, $0x38;
	[tilespmem:$0x8080] =	vst v63  }
0x74: {  	_ =	swait.ge [sflag:s4], $0x80  }
0x75: {  	[sflag:s4] =	ssyncset.done $0x0  }
0x76: {  	[sflag:s4] =	ssyncadd.s32 $0xFFFFFF80  }
0x77: {  	v3 =	vld [tilespmem:$0x0];
	_ =	sdelay $0x4  }
0x78: {  	v4 =	vshll.u32 v3, $0x4  }
0x79: {  	v3 =	vand.u32 $0x7, v3;
	v4 =	vand.u32 $0xFFFFFF80, v4  }
0x7a: {  	v3 =	vor.u32 v3, v4  }
0x7b: {  	v4 =	vperm.xlane v3, v2;
	_ =	sdelay $0x1  }
0x7c: {  	v4 =	vadd.s32 v0, v4;
	_ =	sdelay $0x4  }
0x7d: {  	[tilespmem:s29], [sflag:$0x1] =	stream.indirect_vreg.gather [hbm4b:s19+s2], $0x80, v4, vm0, $0xb8;
	[tilespmem:$0x8080] =	vst v63  }
0x7e: {  	s31 =	rddreg [dreg:$0x6]  }
0x7f: {  	[tilespmem:s31], [sflag:$0x1] =	stream.indirect_vreg.gather [hbm4b:s8+s2], $0x80, v4, vm0, $0xb8;
	[tilespmem:$0x8080] =	vst v63  }
0x80: {  	s20 =	smov.u32 s19;
	s19 =	smov.u32 s18;
	s18 =	rddreg [dreg:$0x7]  }
0x81: {  	[tilespmem:s18], [sflag:$0x1] =	stream.indirect_vreg.gather [hbm4b:s9+s2], $0x80, v4, vm0, $0xb8;
	[tilespmem:$0x8080] =	vst v63  }
0x82: {  	s31 =	rddreg [dreg:$0x8]  }
0x83: {  	[tilespmem:s31], [sflag:$0x1] =	stream.indirect_vreg.gather [hbm4b:s10+s2], $0x80, v4, vm0, $0xb8;
	[tilespmem:$0x8080] =	vst v63  }
0x84: {  	s18 =	rddreg [dreg:$0x9]  }
0x85: {  	[tilespmem:s18], [sflag:$0x1] =	stream.indirect_vreg.gather [hbm4b:s11+s2], $0x80, v4, vm0, $0xb8;
	[tilespmem:$0x8080] =	vst v63  }
0x86: {  	v3 =	vperm.xlane v3, v1;
	s31 =	rddreg [dreg:$0xa]  }
0x87: {  	[tilespmem:s31], [sflag:$0x1] =	stream.indirect_vreg.gather [hbm4b:s12+s2], $0x80, v4, vm0, $0xb8;
	[tilespmem:$0x8080] =	vst v63  }
0x88: {  	v3 =	vadd.s32 v0, v3;
	s18 =	rddreg [dreg:$0xb]  }
0x89: {  	[tilespmem:s18], [sflag:$0x1] =	stream.indirect_vreg.gather [hbm4b:s13+s2], $0x80, v4, vm0, $0xb8;
	[tilespmem:$0x8080] =	vst v63  }
0x8a: {  	s31 =	rddreg [dreg:$0xc]  }
0x8b: {  	[tilespmem:s31], [sflag:$0x1] =	stream.indirect_vreg.gather [hbm4b:s14+s2], $0x80, v4, vm0, $0xb8;
	[tilespmem:$0x8080] =	vst v63  }
0x8c: {  	s18 =	smov.u32 s19;
	s19 =	smov.u32 s20  }
0x8d: {  	[tilespmem:s28], [sflag:$0x1] =	stream.indirect_vreg.gather [hbm4b:s19+s2], $0x80, v3, vm0, $0xb8;
	[tilespmem:$0x8080] =	vst v63  }
0x8e: {  	_ = 	snop  }
0x8f: {  	[tilespmem:s26], [sflag:$0x1] =	stream.indirect_vreg.gather [hbm4b:s8+s2], $0x80, v3, vm0, $0xb8;
	[tilespmem:$0x8080] =	vst v63  }
0x90: {  	_ = 	snop  }
0x91: {  	[tilespmem:s22], [sflag:$0x1] =	stream.indirect_vreg.gather [hbm4b:s9+s2], $0x80, v3, vm0, $0xb8;
	[tilespmem:$0x8080] =	vst v63  }
0x92: {  	_ = 	snop  }
0x93: {  	[tilespmem:s25], [sflag:$0x1] =	stream.indirect_vreg.gather [hbm4b:s10+s2], $0x80, v3, vm0, $0xb8;
	[tilespmem:$0x8080] =	vst v63  }
0x94: {  	_ = 	snop  }
0x95: {  	[tilespmem:s1], [sflag:$0x1] =	stream.indirect_vreg.gather [hbm4b:s11+s2], $0x80, v3, vm0, $0xb8;
	[tilespmem:$0x8080] =	vst v63  }
0x96: {  	_ = 	snop  }
0x97: {  	[tilespmem:s23], [sflag:$0x1] =	stream.indirect_vreg.gather [hbm4b:s12+s2], $0x80, v3, vm0, $0xb8;
	[tilespmem:$0x8080] =	vst v63  }
0x98: {  	_ = 	snop  }
0x99: {  	[tilespmem:s21], [sflag:$0x1] =	stream.indirect_vreg.gather [hbm4b:s13+s2], $0x80, v3, vm0, $0xb8;
	[tilespmem:$0x8080] =	vst v63  }
0x9a: {  	s20 =	simm.s32 $0x7880  }
0x9b: {  	[tilespmem:s20], [sflag:$0x1] =	stream.indirect_vreg.gather [hbm4b:s14+s2], $0x80, v3, vm0, $0xb8;
	[tilespmem:$0x8080] =	vst v63  }
0x9c: {  	_ =	swait.ge [sflag:s30], $0x8000  }
0x9d: {  	[sflag:s30] =	ssyncset.done $0x0  }
0x9e: {  	s31 =	rddreg [dreg:$0x5];
	[sflag:s30] =	ssyncadd.s32 $0xFFFF8000  }
0x9f: {  	[hbm4b:s31+s2] =	stream.linear.scatter [tilespmem:s29], [sflag:$0x2], $0x4000, $0x38;
	[tilespmem:$0x8080] =	vst v63  }
0xa0: {  	_ =	swait.ge [sflag:s4], $0x4000  }
0xa1: {  	[sflag:s4] =	ssyncset.done $0x0  }
0xa2: {  	s17 =	rddreg [dreg:$0xd];
	[sflag:s4] =	ssyncadd.s32 $0xFFFFC000  }
0xa3: {  	[hbm4b:s18+s2] =	stream.linear.scatter [tilespmem:s28], [sflag:$0x2], $0x80, $0x38;
	[tilespmem:$0x8080] =	vst v63  }
0xa4: {  	s31 =	rddreg [dreg:$0x15]  }
0xa5: {  	[hbm4b:s31+s2] =	stream.linear.scatter [tilespmem:s17], [sflag:$0x2], $0x80, $0x38;
	[tilespmem:$0x8080] =	vst v63  }
0xa6: {  	s17 =	rddreg [dreg:$0xe]  }
0xa7: {  	s31 =	rddreg [dreg:$0x16]  }
0xa8: {  	[hbm4b:s31+s2] =	stream.linear.scatter [tilespmem:s26], [sflag:$0x2], $0x80, $0x38;
	[tilespmem:$0x8080] =	vst v63  }
0xa9: {  	s31 =	rddreg [dreg:$0x17]  }
0xaa: {  	[hbm4b:s31+s2] =	stream.linear.scatter [tilespmem:s17], [sflag:$0x2], $0x80, $0x38;
	[tilespmem:$0x8080] =	vst v63  }
0xab: {  	s17 =	rddreg [dreg:$0xf]  }
0xac: {  	s31 =	rddreg [dreg:$0x18]  }
0xad: {  	[hbm4b:s31+s2] =	stream.linear.scatter [tilespmem:s22], [sflag:$0x2], $0x80, $0x38;
	[tilespmem:$0x8080] =	vst v63  }
0xae: {  	s31 =	rddreg [dreg:$0x19]  }
0xaf: {  	[hbm4b:s31+s2] =	stream.linear.scatter [tilespmem:s17], [sflag:$0x2], $0x80, $0x38;
	[tilespmem:$0x8080] =	vst v63  }
0xb0: {  	s17 =	rddreg [dreg:$0x10]  }
0xb1: {  	s31 =	rddreg [dreg:$0x1a]  }
0xb2: {  	[hbm4b:s31+s2] =	stream.linear.scatter [tilespmem:s25], [sflag:$0x2], $0x80, $0x38;
	[tilespmem:$0x8080] =	vst v63  }
0xb3: {  	s31 =	rddreg [dreg:$0x1b]  }
0xb4: {  	[hbm4b:s31+s2] =	stream.linear.scatter [tilespmem:s17], [sflag:$0x2], $0x80, $0x38;
	[tilespmem:$0x8080] =	vst v63  }
0xb5: {  	s31 =	rddreg [dreg:$0x1c]  }
0xb6: {  	[hbm4b:s31+s2] =	stream.linear.scatter [tilespmem:s1], [sflag:$0x2], $0x80, $0x38;
	[tilespmem:$0x8080] =	vst v63  }
0xb7: {  	s17 =	rddreg [dreg:$0x11]  }
0xb8: {  	[hbm4b:s0+s2] =	stream.linear.scatter [tilespmem:s17], [sflag:$0x2], $0x80, $0x38;
	[tilespmem:$0x8080] =	vst v63  }
0xb9: {  	_ = 	snop  }
0xba: {  	[hbm4b:s24+s2] =	stream.linear.scatter [tilespmem:s23], [sflag:$0x2], $0x80, $0x38;
	[tilespmem:$0x8080] =	vst v63  }
0xbb: {  	s31 =	rddreg [dreg:$0x12]  }
0xbc: {  	[hbm4b:s3+s2] =	stream.linear.scatter [tilespmem:s31], [sflag:$0x2], $0x80, $0x38;
	[tilespmem:$0x8080] =	vst v63  }
0xbd: {  	_ = 	snop  }
0xbe: {  	[hbm4b:s5+s2] =	stream.linear.scatter [tilespmem:s21], [sflag:$0x2], $0x80, $0x38;
	[tilespmem:$0x8080] =	vst v63  }
0xbf: {  	s31 =	rddreg [dreg:$0x13]  }
0xc0: {  	[hbm4b:s6+s2] =	stream.linear.scatter [tilespmem:s31], [sflag:$0x2], $0x80, $0x38;
	[tilespmem:$0x8080] =	vst v63  }
0xc1: {  	p1 =	sne.s32 s16, $0x1  }
0xc2: {  	[hbm4b:s7+s2] =	stream.linear.scatter [tilespmem:s20], [sflag:$0x2], $0x80, $0x38;
	[tilespmem:$0x8080] =	vst v63  }
.Ltmp2:
0xc3: {  	_ = 	snop;
	(pc) =	sbr.rel @p1 .LBB2_3-.Ltmp2, $4  }
0xc4: {  	s31 =	rddreg [dreg:$0x14]  }
0xc5: {  	[hbm4b:s15+s2] =	stream.linear.scatter [tilespmem:s31], [sflag:$0x2], $0x80, $0x38;
	[tilespmem:$0x8080] =	vst v63  }
0xc6: {  	_ =	swait.ge [sflag:s4], $0x800  }
0xc7: {  	s16 =	sadd.s32 $0xFFFFFFFF, s16;
	[sflag:s4] =	ssyncset.done $0x0  }
0xc8: {  	s6 =	stileid.u32;
	s7 =	rddreg [dreg:$0x3]  }
0xc9: {  	s15 =	simm.s32 $0x7080;
	s3 =	simm.s32 $0x6880;
	s5 =	simm.s32 $0x6080  }
0xca: {  	s16 =	simm.s32 $0x5880;
	s17 =	simm.s32 $0x5080;
	s21 =	simm.s32 $0x4880  }
0xcb: {  	s22 =	simm.s32 $0x4080;
	s23 =	simm.s32 $0x80;
	s24 =	simm.s32 $0x1  }
.LBB2_5:
0xcc: {  	s0 =	rddreg [dreg:$0x4];
	[sflag:s4] =	ssyncadd.s32 @p0 $0xFFFFF800  }
0xcd: {  	[tilespmem:s2], [sflag:$0x2] =	stream.linear.gather [hbm4b:s0+s2], $0x80, $0x38;
	[tilespmem:$0x8080] =	vst v63  }
0xce: {  	_ =	swait.ge [sflag:s4], $0x80  }
0xcf: {  	[sflag:s4] =	ssyncset.done $0x0  }
0xd0: {  	[sflag:s4] =	ssyncadd.s32 $0xFFFFFF80  }
0xd1: {  	v3 =	vld [tilespmem:$0x0];
	_ =	sdelay $0x4  }
0xd2: {  	v4 =	vshll.u32 v3, $0x4  }
0xd3: {  	v3 =	vand.u32 $0x7, v3;
	v4 =	vand.u32 $0xFFFFFF80, v4  }
0xd4: {  	v3 =	vor.u32 v3, v4  }
0xd5: {  	v2 =	vperm.xlane v3, v2;
	_ =	sdelay $0x1  }
0xd6: {  	v2 =	vadd.s32 v0, v2;
	_ =	sdelay $0x4  }
0xd7: {  	[tilespmem:s23], [sflag:$0x1] =	stream.indirect_vreg.gather [hbm4b:s19+s2], $0x80, v2, vm0, $0xb8;
	[tilespmem:$0x8080] =	vst v63  }
0xd8: {  	s29 =	rddreg [dreg:$0x6]  }
0xd9: {  	[tilespmem:s29], [sflag:$0x1] =	stream.indirect_vreg.gather [hbm4b:s8+s2], $0x80, v2, vm0, $0xb8;
	[tilespmem:$0x8080] =	vst v63  }
0xda: {  	s1 =	rddreg [dreg:$0x7]  }
0xdb: {  	[tilespmem:s1], [sflag:$0x1] =	stream.indirect_vreg.gather [hbm4b:s9+s2], $0x80, v2, vm0, $0xb8;
	[tilespmem:$0x8080] =	vst v63  }
0xdc: {  	s30 =	rddreg [dreg:$0x8]  }
0xdd: {  	[tilespmem:s30], [sflag:$0x1] =	stream.indirect_vreg.gather [hbm4b:s10+s2], $0x80, v2, vm0, $0xb8;
	[tilespmem:$0x8080] =	vst v63  }
0xde: {  	s31 =	rddreg [dreg:$0x9]  }
0xdf: {  	[tilespmem:s31], [sflag:$0x1] =	stream.indirect_vreg.gather [hbm4b:s11+s2], $0x80, v2, vm0, $0xb8;
	[tilespmem:$0x8080] =	vst v63  }
0xe0: {  	s25 =	rddreg [dreg:$0xa];
	v1 =	vperm.xlane v3, v1  }
0xe1: {  	[tilespmem:s25], [sflag:$0x1] =	stream.indirect_vreg.gather [hbm4b:s12+s2], $0x80, v2, vm0, $0xb8;
	[tilespmem:$0x8080] =	vst v63  }
0xe2: {  	s26 =	rddreg [dreg:$0xb];
	v63 =	vadd.s32 v0, v1  }
0xe3: {  	[tilespmem:s26], [sflag:$0x1] =	stream.indirect_vreg.gather [hbm4b:s13+s2], $0x80, v2, vm0, $0xb8;
	[tilespmem:$0x8080] =	vst v63  }
0xe4: {  	s28 =	rddreg [dreg:$0xc]  }
0xe5: {  	[tilespmem:s28], [sflag:$0x1] =	stream.indirect_vreg.gather [hbm4b:s14+s2], $0x80, v2, vm0, $0xb8;
	[tilespmem:$0x8080] =	vst v63  }
0xe6: {  	_ = 	snop  }
0xe7: {  	[tilespmem:s22], [sflag:$0x1] =	stream.indirect_vreg.gather [hbm4b:s19+s2], $0x80, v63, vm0, $0xb8;
	[tilespmem:$0x8080] =	vst v63  }
0xe8: {  	_ = 	snop  }
0xe9: {  	[tilespmem:s21], [sflag:$0x1] =	stream.indirect_vreg.gather [hbm4b:s8+s2], $0x80, v63, vm0, $0xb8;
	[tilespmem:$0x8080] =	vst v63  }
0xea: {  	_ = 	snop  }
0xeb: {  	[tilespmem:s17], [sflag:$0x1] =	stream.indirect_vreg.gather [hbm4b:s9+s2], $0x80, v63, vm0, $0xb8;
	[tilespmem:$0x8080] =	vst v63  }
0xec: {  	_ = 	snop  }
0xed: {  	[tilespmem:s16], [sflag:$0x1] =	stream.indirect_vreg.gather [hbm4b:s10+s2], $0x80, v63, vm0, $0xb8;
	[tilespmem:$0x8080] =	vst v63  }
0xee: {  	_ = 	snop  }
0xef: {  	[tilespmem:s5], [sflag:$0x1] =	stream.indirect_vreg.gather [hbm4b:s11+s2], $0x80, v63, vm0, $0xb8;
	[tilespmem:$0x8080] =	vst v63  }
0xf0: {  	_ = 	snop  }
0xf1: {  	[tilespmem:s3], [sflag:$0x1] =	stream.indirect_vreg.gather [hbm4b:s12+s2], $0x80, v63, vm0, $0xb8;
	[tilespmem:$0x8080] =	vst v63  }
0xf2: {  	_ = 	snop  }
0xf3: {  	[tilespmem:s15], [sflag:$0x1] =	stream.indirect_vreg.gather [hbm4b:s13+s2], $0x80, v63, vm0, $0xb8;
	[tilespmem:$0x8080] =	vst v63  }
0xf4: {  	_ = 	snop  }
0xf5: {  	[tilespmem:s20], [sflag:$0x1] =	stream.indirect_vreg.gather [hbm4b:s14+s2], $0x80, v63, vm0, $0xb8;
	[tilespmem:$0x8080] =	vst v63  }
0xf6: {  	_ =	swait.ge [sflag:s24], $0x8000  }
0xf7: {  	[sflag:s24] =	ssyncset.done $0x0  }
0xf8: {  	s29 =	rddreg [dreg:$0x5];
	[sflag:s24] =	ssyncadd.s32 $0xFFFF8000  }
0xf9: {  	[hbm4b:s29+s2] =	stream.linear.scatter [tilespmem:s23], [sflag:$0x2], $0x4000, $0x38;
	[tilespmem:$0x8080] =	vst v63  }
0xfa: {  	_ =	swait.ge [sflag:s4], $0x4000  }
0xfb: {  	[sflag:s4] =	ssyncset.done $0x0  }
0xfc: {  	[sflag:s4] =	ssyncadd.s32 $0xFFFFC000  }
0xfd: {  	[hbm4b:s18+s2] =	stream.linear.scatter [tilespmem:s22], [sflag:$0x2], $0x80, $0x38;
	[tilespmem:$0x8080] =	vst v63  }
0xfe: {  	s31 =	sadd.s32 $0x80, s18;
	s30 =	rddreg [dreg:$0xd]  }
0xff: {  	[hbm4b:s31+s2] =	stream.linear.scatter [tilespmem:s30], [sflag:$0x2], $0x80, $0x38;
	[tilespmem:$0x8080] =	vst v63  }
0x100: {  	s1 =	sadd.s32 $0x100, s18  }
0x101: {  	[hbm4b:s1+s2] =	stream.linear.scatter [tilespmem:s21], [sflag:$0x2], $0x80, $0x38;
	[tilespmem:$0x8080] =	vst v63  }
0x102: {  	s9 =	sadd.s32 $0x180, s18;
	s8 =	rddreg [dreg:$0xe]  }
0x103: {  	[hbm4b:s9+s2] =	stream.linear.scatter [tilespmem:s8], [sflag:$0x2], $0x80, $0x38;
	[tilespmem:$0x8080] =	vst v63  }
0x104: {  	s10 =	sadd.s32 $0x200, s18  }
0x105: {  	[hbm4b:s10+s2] =	stream.linear.scatter [tilespmem:s17], [sflag:$0x2], $0x80, $0x38;
	[tilespmem:$0x8080] =	vst v63  }
0x106: {  	s12 =	sadd.s32 $0x280, s18;
	s11 =	rddreg [dreg:$0xf]  }
0x107: {  	[hbm4b:s12+s2] =	stream.linear.scatter [tilespmem:s11], [sflag:$0x2], $0x80, $0x38;
	[tilespmem:$0x8080] =	vst v63  }
0x108: {  	s13 =	sadd.s32 $0x300, s18  }
0x109: {  	[hbm4b:s13+s2] =	stream.linear.scatter [tilespmem:s16], [sflag:$0x2], $0x80, $0x38;
	[tilespmem:$0x8080] =	vst v63  }
0x10a: {  	s14 =	rddreg [dreg:$0x10];
	s16 =	sadd.s32 $0x380, s18  }
0x10b: {  	[hbm4b:s16+s2] =	stream.linear.scatter [tilespmem:s14], [sflag:$0x2], $0x80, $0x38;
	[tilespmem:$0x8080] =	vst v63  }
0x10c: {  	s17 =	sadd.s32 $0x400, s18  }
0x10d: {  	[hbm4b:s17+s2] =	stream.linear.scatter [tilespmem:s5], [sflag:$0x2], $0x80, $0x38;
	[tilespmem:$0x8080] =	vst v63  }
0x10e: {  	s19 =	rddreg [dreg:$0x11];
	s21 =	sadd.s32 $0x480, s18  }
0x10f: {  	[hbm4b:s21+s2] =	stream.linear.scatter [tilespmem:s19], [sflag:$0x2], $0x80, $0x38;
	[tilespmem:$0x8080] =	vst v63  }
0x110: {  	s22 =	sadd.s32 $0x500, s18  }
0x111: {  	[hbm4b:s22+s2] =	stream.linear.scatter [tilespmem:s3], [sflag:$0x2], $0x80, $0x38;
	[tilespmem:$0x8080] =	vst v63  }
0x112: {  	s24 =	sadd.s32 $0x580, s18;
	s23 =	rddreg [dreg:$0x12]  }
0x113: {  	[hbm4b:s24+s2] =	stream.linear.scatter [tilespmem:s23], [sflag:$0x2], $0x80, $0x38;
	[tilespmem:$0x8080] =	vst v63  }
0x114: {  	s25 =	sadd.s32 $0x600, s18  }
0x115: {  	[hbm4b:s25+s2] =	stream.linear.scatter [tilespmem:s15], [sflag:$0x2], $0x80, $0x38;
	[tilespmem:$0x8080] =	vst v63  }
0x116: {  	s28 =	sadd.s32 $0x680, s18;
	s26 =	rddreg [dreg:$0x13]  }
0x117: {  	[hbm4b:s28+s2] =	stream.linear.scatter [tilespmem:s26], [sflag:$0x2], $0x80, $0x38;
	[tilespmem:$0x8080] =	vst v63  }
0x118: {  	s29 =	sadd.s32 $0x700, s18  }
0x119: {  	[hbm4b:s29+s2] =	stream.linear.scatter [tilespmem:s20], [sflag:$0x2], $0x80, $0x38;
	[tilespmem:$0x8080] =	vst v63  }
0x11a: {  	s30 =	rddreg [dreg:$0x14];
	s31 =	sadd.s32 $0x780, s18  }
0x11b: {  	[hbm4b:s31+s2] =	stream.linear.scatter [tilespmem:s30], [sflag:$0x2], $0x80, $0x38;
	[tilespmem:$0x8080] =	vst v63  }
0x11c: {  	_ =	swait.ge [sflag:s4], $0x800  }
0x11d: {  	[sflag:s4] =	ssyncset.done $0x0  }
0x11e: {  	[sflag:s4] =	ssyncadd.s32 $0xFFFFF800  }
0x11f: {  	_ =	sfence.sel $0x180000  }
0x120: {  	[bflag:$0x0] =	sbarrier.arrive $0xFFFF  }
0x121: {  	p0 =	sne.s32 s6, $0x0;
	_ =	strace $0x90000047  }
0x122: {  	s0 =	sadd.s32 @!p0 $0x100000, s7;
	[bflag:$0x2] =	sbarrier.arrive $0xFFFF  }
0x123: {  	[sflag:s0] =	ssyncadd.tile.s32 @!p0 $0x1;
	_ =	shalt  }
.LBB2_6:
.Ltmp3:
0x124: {  	(pc) =	sbr.rel .LBB2_5-.Ltmp3, $4  }
0x125: {  	s6 =	stileid.u32;
	s7 =	rddreg [dreg:$0x3]  }
0x126: {  	s15 =	simm.s32 $0x7080;
	s3 =	simm.s32 $0x6880;
	s5 =	simm.s32 $0x6080  }
0x127: {  	s16 =	simm.s32 $0x5880;
	s17 =	simm.s32 $0x5080;
	s21 =	simm.s32 $0x4880  }
0x128: {  	s22 =	simm.s32 $0x4080;
	s23 =	simm.s32 $0x80;
	s24 =	simm.s32 $0x1  }
.Lfunc_end2:
_tile_overlayer_lowered:
.L_overlay_start_2:
0x129: {  	(tag) =	ssettag $0x2  }
0x12a: {  	s0 =	rddreg [dreg:$0x0];
	s2 =	stileid.u32  }
0x12b: {  	s1 =	rddreg [dreg:$0x1];
	p0 =	sne.s32 s2, $0x0  }
0x12c: {  	s3 =	rddreg [dreg:$0x2];
	[bflag:$0x3] =	sbarrier.arrive $0xFFFF;
	s2 =	simm.s32 @!p0 $0x1C02  }
0x12d: {  	[timem:s3], [sflag:s2] =	dma.local @!p0 [hbm:s0], s1  }
0x12e: {  	s0 =	simm.s32 @!p0 $0x2  }
0x12f: {  	_ =	swait.ge @!p0 [sflag:s0], s1  }
0x130: {  	s1 =	ssub.s32 @!p0 $0x0, s1;
	[sflag:s0] =	ssyncset.done @!p0 $0x0  }
0x131: {  	[sflag:s0] =	ssyncadd.s32 @!p0 s1  }
0x132: {  	[bflag:$0x3] =	sbarrier.arrive $0xFFFF  }
0x133: {  	_ =	shalt  }

</sc_bundles>
